<compile_context>
chip_gen: v7x
topology: tpu7x:2x2x1
jax: 0.10.2.dev20260603
libtpu: 0.0.44.dev20260713+nightly
codegen_flags: <defaults>
</compile_context>

<pallas_src>
import functools

import jax
import jax.numpy as jnp
from jax import lax
from jax.experimental import pallas as pl
from jax.experimental.pallas import tpu as pltpu
from jax.experimental.pallas import tpu_sc as plsc

_N = 10000
_E = 320000
_H = 128
_R = 400
_B = 1024

_NC = 2
_NS = 16
_EPW = _E // (_NC * _NS)
_SP = 2000
_NSPAN = _EPW // _SP
_NSUP = 5
_C = 32
_CAP = 2048
_MASK = _CAP - 1
_THR = _CAP - 400 - 2 * _C
_AN = 10016
_TPS = _B // _NS
_DUMMY = _N


def _mm_body(x_ref, r_ref, w_ref, o1_ref, o2_ref):
    i = pl.program_id(0)
    o1_ref[...] = jnp.dot(x_ref[...], w_ref[0:_H, :],
                          preferred_element_type=jnp.float32)

    @pl.when(i == 0)
    def _():
        o2_ref[...] = jnp.dot(r_ref[...], w_ref[_H:2 * _H, :],
                              preferred_element_type=jnp.float32)


def _make_tables(ent, rel, w_msg):
    return pl.pallas_call(
        _mm_body,
        grid=(5,),
        in_specs=[
            pl.BlockSpec((2000, _H), lambda i: (i, 0)),
            pl.BlockSpec((_R, _H), lambda i: (0, 0)),
            pl.BlockSpec((2 * _H, _H), lambda i: (0, 0)),
        ],
        out_specs=[
            pl.BlockSpec((2000, _H), lambda i: (i, 0)),
            pl.BlockSpec((_R, _H), lambda i: (0, 0)),
        ],
        out_shape=[jax.ShapeDtypeStruct((_N, _H), jnp.float32),
                   jax.ShapeDtypeStruct((_R, _H), jnp.float32)],
    )(ent, rel, w_msg)


def _sc_body(table1, table2, eidx, relh, tgth, enth,
             part, degpart, enttgt,
             accm, accd,
             rsrc, rdst, rrel, csrc, cdst, crel,
             flagsv, tgtb, abuf0, abuf1, bbuf0, bbuf1,
             onesb, zdeg, dstv0, dstv1, tgtv,
             sem1, sem2, sem3, sem4):
    c = lax.axis_index("c")
    s = lax.axis_index("s")
    wid = c * _NS + s
    zero16 = jnp.zeros((16,), jnp.float32)
    izero16 = jnp.zeros((16,), jnp.int32)
    lanes = lax.iota(jnp.int32, 16)
    abufs = (abuf0, abuf1)
    bbufs = (bbuf0, bbuf1)
    dstvs = (dstv0, dstv1)
    gsems = (sem1, sem2)

    with jax.named_scope("p_zero"):
        def _init(e, carry):
            for g in range(_H // 16):
                abuf0[e, pl.ds(g * 16, 16)] = zero16
            zdeg[e, pl.ds(0, 16)] = zero16
            onesb[e, pl.ds(0, 16)] = jnp.ones((16,), jnp.float32)
            return carry
        lax.fori_loop(0, _C, _init, 0)

        nz = _AN // _C
        nmine = (nz - s + _NS - 1) // _NS

        def _zc(k, carry):
            r0 = (s + k * _NS) * _C
            pltpu.sync_copy(abuf0, accm.at[pl.ds(r0, _C)])
            pltpu.sync_copy(zdeg, accd.at[pl.ds(r0, _C)])
            return carry
        lax.fori_loop(0, nmine, _zc, 0)

    with jax.named_scope("p_flags"):
        ione16 = jnp.ones((16,), jnp.int32)

        def _fz(g, carry):
            flagsv[pl.ds(g * 16, 16)] = izero16
            return carry
        lax.fori_loop(0, (_N + 16) // 16, _fz, 0)
        pltpu.sync_copy(tgth, tgtb)

        def _fb(g, carry):
            t16 = tgtb[pl.ds(g * 16, 16)]
            plsc.store_scatter(flagsv, [t16], ione16)
            return carry
        lax.fori_loop(0, _B // 16, _fb, 0)


    with jax.named_scope("p_barrier1"):
        plsc.subcore_barrier()

    def _issue_g(k, ringoff):
        ringoff = pl.multiple_of(ringoff, _C)
        pltpu.async_copy(table1.at[csrc.at[pl.ds(ringoff, _C)]],
                         abufs[k], gsems[k])
        pltpu.async_copy(table2.at[crel.at[pl.ds(ringoff, _C)]],
                         bbufs[k], gsems[k])
        for g in range(_C // 16):
            dstvs[k][pl.ds(g * 16, 16)] = cdst[pl.ds(ringoff + g * 16, 16)]

    def _wait_g(k, ringoff):
        ringoff = pl.multiple_of(ringoff, _C)
        pltpu.make_async_copy(table1.at[csrc.at[pl.ds(ringoff, _C)]],
                              abufs[k], gsems[k]).wait()
        pltpu.make_async_copy(table2.at[crel.at[pl.ds(ringoff, _C)]],
                              bbufs[k], gsems[k]).wait()

    def _compute(k):
        a_, b_ = abufs[k], bbufs[k]

        def _erow(e, carry):
            for g in range(_H // 16):
                a = a_[e, pl.ds(g * 16, 16)]
                b = b_[e, pl.ds(g * 16, 16)]
                a_[e, pl.ds(g * 16, 16)] = jnp.maximum(a + b, 0.0)
            return carry
        lax.fori_loop(0, _C, _erow, 0)

    def _scatter(k):
        pltpu.sync_copy(abufs[k], accm.at[dstvs[k]], add=True)
        pltpu.sync_copy(onesb, accd.at[dstvs[k]], add=True)

    def _chunk_sync(ringoff):
        _issue_g(0, ringoff)
        _wait_g(0, ringoff)
        _compute(0)
        _scatter(0)

    base = wid * _EPW

    def _span(sp, carry):
        off = base + sp * _SP
        c1 = pltpu.async_copy(eidx.at[0, pl.ds(off, _SP)], rsrc, sem1)
        c2 = pltpu.async_copy(eidx.at[1, pl.ds(off, _SP)], rdst, sem2)
        c3 = pltpu.async_copy(relh.at[pl.ds(off, _SP)], rrel, sem3)
        c1.wait()
        c2.wait()
        c3.wait()

        def _super(su, carry2):
            cntv, po = carry2

            def _scan(g, cv):
                d16 = rdst[pl.ds(g * 16, 16)]
                fw = plsc.load_gather(flagsv, [d16])
                keep = fw > 0
                cum = plsc.cumsum(jnp.where(keep, 1, 0))
                pos = (cv + cum - 1) & _MASK
                plsc.store_scatter(csrc, [pos], rsrc[pl.ds(g * 16, 16)],
                                   mask=keep)
                plsc.store_scatter(cdst, [pos], d16, mask=keep)
                plsc.store_scatter(crel, [pos], rrel[pl.ds(g * 16, 16)],
                                   mask=keep)
                return cv + plsc.all_reduce_population_count(keep)
            cntv = lax.fori_loop(su * (_SP // _NSUP // 16),
                                 (su + 1) * (_SP // _NSUP // 16),
                                 _scan, cntv)

            cnt = jnp.max(cntv)
            nd = jnp.maximum((cnt - po - _THR + _C - 1) // _C, 0)

            def _dr(i, carry3):
                _chunk_sync((po + i * _C) & _MASK)
                return carry3
            lax.fori_loop(0, nd, _dr, 0)
            return (cntv, po + nd * _C)
        return lax.fori_loop(0, _NSUP, _super, carry)

    with jax.named_scope("p_scan"):
        cntv, po = lax.fori_loop(0, _NSPAN, _span,
                                 (jnp.zeros((16,), jnp.int32), jnp.int32(0)))
        cnt = jnp.max(cntv)

    with jax.named_scope("p_drain"):
        ntot = cnt - po
        nchunks = ((ntot + 2 * _C - 1) // (2 * _C)) * 2
        pend = po + nchunks * _C
        dumd = jnp.full((16,), _DUMMY, jnp.int32)
        for g in range(2 * _C // 16):
            p16 = cnt + g * 16 + lanes
            padm = p16 < pend
            pr = p16 & _MASK
            plsc.store_scatter(csrc, [pr], izero16, mask=padm)
            plsc.store_scatter(cdst, [pr], dumd, mask=padm)
            plsc.store_scatter(crel, [pr], izero16, mask=padm)

        npairs = nchunks // 2

        @pl.when(nchunks > 0)
        def _():
            _issue_g(0, po & _MASK)

        def _pair(j2, carry):
            p0 = po + 2 * j2 * _C
            _wait_g(0, p0 & _MASK)
            _issue_g(1, (p0 + _C) & _MASK)
            _compute(0)
            _scatter(0)
            _wait_g(1, (p0 + _C) & _MASK)

            @pl.when(j2 + 1 < npairs)
            def _():
                _issue_g(0, (p0 + 2 * _C) & _MASK)
            _compute(1)
            _scatter(1)
            return carry
        lax.fori_loop(0, npairs, _pair, 0)

    with jax.named_scope("p_barrier2"):
        plsc.subcore_barrier()

    with jax.named_scope("p_out"):
        tb = s * _TPS
        pltpu.sync_copy(tgth.at[pl.ds(tb, _TPS)], tgtv)
        t0 = tgtv.at[pl.ds(0, 32)]
        t1 = tgtv.at[pl.ds(32, 32)]
        g0 = pltpu.async_copy(accm.at[t0], abuf0, sem1)
        g1 = pltpu.async_copy(accm.at[t1], abuf1, sem2)
        gd0 = pltpu.async_copy(accd.at[t0], zdeg, sem3)
        gd1 = pltpu.async_copy(accd.at[t1], onesb, sem4)
        g0.wait()
        w0 = pltpu.async_copy(abuf0, part.at[c, pl.ds(tb, 32)], sem1)
        g1.wait()
        w1 = pltpu.async_copy(abuf1, part.at[c, pl.ds(tb + 32, 32)], sem2)
        gd0.wait()
        wd0 = pltpu.async_copy(zdeg, degpart.at[c, pl.ds(tb, 32)], sem3)
        gd1.wait()
        wd1 = pltpu.async_copy(onesb, degpart.at[c, pl.ds(tb + 32, 32)], sem4)
        w0.wait()
        w1.wait()
        wd0.wait()
        wd1.wait()

        @pl.when(c == 0)
        def _():
            e0 = pltpu.async_copy(enth.at[t0], bbuf0, sem1)
            e1 = pltpu.async_copy(enth.at[t1], bbuf1, sem2)
            e0.wait()
            pltpu.async_copy(bbuf0, enttgt.at[pl.ds(tb, 32)], sem1).wait()
            e1.wait()
            pltpu.async_copy(bbuf1, enttgt.at[pl.ds(tb + 32, 32)],
                             sem2).wait()


def _sc_edge(table1, table2, eidx, rels, tgt, ent):
    mesh = plsc.VectorSubcoreMesh(core_axis_name="c", subcore_axis_name="s")
    fn = pl.kernel(
        _sc_body,
        out_type=(
            jax.ShapeDtypeStruct((_NC, _B, _H), jnp.float32),
            jax.ShapeDtypeStruct((_NC, _B, 16), jnp.float32),
            jax.ShapeDtypeStruct((_B, _H), jnp.float32),
        ),
        mesh=mesh,
        compiler_params=pltpu.CompilerParams(use_tc_tiling_on_sc=False,
                                             needs_layout_passes=False),
        scratch_types=[
            pltpu.VMEM_SHARED((_AN, _H), jnp.float32),
            pltpu.VMEM_SHARED((_AN, 16), jnp.float32),
            pltpu.VMEM((_SP,), jnp.int32),
            pltpu.VMEM((_SP,), jnp.int32),
            pltpu.VMEM((_SP,), jnp.int32),
            pltpu.VMEM((_CAP,), jnp.int32),
            pltpu.VMEM((_CAP,), jnp.int32),
            pltpu.VMEM((_CAP,), jnp.int32),
            pltpu.VMEM((_N + 16, ), jnp.int32),
            pltpu.VMEM((_B,), jnp.int32),
            pltpu.VMEM((_C, _H), jnp.float32),
            pltpu.VMEM((_C, _H), jnp.float32),
            pltpu.VMEM((_C, _H), jnp.float32),
            pltpu.VMEM((_C, _H), jnp.float32),
            pltpu.VMEM((_C, 16), jnp.float32),
            pltpu.VMEM((_C, 16), jnp.float32),
            pltpu.VMEM((_C,), jnp.int32),
            pltpu.VMEM((_C,), jnp.int32),
            pltpu.VMEM((_TPS,), jnp.int32),
            pltpu.SemaphoreType.DMA,
            pltpu.SemaphoreType.DMA,
            pltpu.SemaphoreType.DMA,
            pltpu.SemaphoreType.DMA,
        ],
    )
    return fn(table1, table2, eidx, rels, tgt, ent)


def _fin_body(ap_ref, dp_ref, et_ref, ge_ref, ws_ref, fc_ref, o_ref):
    agg = ap_ref[0] + ap_ref[1]
    degs = dp_ref[0] + dp_ref[1]
    deg = jnp.maximum(degs[:, 0:1], 1.0)
    selfloop = jnp.dot(et_ref[...], ws_ref[...],
                       preferred_element_type=jnp.float32)
    h = jnp.maximum(agg / deg + selfloop, 0.0)
    fc_a = fc_ref[:, 0:_H]
    fc_b = fc_ref[:, _H:2 * _H]
    o_ref[...] = (
        lax.dot_general(h, fc_a, (((1,), (1,)), ((), ())),
                        preferred_element_type=jnp.float32)
        + lax.dot_general(ge_ref[...], fc_b, (((1,), (1,)), ((), ())),
                          preferred_element_type=jnp.float32)
    )


def _finalize(ap, dp, enttgt, global_emb, w_self, fc_w):
    return pl.pallas_call(
        _fin_body,
        out_shape=jax.ShapeDtypeStruct((_B, _H), jnp.float32),
    )(ap, dp, enttgt, global_emb, w_self, fc_w)


def kernel(ent_embeds, rel_embeds, edge_index, edge_rel, target_idx,
           global_emb, W_msg, W_self, fc_W):
    table1, table2 = _make_tables(ent_embeds, rel_embeds, W_msg)
    part, degpart, enttgt = _sc_edge(table1, table2, edge_index, edge_rel,
                                     target_idx, ent_embeds)
    return _finalize(part, degpart, enttgt, global_emb, W_self, fc_W)

# --- scband reference (transcript-rebuilt; emitter-appended) ---
"""Pipeline reference for scband-rgcnaggregator-33526514713101 (READ-ONLY COPY).

The authoritative reference and input builder live on the scoring server;
editing this copy changes nothing except your own understanding.
"""

import jax, jax.numpy as jnp
import numpy as np

N_NODES = 10000
N_EDGES = 320000
H_DIM = 128
N_REL = 400
BATCH = 1024


def setup_inputs(seed: int = 0) -> dict:
    key = jax.random.key(seed)
    ks = jax.random.split(key, 9)
    ent_embeds = jax.random.normal(ks[0], (N_NODES, H_DIM), dtype=jnp.float32) * 0.05
    rel_embeds = jax.random.normal(ks[1], (N_REL, H_DIM), dtype=jnp.float32) * 0.05
    edge_index = jax.random.randint(ks[2], (2, N_EDGES), 0, N_NODES, dtype=jnp.int32)
    edge_rel = jax.random.randint(ks[3], (N_EDGES,), 0, N_REL, dtype=jnp.int32)
    target_idx = jax.random.randint(ks[4], (BATCH,), 0, N_NODES, dtype=jnp.int32)
    global_emb = jax.random.normal(ks[5], (BATCH, H_DIM), dtype=jnp.float32) * 0.05
    W_msg = jax.random.normal(ks[6], (2 * H_DIM, H_DIM), dtype=jnp.float32) * 0.05
    W_self = jax.random.normal(ks[7], (H_DIM, H_DIM), dtype=jnp.float32) * 0.05
    fc_W = jax.random.normal(ks[8], (H_DIM, 2 * H_DIM), dtype=jnp.float32) * 0.05
    return {
        "ent_embeds": ent_embeds,
        "rel_embeds": rel_embeds,
        "edge_index": edge_index,
        "edge_rel": edge_rel,
        "target_idx": target_idx,
        "global_emb": global_emb,
        "W_msg": W_msg,
        "W_self": W_self,
        "fc_W": fc_W,
    }


def reference(ent_embeds, rel_embeds, edge_index, edge_rel, target_idx, global_emb, W_msg, W_self, fc_W):
    n_nodes = ent_embeds.shape[0]
    src = edge_index[0]
    dst = edge_index[1]
    # edge message: gather src node features and relation embeddings (batched_graph.ndata['h'], edata['e'])
    h_src = jnp.take(ent_embeds, src, axis=0)
    e_feat = jnp.take(rel_embeds, edge_rel, axis=0)
    msg = jax.nn.relu(jnp.concatenate([h_src, e_feat], axis=-1) @ W_msg)
    # scatter-add aggregation to destination nodes with degree normalization (RGCN mean aggregator)
    agg = jax.ops.segment_sum(msg, dst, num_segments=n_nodes)
    deg = jax.ops.segment_sum(jnp.ones((msg.shape[0],), dtype=jnp.float32), dst, num_segments=n_nodes)
    agg = agg / jnp.clip(deg, 1.0, None)[:, None]
    # node update with self loop (layer output stored in ndata['h'])
    h_out = jax.nn.relu(agg + ent_embeds @ W_self)
    # gather per-history target nodes: graph_info = graph_info[target_s]
    graph_info = jnp.take(h_out, target_idx, axis=0)
    # inp = torch.cat((h, g), dim=-1); fc = Linear(2*h_dim, h_dim, bias=False)
    inp = jnp.concatenate([graph_info, global_emb], axis=-1)
    out = inp @ fc_W.T
    return out

if __name__ == "__main__":
    import jax
    _d = setup_inputs()
    print(jax.jit(kernel)(*tuple(_d.values())))

</pallas_src>

<mosaic_0001>
#map = affine_map<(d0, d1) -> (0, 0)>
#map1 = affine_map<(d0, d1) -> (0)>
#map2 = affine_map<(d0, d1) -> (0, 0, 0)>
module attributes {stable_mosaic.version = 14 : i64} {
  func.func @_sc_body(%arg0: i32, %arg1: i32, %arg2: memref<10000x128xf32, #tpu.memory_space<hbm>>, %arg3: memref<400x128xf32, #tpu.memory_space<hbm>>, %arg4: memref<2x320000xi32, #tpu.memory_space<hbm>>, %arg5: memref<320000xi32, #tpu.memory_space<hbm>>, %arg6: memref<1024xi32, #tpu.memory_space<hbm>>, %arg7: memref<10000x128xf32, #tpu.memory_space<hbm>>, %arg8: memref<2x1024x128xf32, #tpu.memory_space<hbm>>, %arg9: memref<2x1024x16xf32, #tpu.memory_space<hbm>>, %arg10: memref<1024x128xf32, #tpu.memory_space<hbm>>, %arg11: memref<10016x128xf32, #tpu.memory_space<vmem_shared>>, %arg12: memref<10016x16xf32, #tpu.memory_space<vmem_shared>>, %arg13: memref<2000xi32, #tpu.memory_space<vmem>>, %arg14: memref<2000xi32, #tpu.memory_space<vmem>>, %arg15: memref<2000xi32, #tpu.memory_space<vmem>>, %arg16: memref<2048xi32, #tpu.memory_space<vmem>>, %arg17: memref<2048xi32, #tpu.memory_space<vmem>>, %arg18: memref<2048xi32, #tpu.memory_space<vmem>>, %arg19: memref<10016xi32, #tpu.memory_space<vmem>>, %arg20: memref<1024xi32, #tpu.memory_space<vmem>>, %arg21: memref<32x128xf32, #tpu.memory_space<vmem>>, %arg22: memref<32x128xf32, #tpu.memory_space<vmem>>, %arg23: memref<32x128xf32, #tpu.memory_space<vmem>>, %arg24: memref<32x128xf32, #tpu.memory_space<vmem>>, %arg25: memref<32x16xf32, #tpu.memory_space<vmem>>, %arg26: memref<32x16xf32, #tpu.memory_space<vmem>>, %arg27: memref<32xi32, #tpu.memory_space<vmem>>, %arg28: memref<32xi32, #tpu.memory_space<vmem>>, %arg29: memref<64xi32, #tpu.memory_space<vmem>>, %arg30: memref<!tpu.dma_semaphore, #tpu.memory_space<semaphore_mem>>, %arg31: memref<!tpu.dma_semaphore, #tpu.memory_space<semaphore_mem>>, %arg32: memref<!tpu.dma_semaphore, #tpu.memory_space<semaphore_mem>>, %arg33: memref<!tpu.dma_semaphore, #tpu.memory_space<semaphore_mem>>) attributes {dimension_semantics = [#tpu.dimension_semantics<core_parallel>, #tpu.dimension_semantics<subcore_parallel>], iteration_bounds = array<i64: 2, 16>, scalar_prefetch = 0 : i64, scratch_operands = 23 : i64, tpu.core_type = #tpu.core_type<sc_vector_subcore>, window_params = [{transform_indices = #map}, {transform_indices = #map}, {transform_indices = #map}, {transform_indices = #map1}, {transform_indices = #map1}, {transform_indices = #map}, {transform_indices = #map2}, {transform_indices = #map2}, {transform_indices = #map}]} {
    %mul3A = arith.constant 16 : i32
    %mul3A_0 = arith.muli %arg0, %mul3A : i32
    %add3A = arith.addi %mul3A_0, %arg1 : i32
    %broadcast_in_dim3A = arith.constant 0.000000e+00 : f32
    %broadcast_in_dim3A_1 = vector.broadcast %broadcast_in_dim3A : f32 to vector<16xf32>
    %broadcast_in_dim3A_2 = arith.constant 0 : i32
    %broadcast_in_dim3A_3 = vector.broadcast %broadcast_in_dim3A_2 : i32 to vector<16xi32>
    %iota3A = tpu.iota {dimensions = array<i32: 0>} : vector<16xi32>
    "tpu.trace_start"() <{level = 10 : i32, message = "p_zero"}> : () -> ()
    %scan3A = arith.constant 0 : i32
    %scan3A_4 = arith.constant 0 : i32
    %scan3A_5 = arith.constant 32 : i32
    %scan3A_6 = arith.addi %scan3A_4, %scan3A_5 : i32
    %scan3A_7 = arith.constant 1 : i32
    scf.for %scan3A_276 = %scan3A_4 to %scan3A_6 step %scan3A_7  : i32 {
      %swap3A = arith.index_cast %scan3A_276 : i32 to index
      %swap3A_277 = arith.constant 0 : index
      %swap3A_278 = tpu.vector_load %arg21[%swap3A, %swap3A_277] {strides = array<i32>} : memref<32x128xf32, #tpu.memory_space<vmem>>, vector<16xf32>,
      tpu.vector_store %arg21[%swap3A, %swap3A_277], %broadcast_in_dim3A_1 {strides = array<i32>} : memref<32x128xf32, #tpu.memory_space<vmem>>, vector<16xf32>,
      %swap3A_279 = arith.index_cast %scan3A_276 : i32 to index
      %swap3A_280 = arith.constant 16 : index
      %swap3A_281 = tpu.vector_load %arg21[%swap3A_279, %swap3A_280] {strides = array<i32>} : memref<32x128xf32, #tpu.memory_space<vmem>>, vector<16xf32>,
      tpu.vector_store %arg21[%swap3A_279, %swap3A_280], %broadcast_in_dim3A_1 {strides = array<i32>} : memref<32x128xf32, #tpu.memory_space<vmem>>, vector<16xf32>,
      %swap3A_282 = arith.index_cast %scan3A_276 : i32 to index
      %swap3A_283 = arith.constant 32 : index
      %swap3A_284 = tpu.vector_load %arg21[%swap3A_282, %swap3A_283] {strides = array<i32>} : memref<32x128xf32, #tpu.memory_space<vmem>>, vector<16xf32>,
      tpu.vector_store %arg21[%swap3A_282, %swap3A_283], %broadcast_in_dim3A_1 {strides = array<i32>} : memref<32x128xf32, #tpu.memory_space<vmem>>, vector<16xf32>,
      %swap3A_285 = arith.index_cast %scan3A_276 : i32 to index
      %swap3A_286 = arith.constant 48 : index
      %swap3A_287 = tpu.vector_load %arg21[%swap3A_285, %swap3A_286] {strides = array<i32>} : memref<32x128xf32, #tpu.memory_space<vmem>>, vector<16xf32>,
      tpu.vector_store %arg21[%swap3A_285, %swap3A_286], %broadcast_in_dim3A_1 {strides = array<i32>} : memref<32x128xf32, #tpu.memory_space<vmem>>, vector<16xf32>,
      %swap3A_288 = arith.index_cast %scan3A_276 : i32 to index
      %swap3A_289 = arith.constant 64 : index
      %swap3A_290 = tpu.vector_load %arg21[%swap3A_288, %swap3A_289] {strides = array<i32>} : memref<32x128xf32, #tpu.memory_space<vmem>>, vector<16xf32>,
      tpu.vector_store %arg21[%swap3A_288, %swap3A_289], %broadcast_in_dim3A_1 {strides = array<i32>} : memref<32x128xf32, #tpu.memory_space<vmem>>, vector<16xf32>,
      %swap3A_291 = arith.index_cast %scan3A_276 : i32 to index
      %swap3A_292 = arith.constant 80 : index
      %swap3A_293 = tpu.vector_load %arg21[%swap3A_291, %swap3A_292] {strides = array<i32>} : memref<32x128xf32, #tpu.memory_space<vmem>>, vector<16xf32>,
      tpu.vector_store %arg21[%swap3A_291, %swap3A_292], %broadcast_in_dim3A_1 {strides = array<i32>} : memref<32x128xf32, #tpu.memory_space<vmem>>, vector<16xf32>,
      %swap3A_294 = arith.index_cast %scan3A_276 : i32 to index
      %swap3A_295 = arith.constant 96 : index
      %swap3A_296 = tpu.vector_load %arg21[%swap3A_294, %swap3A_295] {strides = array<i32>} : memref<32x128xf32, #tpu.memory_space<vmem>>, vector<16xf32>,
      tpu.vector_store %arg21[%swap3A_294, %swap3A_295], %broadcast_in_dim3A_1 {strides = array<i32>} : memref<32x128xf32, #tpu.memory_space<vmem>>, vector<16xf32>,
      %swap3A_297 = arith.index_cast %scan3A_276 : i32 to index
      %swap3A_298 = arith.constant 112 : index
      %swap3A_299 = tpu.vector_load %arg21[%swap3A_297, %swap3A_298] {strides = array<i32>} : memref<32x128xf32, #tpu.memory_space<vmem>>, vector<16xf32>,
      tpu.vector_store %arg21[%swap3A_297, %swap3A_298], %broadcast_in_dim3A_1 {strides = array<i32>} : memref<32x128xf32, #tpu.memory_space<vmem>>, vector<16xf32>,
      %swap3A_300 = arith.index_cast %scan3A_276 : i32 to index
      %swap3A_301 = arith.constant 0 : index
      %swap3A_302 = tpu.vector_load %arg26[%swap3A_300, %swap3A_301] {strides = array<i32>} : memref<32x16xf32, #tpu.memory_space<vmem>>, vector<16xf32>,
      tpu.vector_store %arg26[%swap3A_300, %swap3A_301], %broadcast_in_dim3A_1 {strides = array<i32>} : memref<32x16xf32, #tpu.memory_space<vmem>>, vector<16xf32>,
      %broadcast_in_dim3A_303 = arith.constant 1.000000e+00 : f32
      %broadcast_in_dim3A_304 = vector.broadcast %broadcast_in_dim3A_303 : f32 to vector<16xf32>
      %swap3A_305 = arith.index_cast %scan3A_276 : i32 to index
      %swap3A_306 = arith.constant 0 : index
      %swap3A_307 = tpu.vector_load %arg25[%swap3A_305, %swap3A_306] {strides = array<i32>} : memref<32x16xf32, #tpu.memory_space<vmem>>, vector<16xf32>,
      tpu.vector_store %arg25[%swap3A_305, %swap3A_306], %broadcast_in_dim3A_304 {strides = array<i32>} : memref<32x16xf32, #tpu.memory_space<vmem>>, vector<16xf32>,
    }
    %scan3A_8 = arith.constant 32 : i32
    %sub3A = arith.constant 313 : i32
    %sub3A_9 = arith.subi %sub3A, %arg1 : i32
    %add3A_10 = arith.constant 16 : i32
    %add3A_11 = arith.addi %sub3A_9, %add3A_10 : i32
    %sub3A_12 = arith.constant 1 : i32
    %sub3A_13 = arith.subi %add3A_11, %sub3A_12 : i32
    %jit3A = arith.constant 16 : i32
    %div3A = arith.divsi %sub3A_13, %jit3A : i32
    %sign3A = arith.constant 0 : i32
    %sign3A_14 = arith.cmpi sgt, %sub3A_13, %sign3A : i32
    %sign3A_15 = arith.extui %sign3A_14 : i1 to i32
    %sign3A_16 = arith.constant 0 : i32
    %sign3A_17 = arith.cmpi slt, %sub3A_13, %sign3A_16 : i32
    %sign3A_18 = arith.extui %sign3A_17 : i1 to i32
    %sign3A_19 = arith.subi %sign3A_15, %sign3A_18 : i32
    %sign3A_20 = arith.constant 0 : i32
    %sign3A_21 = arith.cmpi sgt, %jit3A, %sign3A_20 : i32
    %sign3A_22 = arith.extui %sign3A_21 : i1 to i32
    %sign3A_23 = arith.constant 0 : i32
    %sign3A_24 = arith.cmpi slt, %jit3A, %sign3A_23 : i32
    %sign3A_25 = arith.extui %sign3A_24 : i1 to i32
    %sign3A_26 = arith.subi %sign3A_22, %sign3A_25 : i32
    %ne3A = arith.cmpi ne, %sign3A_19, %sign3A_26 : i32
    %rem3A = arith.remsi %sub3A_13, %jit3A : i32
    %ne3A_27 = arith.constant 0 : i32
    %ne3A_28 = arith.cmpi ne, %rem3A, %ne3A_27 : i32
    %and3A = arith.andi %ne3A, %ne3A_28 : i1
    %sub3A_29 = arith.constant 1 : i32
    %sub3A_30 = arith.subi %div3A, %sub3A_29 : i32
    %select_n3A = arith.select %and3A, %sub3A_30, %div3A : i32
    %while3A = arith.constant 0 : i32
    %while3A_31 = arith.constant 0 : i32
    %while3A_32 = arith.subi %select_n3A, %while3A_31 : i32
    %while3A_33 = arith.addi %while3A_31, %while3A_32 : i32
    %while3A_34 = arith.constant 1 : i32
    %while3A_35 = arith.divsi %while3A_32, %while3A_34 : i32
    %while3A_36 = arith.muli %while3A_35, %while3A_34 : i32
    %while3A_37 = arith.addi %while3A_31, %while3A_36 : i32
    %while3A_38 = arith.constant 1 : i32
    scf.for %while3A_276 = %while3A_31 to %while3A_37 step %while3A_38  : i32 {
      %mul3A_277 = arith.constant 16 : i32
      %mul3A_278 = arith.muli %while3A_276, %mul3A_277 : i32
      %add3A_279 = arith.addi %arg1, %mul3A_278 : i32
      %mul3A_280 = arith.constant 32 : i32
      %mul3A_281 = arith.muli %add3A_279, %mul3A_280 : i32
      "tpu.region"() ({
        %run_scoped3A = tpu.sem_alloc : memref<!tpu.dma_semaphore, #tpu.memory_space<semaphore_mem>>
        %dma_start3A_282 = arith.constant 0 : i32
        %dma_start3A_283 = tpu.memref_slice %arg11[%mul3A_281, %dma_start3A_282] : memref<10016x128xf32, #tpu.memory_space<vmem_shared>> -> memref<32x128xf32, #tpu.memory_space<vmem_shared>>
        %dma_start3A_284 = arith.constant 0 : i32
        %dma_start3A_285 = tpu.memref_slice %arg11[%mul3A_281, %dma_start3A_284] : memref<10016x128xf32, #tpu.memory_space<vmem_shared>> -> memref<32x128xf32, #tpu.memory_space<vmem_shared>>
        tpu.enqueue_dma source(%arg21 : memref<32x128xf32, #tpu.memory_space<vmem>>) target(%dma_start3A_285 : memref<32x128xf32, #tpu.memory_space<vmem_shared>>) target_semaphore(%run_scoped3A : memref<!tpu.dma_semaphore, #tpu.memory_space<semaphore_mem>>)
        %dma_wait3A_286 = arith.constant 0 : i32
        %dma_wait3A_287 = tpu.memref_slice %arg11[%mul3A_281, %dma_wait3A_286] : memref<10016x128xf32, #tpu.memory_space<vmem_shared>> -> memref<32x128xf32, #tpu.memory_space<vmem_shared>>
        %dma_wait3A_288 = arith.constant 0 : i32
        %dma_wait3A_289 = tpu.memref_slice %arg11[%mul3A_281, %dma_wait3A_288] : memref<10016x128xf32, #tpu.memory_space<vmem_shared>> -> memref<32x128xf32, #tpu.memory_space<vmem_shared>>
        tpu.wait_dma2 semaphore(%run_scoped3A : memref<!tpu.dma_semaphore, #tpu.memory_space<semaphore_mem>>) src(%arg21 : memref<32x128xf32, #tpu.memory_space<vmem>>) dst(%dma_wait3A_289 : memref<32x128xf32, #tpu.memory_space<vmem_shared>>)
        tpu.yield
      }) : () -> ()
      "tpu.region"() ({
        %run_scoped3A = tpu.sem_alloc : memref<!tpu.dma_semaphore, #tpu.memory_space<semaphore_mem>>
        %dma_start3A_282 = arith.constant 0 : i32
        %dma_start3A_283 = tpu.memref_slice %arg12[%mul3A_281, %dma_start3A_282] : memref<10016x16xf32, #tpu.memory_space<vmem_shared>> -> memref<32x16xf32, #tpu.memory_space<vmem_shared>>
        %dma_start3A_284 = arith.constant 0 : i32
        %dma_start3A_285 = tpu.memref_slice %arg12[%mul3A_281, %dma_start3A_284] : memref<10016x16xf32, #tpu.memory_space<vmem_shared>> -> memref<32x16xf32, #tpu.memory_space<vmem_shared>>
        tpu.enqueue_dma source(%arg26 : memref<32x16xf32, #tpu.memory_space<vmem>>) target(%dma_start3A_285 : memref<32x16xf32, #tpu.memory_space<vmem_shared>>) target_semaphore(%run_scoped3A : memref<!tpu.dma_semaphore, #tpu.memory_space<semaphore_mem>>)
        %dma_wait3A_286 = arith.constant 0 : i32
        %dma_wait3A_287 = tpu.memref_slice %arg12[%mul3A_281, %dma_wait3A_286] : memref<10016x16xf32, #tpu.memory_space<vmem_shared>> -> memref<32x16xf32, #tpu.memory_space<vmem_shared>>
        %dma_wait3A_288 = arith.constant 0 : i32
        %dma_wait3A_289 = tpu.memref_slice %arg12[%mul3A_281, %dma_wait3A_288] : memref<10016x16xf32, #tpu.memory_space<vmem_shared>> -> memref<32x16xf32, #tpu.memory_space<vmem_shared>>
        tpu.wait_dma2 semaphore(%run_scoped3A : memref<!tpu.dma_semaphore, #tpu.memory_space<semaphore_mem>>) src(%arg26 : memref<32x16xf32, #tpu.memory_space<vmem>>) dst(%dma_wait3A_289 : memref<32x16xf32, #tpu.memory_space<vmem_shared>>)
        tpu.yield
      }) : () -> ()
    }
    %while3A_39 = arith.constant 1 : i32
    scf.for %while3A_276 = %while3A_37 to %while3A_33 step %while3A_39  : i32 {
      %mul3A_277 = arith.constant 16 : i32
      %mul3A_278 = arith.muli %while3A_276, %mul3A_277 : i32
      %add3A_279 = arith.addi %arg1, %mul3A_278 : i32
      %mul3A_280 = arith.constant 32 : i32
      %mul3A_281 = arith.muli %add3A_279, %mul3A_280 : i32
      "tpu.region"() ({
        %run_scoped3A = tpu.sem_alloc : memref<!tpu.dma_semaphore, #tpu.memory_space<semaphore_mem>>
        %dma_start3A_282 = arith.constant 0 : i32
        %dma_start3A_283 = tpu.memref_slice %arg11[%mul3A_281, %dma_start3A_282] : memref<10016x128xf32, #tpu.memory_space<vmem_shared>> -> memref<32x128xf32, #tpu.memory_space<vmem_shared>>
        %dma_start3A_284 = arith.constant 0 : i32
        %dma_start3A_285 = tpu.memref_slice %arg11[%mul3A_281, %dma_start3A_284] : memref<10016x128xf32, #tpu.memory_space<vmem_shared>> -> memref<32x128xf32, #tpu.memory_space<vmem_shared>>
        tpu.enqueue_dma source(%arg21 : memref<32x128xf32, #tpu.memory_space<vmem>>) target(%dma_start3A_285 : memref<32x128xf32, #tpu.memory_space<vmem_shared>>) target_semaphore(%run_scoped3A : memref<!tpu.dma_semaphore, #tpu.memory_space<semaphore_mem>>)
        %dma_wait3A_286 = arith.constant 0 : i32
        %dma_wait3A_287 = tpu.memref_slice %arg11[%mul3A_281, %dma_wait3A_286] : memref<10016x128xf32, #tpu.memory_space<vmem_shared>> -> memref<32x128xf32, #tpu.memory_space<vmem_shared>>
        %dma_wait3A_288 = arith.constant 0 : i32
        %dma_wait3A_289 = tpu.memref_slice %arg11[%mul3A_281, %dma_wait3A_288] : memref<10016x128xf32, #tpu.memory_space<vmem_shared>> -> memref<32x128xf32, #tpu.memory_space<vmem_shared>>
        tpu.wait_dma2 semaphore(%run_scoped3A : memref<!tpu.dma_semaphore, #tpu.memory_space<semaphore_mem>>) src(%arg21 : memref<32x128xf32, #tpu.memory_space<vmem>>) dst(%dma_wait3A_289 : memref<32x128xf32, #tpu.memory_space<vmem_shared>>)
        tpu.yield
      }) : () -> ()
      "tpu.region"() ({
        %run_scoped3A = tpu.sem_alloc : memref<!tpu.dma_semaphore, #tpu.memory_space<semaphore_mem>>
        %dma_start3A_282 = arith.constant 0 : i32
        %dma_start3A_283 = tpu.memref_slice %arg12[%mul3A_281, %dma_start3A_282] : memref<10016x16xf32, #tpu.memory_space<vmem_shared>> -> memref<32x16xf32, #tpu.memory_space<vmem_shared>>
        %dma_start3A_284 = arith.constant 0 : i32
        %dma_start3A_285 = tpu.memref_slice %arg12[%mul3A_281, %dma_start3A_284] : memref<10016x16xf32, #tpu.memory_space<vmem_shared>> -> memref<32x16xf32, #tpu.memory_space<vmem_shared>>
        tpu.enqueue_dma source(%arg26 : memref<32x16xf32, #tpu.memory_space<vmem>>) target(%dma_start3A_285 : memref<32x16xf32, #tpu.memory_space<vmem_shared>>) target_semaphore(%run_scoped3A : memref<!tpu.dma_semaphore, #tpu.memory_space<semaphore_mem>>)
        %dma_wait3A_286 = arith.constant 0 : i32
        %dma_wait3A_287 = tpu.memref_slice %arg12[%mul3A_281, %dma_wait3A_286] : memref<10016x16xf32, #tpu.memory_space<vmem_shared>> -> memref<32x16xf32, #tpu.memory_space<vmem_shared>>
        %dma_wait3A_288 = arith.constant 0 : i32
        %dma_wait3A_289 = tpu.memref_slice %arg12[%mul3A_281, %dma_wait3A_288] : memref<10016x16xf32, #tpu.memory_space<vmem_shared>> -> memref<32x16xf32, #tpu.memory_space<vmem_shared>>
        tpu.wait_dma2 semaphore(%run_scoped3A : memref<!tpu.dma_semaphore, #tpu.memory_space<semaphore_mem>>) src(%arg26 : memref<32x16xf32, #tpu.memory_space<vmem>>) dst(%dma_wait3A_289 : memref<32x16xf32, #tpu.memory_space<vmem_shared>>)
        tpu.yield
      }) : () -> ()
    }
    %broadcast_in_dim3A_40 = arith.constant 1 : i32
    "tpu.trace_stop"() : () -> ()
    "tpu.trace_start"() <{level = 10 : i32, message = "p_flags"}> : () -> ()
    %broadcast_in_dim3A_41 = vector.broadcast %broadcast_in_dim3A_40 : i32 to vector<16xi32>
    %scan3A_42 = arith.constant 0 : i32
    %scan3A_43 = arith.constant 0 : i32
    %scan3A_44 = arith.constant 626 : i32
    %scan3A_45 = arith.addi %scan3A_43, %scan3A_44 : i32
    %scan3A_46 = arith.constant 1 : i32
    scf.for %scan3A_276 = %scan3A_43 to %scan3A_45 step %scan3A_46  : i32 {
      %mul3A_277 = arith.constant 16 : i32
      %mul3A_278 = arith.muli %scan3A_276, %mul3A_277 : i32
      %swap3A = arith.index_cast %mul3A_278 : i32 to index
      %swap3A_279 = tpu.vector_load %arg19[%swap3A] {strides = array<i32>} : memref<10016xi32, #tpu.memory_space<vmem>>, vector<16xi32>,
      tpu.vector_store %arg19[%swap3A], %broadcast_in_dim3A_3 {strides = array<i32>} : memref<10016xi32, #tpu.memory_space<vmem>>, vector<16xi32>,
    }
    %scan3A_47 = arith.constant 626 : i32
    "tpu.region"() ({
      %run_scoped3A = tpu.sem_alloc : memref<!tpu.dma_semaphore, #tpu.memory_space<semaphore_mem>>
      tpu.enqueue_dma source(%arg6 : memref<1024xi32, #tpu.memory_space<hbm>>) target(%arg20 : memref<1024xi32, #tpu.memory_space<vmem>>) target_semaphore(%run_scoped3A : memref<!tpu.dma_semaphore, #tpu.memory_space<semaphore_mem>>)
      tpu.wait_dma2 semaphore(%run_scoped3A : memref<!tpu.dma_semaphore, #tpu.memory_space<semaphore_mem>>) src(%arg6 : memref<1024xi32, #tpu.memory_space<hbm>>) dst(%arg20 : memref<1024xi32, #tpu.memory_space<vmem>>)
      tpu.yield
    }) : () -> ()
    %scan3A_48 = arith.constant 0 : i32
    %scan3A_49 = arith.constant 0 : i32
    %scan3A_50 = arith.constant 64 : i32
    %scan3A_51 = arith.addi %scan3A_49, %scan3A_50 : i32
    %scan3A_52 = arith.constant 1 : i32
    scf.for %scan3A_276 = %scan3A_49 to %scan3A_51 step %scan3A_52  : i32 {
      %mul3A_277 = arith.constant 16 : i32
      %mul3A_278 = arith.muli %scan3A_276, %mul3A_277 : i32
      %get3A = arith.index_cast %mul3A_278 : i32 to index
      %get3A_279 = tpu.vector_load %arg20[%get3A] {strides = array<i32>} : memref<1024xi32, #tpu.memory_space<vmem>>, vector<16xi32>,
      tpu.vector_store_idx %arg19[%get3A_279], %broadcast_in_dim3A_41 : memref<10016xi32, #tpu.memory_space<vmem>>[vector<16xi32>], vector<16xi32>,
    }
    %scan3A_53 = arith.constant 64 : i32
    "tpu.trace_stop"() : () -> ()
    "tpu.trace_start"() <{level = 10 : i32, message = "p_barrier1"}> : () -> ()
    %barrier3A = arith.constant 0 : index
    tpu.barrier barrier_id(%barrier3A)
    "tpu.trace_stop"() : () -> ()
    %mul3A_54 = arith.constant 10000 : i32
    %mul3A_55 = arith.muli %add3A, %mul3A_54 : i32
    %broadcast_in_dim3A_56 = arith.constant 0 : i32
    "tpu.trace_start"() <{level = 10 : i32, message = "p_scan"}> : () -> ()
    %broadcast_in_dim3A_57 = vector.broadcast %broadcast_in_dim3A_56 : i32 to vector<16xi32>
    %scan3A_58 = arith.constant 0 : i32
    %scan3A_59 = arith.constant 0 : i32
    %scan3A_60 = arith.constant 5 : i32
    %scan3A_61 = arith.addi %scan3A_59, %scan3A_60 : i32
    %scan3A_62 = arith.constant 1 : i32
    %scan3A_63:2 = scf.for %scan3A_276 = %scan3A_59 to %scan3A_61 step %scan3A_62 iter_args(%scan3A_277 = %broadcast_in_dim3A_57, %scan3A_278 = %scan3A_58) -> (vector<16xi32>, i32)  : i32 {
      %mul3A_279 = arith.constant 2000 : i32
      %mul3A_280 = arith.muli %scan3A_276, %mul3A_279 : i32
      %add3A_281 = arith.addi %mul3A_55, %mul3A_280 : i32
      %dma_start3A_282 = arith.constant 0 : i32
      %dma_start3A_283 = tpu.memref_slice %arg4[%dma_start3A_282, %add3A_281] : memref<2x320000xi32, #tpu.memory_space<hbm>> -> memref<1x2000xi32, #tpu.memory_space<hbm>>
      %dma_start3A_284 = tpu.memref_squeeze %dma_start3A_283 : memref<1x2000xi32, #tpu.memory_space<hbm>> -> memref<2000xi32, #tpu.memory_space<hbm>>
      %dma_start3A_285 = tpu.memref_slice %arg4[%dma_start3A_282, %add3A_281] : memref<2x320000xi32, #tpu.memory_space<hbm>> -> memref<1x2000xi32, #tpu.memory_space<hbm>>
      %dma_start3A_286 = tpu.memref_squeeze %dma_start3A_285 : memref<1x2000xi32, #tpu.memory_space<hbm>> -> memref<2000xi32, #tpu.memory_space<hbm>>
      tpu.enqueue_dma source(%dma_start3A_286 : memref<2000xi32, #tpu.memory_space<hbm>>) target(%arg13 : memref<2000xi32, #tpu.memory_space<vmem>>) target_semaphore(%arg30 : memref<!tpu.dma_semaphore, #tpu.memory_space<semaphore_mem>>)
      %dma_start3A_287 = arith.constant 1 : i32
      %dma_start3A_288 = tpu.memref_slice %arg4[%dma_start3A_287, %add3A_281] : memref<2x320000xi32, #tpu.memory_space<hbm>> -> memref<1x2000xi32, #tpu.memory_space<hbm>>
      %dma_start3A_289 = tpu.memref_squeeze %dma_start3A_288 : memref<1x2000xi32, #tpu.memory_space<hbm>> -> memref<2000xi32, #tpu.memory_space<hbm>>
      %dma_start3A_290 = tpu.memref_slice %arg4[%dma_start3A_287, %add3A_281] : memref<2x320000xi32, #tpu.memory_space<hbm>> -> memref<1x2000xi32, #tpu.memory_space<hbm>>
      %dma_start3A_291 = tpu.memref_squeeze %dma_start3A_290 : memref<1x2000xi32, #tpu.memory_space<hbm>> -> memref<2000xi32, #tpu.memory_space<hbm>>
      tpu.enqueue_dma source(%dma_start3A_291 : memref<2000xi32, #tpu.memory_space<hbm>>) target(%arg14 : memref<2000xi32, #tpu.memory_space<vmem>>) target_semaphore(%arg31 : memref<!tpu.dma_semaphore, #tpu.memory_space<semaphore_mem>>)
      %dma_start3A_292 = tpu.memref_slice %arg5[%add3A_281] : memref<320000xi32, #tpu.memory_space<hbm>> -> memref<2000xi32, #tpu.memory_space<hbm>>
      %dma_start3A_293 = tpu.memref_slice %arg5[%add3A_281] : memref<320000xi32, #tpu.memory_space<hbm>> -> memref<2000xi32, #tpu.memory_space<hbm>>
      tpu.enqueue_dma source(%dma_start3A_293 : memref<2000xi32, #tpu.memory_space<hbm>>) target(%arg15 : memref<2000xi32, #tpu.memory_space<vmem>>) target_semaphore(%arg32 : memref<!tpu.dma_semaphore, #tpu.memory_space<semaphore_mem>>)
      %dma_wait3A_294 = arith.constant 0 : i32
      %dma_wait3A_295 = tpu.memref_slice %arg4[%dma_wait3A_294, %add3A_281] : memref<2x320000xi32, #tpu.memory_space<hbm>> -> memref<1x2000xi32, #tpu.memory_space<hbm>>
      %dma_wait3A_296 = tpu.memref_squeeze %dma_wait3A_295 : memref<1x2000xi32, #tpu.memory_space<hbm>> -> memref<2000xi32, #tpu.memory_space<hbm>>
      %dma_wait3A_297 = tpu.memref_slice %arg4[%dma_wait3A_294, %add3A_281] : memref<2x320000xi32, #tpu.memory_space<hbm>> -> memref<1x2000xi32, #tpu.memory_space<hbm>>
      %dma_wait3A_298 = tpu.memref_squeeze %dma_wait3A_297 : memref<1x2000xi32, #tpu.memory_space<hbm>> -> memref<2000xi32, #tpu.memory_space<hbm>>
      tpu.wait_dma2 semaphore(%arg30 : memref<!tpu.dma_semaphore, #tpu.memory_space<semaphore_mem>>) src(%dma_wait3A_298 : memref<2000xi32, #tpu.memory_space<hbm>>) dst(%arg13 : memref<2000xi32, #tpu.memory_space<vmem>>)
      %dma_wait3A_299 = arith.constant 1 : i32
      %dma_wait3A_300 = tpu.memref_slice %arg4[%dma_wait3A_299, %add3A_281] : memref<2x320000xi32, #tpu.memory_space<hbm>> -> memref<1x2000xi32, #tpu.memory_space<hbm>>
      %dma_wait3A_301 = tpu.memref_squeeze %dma_wait3A_300 : memref<1x2000xi32, #tpu.memory_space<hbm>> -> memref<2000xi32, #tpu.memory_space<hbm>>
      %dma_wait3A_302 = tpu.memref_slice %arg4[%dma_wait3A_299, %add3A_281] : memref<2x320000xi32, #tpu.memory_space<hbm>> -> memref<1x2000xi32, #tpu.memory_space<hbm>>
      %dma_wait3A_303 = tpu.memref_squeeze %dma_wait3A_302 : memref<1x2000xi32, #tpu.memory_space<hbm>> -> memref<2000xi32, #tpu.memory_space<hbm>>
      tpu.wait_dma2 semaphore(%arg31 : memref<!tpu.dma_semaphore, #tpu.memory_space<semaphore_mem>>) src(%dma_wait3A_303 : memref<2000xi32, #tpu.memory_space<hbm>>) dst(%arg14 : memref<2000xi32, #tpu.memory_space<vmem>>)
      %dma_wait3A_304 = tpu.memref_slice %arg5[%add3A_281] : memref<320000xi32, #tpu.memory_space<hbm>> -> memref<2000xi32, #tpu.memory_space<hbm>>
      %dma_wait3A_305 = tpu.memref_slice %arg5[%add3A_281] : memref<320000xi32, #tpu.memory_space<hbm>> -> memref<2000xi32, #tpu.memory_space<hbm>>
      tpu.wait_dma2 semaphore(%arg32 : memref<!tpu.dma_semaphore, #tpu.memory_space<semaphore_mem>>) src(%dma_wait3A_305 : memref<2000xi32, #tpu.memory_space<hbm>>) dst(%arg15 : memref<2000xi32, #tpu.memory_space<vmem>>)
      %scan3A_306 = arith.constant 0 : i32
      %scan3A_307 = arith.constant 5 : i32
      %scan3A_308 = arith.addi %scan3A_306, %scan3A_307 : i32
      %scan3A_309 = arith.constant 1 : i32
      %scan3A_310:2 = scf.for %scan3A_312 = %scan3A_306 to %scan3A_308 step %scan3A_309 iter_args(%scan3A_313 = %scan3A_277, %scan3A_314 = %scan3A_278) -> (vector<16xi32>, i32)  : i32 {
        %mul3A_315 = arith.constant 25 : i32
        %mul3A_316 = arith.muli %scan3A_312, %mul3A_315 : i32
        %add3A_317 = arith.constant 1 : i32
        %add3A_318 = arith.addi %scan3A_312, %add3A_317 : i32
        %mul3A_319 = arith.constant 25 : i32
        %mul3A_320 = arith.muli %add3A_318, %mul3A_319 : i32
        %while3A_321 = arith.subi %mul3A_320, %mul3A_316 : i32
        %while3A_322 = arith.addi %mul3A_316, %while3A_321 : i32
        %while3A_323 = arith.constant 1 : i32
        %while3A_324 = arith.divsi %while3A_321, %while3A_323 : i32
        %while3A_325 = arith.muli %while3A_324, %while3A_323 : i32
        %while3A_326 = arith.addi %mul3A_316, %while3A_325 : i32
        %while3A_327 = arith.constant 1 : i32
        %while3A_328 = scf.for %while3A_384 = %mul3A_316 to %while3A_326 step %while3A_327 iter_args(%while3A_385 = %scan3A_313) -> (vector<16xi32>)  : i32 {
          %mul3A_386 = arith.constant 16 : i32
          %mul3A_387 = arith.muli %while3A_384, %mul3A_386 : i32
          %get3A = arith.index_cast %mul3A_387 : i32 to index
          %get3A_388 = tpu.vector_load %arg14[%get3A] {strides = array<i32>} : memref<2000xi32, #tpu.memory_space<vmem>>, vector<16xi32>,
          %gather3A = tpu.vector_load_idx %arg19[%get3A_388] : memref<10016xi32, #tpu.memory_space<vmem>>[vector<16xi32>], vector<16xi32>,
          %gt3A_389 = arith.constant 0 : i32
          %gt3A_390 = vector.broadcast %gt3A_389 : i32 to vector<16xi32>
          %gt3A_391 = arith.cmpi sgt, %gather3A, %gt3A_390 : vector<16xi32>
          %jit3A_392 = arith.constant 1 : i32
          %jit3A_393 = arith.constant 0 : i32
          %broadcast_in_dim3A_394 = vector.broadcast %jit3A_392 : i32 to vector<16xi32>
          %broadcast_in_dim3A_395 = vector.broadcast %jit3A_393 : i32 to vector<16xi32>
          %select_n3A_396 = arith.select %gt3A_391, %broadcast_in_dim3A_394, %broadcast_in_dim3A_395 : vector<16xi1>, vector<16xi32>
          %broadcast_in_dim3A_397 = arith.constant true
          %broadcast_in_dim3A_398 = vector.broadcast %broadcast_in_dim3A_397 : i1 to vector<16xi1>
          %masked_cumsum3A = tpu.scan <sum>, %select_n3A_396 masked %broadcast_in_dim3A_398 : vector<16xi32>, vector<16xi1> -> vector<16xi32>
          %add3A_399 = arith.addi %while3A_385, %masked_cumsum3A : vector<16xi32>
          %sub3A_400 = arith.constant 1 : i32
          %sub3A_401 = vector.broadcast %sub3A_400 : i32 to vector<16xi32>
          %sub3A_402 = arith.subi %add3A_399, %sub3A_401 : vector<16xi32>
          %and3A_403 = arith.constant 2047 : i32
          %and3A_404 = vector.broadcast %and3A_403 : i32 to vector<16xi32>
          %and3A_405 = arith.andi %sub3A_402, %and3A_404 : vector<16xi32>
          %mul3A_406 = arith.constant 16 : i32
          %mul3A_407 = arith.muli %while3A_384, %mul3A_406 : i32
          %get3A_408 = arith.index_cast %mul3A_407 : i32 to index
          %get3A_409 = tpu.vector_load %arg13[%get3A_408] {strides = array<i32>} : memref<2000xi32, #tpu.memory_space<vmem>>, vector<16xi32>,
          tpu.vector_store_idx %arg16[%and3A_405], %get3A_409 masked %gt3A_391 : memref<2048xi32, #tpu.memory_space<vmem>>[vector<16xi32>], vector<16xi32>, vector<16xi1>
          tpu.vector_store_idx %arg17[%and3A_405], %get3A_388 masked %gt3A_391 : memref<2048xi32, #tpu.memory_space<vmem>>[vector<16xi32>], vector<16xi32>, vector<16xi1>
          %mul3A_410 = arith.constant 16 : i32
          %mul3A_411 = arith.muli %while3A_384, %mul3A_410 : i32
          %get3A_412 = arith.index_cast %mul3A_411 : i32 to index
          %get3A_413 = tpu.vector_load %arg15[%get3A_412] {strides = array<i32>} : memref<2000xi32, #tpu.memory_space<vmem>>, vector<16xi32>,
          tpu.vector_store_idx %arg18[%and3A_405], %get3A_413 masked %gt3A_391 : memref<2048xi32, #tpu.memory_space<vmem>>[vector<16xi32>], vector<16xi32>, vector<16xi1>
          %all_reduce_population_count3A = tpu.all_reduce %gt3A_391 {dim = 0 : i64, kind = #tpu.reduction_kind<sum>} : vector<16xi1> -> vector<16xi32>
          %add3A_414 = arith.addi %while3A_385, %all_reduce_population_count3A : vector<16xi32>
          scf.yield %add3A_414 : vector<16xi32>
        }
        %while3A_329 = arith.constant 1 : i32
        %while3A_330 = scf.for %while3A_384 = %while3A_326 to %while3A_322 step %while3A_329 iter_args(%while3A_385 = %while3A_328) -> (vector<16xi32>)  : i32 {
          %mul3A_386 = arith.constant 16 : i32
          %mul3A_387 = arith.muli %while3A_384, %mul3A_386 : i32
          %get3A = arith.index_cast %mul3A_387 : i32 to index
          %get3A_388 = tpu.vector_load %arg14[%get3A] {strides = array<i32>} : memref<2000xi32, #tpu.memory_space<vmem>>, vector<16xi32>,
          %gather3A = tpu.vector_load_idx %arg19[%get3A_388] : memref<10016xi32, #tpu.memory_space<vmem>>[vector<16xi32>], vector<16xi32>,
          %gt3A_389 = arith.constant 0 : i32
          %gt3A_390 = vector.broadcast %gt3A_389 : i32 to vector<16xi32>
          %gt3A_391 = arith.cmpi sgt, %gather3A, %gt3A_390 : vector<16xi32>
          %jit3A_392 = arith.constant 1 : i32
          %jit3A_393 = arith.constant 0 : i32
          %broadcast_in_dim3A_394 = vector.broadcast %jit3A_392 : i32 to vector<16xi32>
          %broadcast_in_dim3A_395 = vector.broadcast %jit3A_393 : i32 to vector<16xi32>
          %select_n3A_396 = arith.select %gt3A_391, %broadcast_in_dim3A_394, %broadcast_in_dim3A_395 : vector<16xi1>, vector<16xi32>
          %broadcast_in_dim3A_397 = arith.constant true
          %broadcast_in_dim3A_398 = vector.broadcast %broadcast_in_dim3A_397 : i1 to vector<16xi1>
          %masked_cumsum3A = tpu.scan <sum>, %select_n3A_396 masked %broadcast_in_dim3A_398 : vector<16xi32>, vector<16xi1> -> vector<16xi32>
          %add3A_399 = arith.addi %while3A_385, %masked_cumsum3A : vector<16xi32>
          %sub3A_400 = arith.constant 1 : i32
          %sub3A_401 = vector.broadcast %sub3A_400 : i32 to vector<16xi32>
          %sub3A_402 = arith.subi %add3A_399, %sub3A_401 : vector<16xi32>
          %and3A_403 = arith.constant 2047 : i32
          %and3A_404 = vector.broadcast %and3A_403 : i32 to vector<16xi32>
          %and3A_405 = arith.andi %sub3A_402, %and3A_404 : vector<16xi32>
          %mul3A_406 = arith.constant 16 : i32
          %mul3A_407 = arith.muli %while3A_384, %mul3A_406 : i32
          %get3A_408 = arith.index_cast %mul3A_407 : i32 to index
          %get3A_409 = tpu.vector_load %arg13[%get3A_408] {strides = array<i32>} : memref<2000xi32, #tpu.memory_space<vmem>>, vector<16xi32>,
          tpu.vector_store_idx %arg16[%and3A_405], %get3A_409 masked %gt3A_391 : memref<2048xi32, #tpu.memory_space<vmem>>[vector<16xi32>], vector<16xi32>, vector<16xi1>
          tpu.vector_store_idx %arg17[%and3A_405], %get3A_388 masked %gt3A_391 : memref<2048xi32, #tpu.memory_space<vmem>>[vector<16xi32>], vector<16xi32>, vector<16xi1>
          %mul3A_410 = arith.constant 16 : i32
          %mul3A_411 = arith.muli %while3A_384, %mul3A_410 : i32
          %get3A_412 = arith.index_cast %mul3A_411 : i32 to index
          %get3A_413 = tpu.vector_load %arg15[%get3A_412] {strides = array<i32>} : memref<2000xi32, #tpu.memory_space<vmem>>, vector<16xi32>,
          tpu.vector_store_idx %arg18[%and3A_405], %get3A_413 masked %gt3A_391 : memref<2048xi32, #tpu.memory_space<vmem>>[vector<16xi32>], vector<16xi32>, vector<16xi1>
          %all_reduce_population_count3A = tpu.all_reduce %gt3A_391 {dim = 0 : i64, kind = #tpu.reduction_kind<sum>} : vector<16xi1> -> vector<16xi32>
          %add3A_414 = arith.addi %while3A_385, %all_reduce_population_count3A : vector<16xi32>
          scf.yield %add3A_414 : vector<16xi32>
        }
        %reduce_max3A_331 = arith.constant true
        %reduce_max3A_332 = vector.broadcast %reduce_max3A_331 : i1 to vector<16xi1>
        %reduce_max3A_333 = arith.constant -2147483648 : i32
        %reduce_max3A_334 = vector.broadcast %reduce_max3A_333 : i32 to vector<16xi32>
        %reduce_max3A_335 = arith.xori %while3A_330, %reduce_max3A_334 : vector<16xi32>
        %reduce_max3A_336 = tpu.scan <max>, %reduce_max3A_335 masked %reduce_max3A_332 : vector<16xi32>, vector<16xi1> -> vector<16xi32>
        %reduce_max3A_337 = arith.xori %reduce_max3A_336, %reduce_max3A_334 : vector<16xi32>
        %reduce_max3A_338 = vector.extract %reduce_max3A_337[15] : i32 from vector<16xi32>
        %sub3A_339 = arith.subi %reduce_max3A_338, %scan3A_314 : i32
        %sub3A_340 = arith.constant 1584 : i32
        %sub3A_341 = arith.subi %sub3A_339, %sub3A_340 : i32
        %add3A_342 = arith.constant 32 : i32
        %add3A_343 = arith.addi %sub3A_341, %add3A_342 : i32
        %sub3A_344 = arith.constant 1 : i32
        %sub3A_345 = arith.subi %add3A_343, %sub3A_344 : i32
        %jit3A_346 = arith.constant 32 : i32
        %div3A_347 = arith.divsi %sub3A_345, %jit3A_346 : i32
        %sign3A_348 = arith.constant 0 : i32
        %sign3A_349 = arith.cmpi sgt, %sub3A_345, %sign3A_348 : i32
        %sign3A_350 = arith.extui %sign3A_349 : i1 to i32
        %sign3A_351 = arith.constant 0 : i32
        %sign3A_352 = arith.cmpi slt, %sub3A_345, %sign3A_351 : i32
        %sign3A_353 = arith.extui %sign3A_352 : i1 to i32
        %sign3A_354 = arith.subi %sign3A_350, %sign3A_353 : i32
        %sign3A_355 = arith.constant 0 : i32
        %sign3A_356 = arith.cmpi sgt, %jit3A_346, %sign3A_355 : i32
        %sign3A_357 = arith.extui %sign3A_356 : i1 to i32
        %sign3A_358 = arith.constant 0 : i32
        %sign3A_359 = arith.cmpi slt, %jit3A_346, %sign3A_358 : i32
        %sign3A_360 = arith.extui %sign3A_359 : i1 to i32
        %sign3A_361 = arith.subi %sign3A_357, %sign3A_360 : i32
        %ne3A_362 = arith.cmpi ne, %sign3A_354, %sign3A_361 : i32
        %rem3A_363 = arith.remsi %sub3A_345, %jit3A_346 : i32
        %ne3A_364 = arith.constant 0 : i32
        %ne3A_365 = arith.cmpi ne, %rem3A_363, %ne3A_364 : i32
        %and3A_366 = arith.andi %ne3A_362, %ne3A_365 : i1
        %sub3A_367 = arith.constant 1 : i32
        %sub3A_368 = arith.subi %div3A_347, %sub3A_367 : i32
        %select_n3A_369 = arith.select %and3A_366, %sub3A_368, %div3A_347 : i32
        %max3A = arith.constant 0 : i32
        %max3A_370 = arith.maxsi %select_n3A_369, %max3A : i32
        %while3A_371 = arith.constant 0 : i32
        %while3A_372 = arith.constant 0 : i32
        %while3A_373 = arith.subi %max3A_370, %while3A_372 : i32
        %while3A_374 = arith.addi %while3A_372, %while3A_373 : i32
        %while3A_375 = arith.constant 1 : i32
        %while3A_376 = arith.divsi %while3A_373, %while3A_375 : i32
        %while3A_377 = arith.muli %while3A_376, %while3A_375 : i32
        %while3A_378 = arith.addi %while3A_372, %while3A_377 : i32
        %while3A_379 = arith.constant 1 : i32
        scf.for %while3A_384 = %while3A_372 to %while3A_378 step %while3A_379  : i32 {
          %mul3A_385 = arith.constant 32 : i32
          %mul3A_386 = arith.muli %while3A_384, %mul3A_385 : i32
          %add3A_387 = arith.addi %scan3A_314, %mul3A_386 : i32
          %and3A_388 = arith.constant 2047 : i32
          %and3A_389 = arith.andi %add3A_387, %and3A_388 : i32
          %multiple_of3A = tpu.assume_multiple %and3A_389, 32 : i32
          %dma_start3A_390 = tpu.memref_slice %arg16[%multiple_of3A] : memref<2048xi32, #tpu.memory_space<vmem>> -> memref<32xi32, #tpu.memory_space<vmem>>
          %dma_start3A_391 = arith.constant 0 : i32
          %dma_start3A_392 = arith.constant 0 : i32
          %dma_start3A_393 = tpu.memref_slice %arg2[%dma_start3A_391, %dma_start3A_392] : memref<10000x128xf32, #tpu.memory_space<hbm>> -> memref<10000x128xf32, #tpu.memory_space<hbm>>
          tpu.enqueue_indirect_dma source(%dma_start3A_393 : memref<10000x128xf32, #tpu.memory_space<hbm>>) target(%arg21 : memref<32x128xf32, #tpu.memory_space<vmem>>) offsets(%dma_start3A_390 : memref<32xi32, #tpu.memory_space<vmem>>) semaphore(%arg30 : memref<!tpu.dma_semaphore, #tpu.memory_space<semaphore_mem>>)
          %dma_start3A_394 = tpu.memref_slice %arg18[%multiple_of3A] : memref<2048xi32, #tpu.memory_space<vmem>> -> memref<32xi32, #tpu.memory_space<vmem>>
          %dma_start3A_395 = arith.constant 0 : i32
          %dma_start3A_396 = arith.constant 0 : i32
          %dma_start3A_397 = tpu.memref_slice %arg3[%dma_start3A_395, %dma_start3A_396] : memref<400x128xf32, #tpu.memory_space<hbm>> -> memref<400x128xf32, #tpu.memory_space<hbm>>
          tpu.enqueue_indirect_dma source(%dma_start3A_397 : memref<400x128xf32, #tpu.memory_space<hbm>>) target(%arg23 : memref<32x128xf32, #tpu.memory_space<vmem>>) offsets(%dma_start3A_394 : memref<32xi32, #tpu.memory_space<vmem>>) semaphore(%arg30 : memref<!tpu.dma_semaphore, #tpu.memory_space<semaphore_mem>>)
          %add3A_398 = arith.constant 0 : i32
          %add3A_399 = arith.addi %multiple_of3A, %add3A_398 : i32
          %get3A = arith.index_cast %add3A_399 : i32 to index
          %get3A_400 = tpu.vector_load %arg17[%get3A] {strides = array<i32>} : memref<2048xi32, #tpu.memory_space<vmem>>, vector<16xi32>,
          %swap3A = arith.constant 0 : index
          %swap3A_401 = tpu.vector_load %arg27[%swap3A] {strides = array<i32>} : memref<32xi32, #tpu.memory_space<vmem>>, vector<16xi32>,
          tpu.vector_store %arg27[%swap3A], %get3A_400 {strides = array<i32>} : memref<32xi32, #tpu.memory_space<vmem>>, vector<16xi32>,
          %add3A_402 = arith.constant 16 : i32
          %add3A_403 = arith.addi %multiple_of3A, %add3A_402 : i32
          %get3A_404 = arith.index_cast %add3A_403 : i32 to index
          %get3A_405 = tpu.vector_load %arg17[%get3A_404] {strides = array<i32>} : memref<2048xi32, #tpu.memory_space<vmem>>, vector<16xi32>,
          %swap3A_406 = arith.constant 16 : index
          %swap3A_407 = tpu.vector_load %arg27[%swap3A_406] {strides = array<i32>} : memref<32xi32, #tpu.memory_space<vmem>>, vector<16xi32>,
          tpu.vector_store %arg27[%swap3A_406], %get3A_405 {strides = array<i32>} : memref<32xi32, #tpu.memory_space<vmem>>, vector<16xi32>,
          %multiple_of3A_408 = tpu.assume_multiple %and3A_389, 32 : i32
          %dma_wait3A_409 = tpu.memref_slice %arg16[%multiple_of3A_408] : memref<2048xi32, #tpu.memory_space<vmem>> -> memref<32xi32, #tpu.memory_space<vmem>>
          %dma_wait3A_410 = arith.constant 0 : i32
          %dma_wait3A_411 = arith.constant 0 : i32
          %dma_wait3A_412 = tpu.memref_slice %arg2[%dma_wait3A_410, %dma_wait3A_411] : memref<10000x128xf32, #tpu.memory_space<hbm>> -> memref<10000x128xf32, #tpu.memory_space<hbm>>
          tpu.wait_indirect_dma semaphore(%arg30 : memref<!tpu.dma_semaphore, #tpu.memory_space<semaphore_mem>>) src(%dma_wait3A_412 : memref<10000x128xf32, #tpu.memory_space<hbm>>) dst(%arg21 : memref<32x128xf32, #tpu.memory_space<vmem>>)
          %dma_wait3A_413 = tpu.memref_slice %arg18[%multiple_of3A_408] : memref<2048xi32, #tpu.memory_space<vmem>> -> memref<32xi32, #tpu.memory_space<vmem>>
          %dma_wait3A_414 = arith.constant 0 : i32
          %dma_wait3A_415 = arith.constant 0 : i32
          %dma_wait3A_416 = tpu.memref_slice %arg3[%dma_wait3A_414, %dma_wait3A_415] : memref<400x128xf32, #tpu.memory_space<hbm>> -> memref<400x128xf32, #tpu.memory_space<hbm>>
          tpu.wait_indirect_dma semaphore(%arg30 : memref<!tpu.dma_semaphore, #tpu.memory_space<semaphore_mem>>) src(%dma_wait3A_416 : memref<400x128xf32, #tpu.memory_space<hbm>>) dst(%arg23 : memref<32x128xf32, #tpu.memory_space<vmem>>)
          %scan3A_417 = arith.constant 0 : i32
          %scan3A_418 = arith.constant 0 : i32
          %scan3A_419 = arith.constant 32 : i32
          %scan3A_420 = arith.addi %scan3A_418, %scan3A_419 : i32
          %scan3A_421 = arith.constant 1 : i32
          scf.for %scan3A_423 = %scan3A_418 to %scan3A_420 step %scan3A_421  : i32 {
            %get3A_424 = arith.index_cast %scan3A_423 : i32 to index
            %get3A_425 = arith.constant 0 : index
            %get3A_426 = tpu.vector_load %arg21[%get3A_424, %get3A_425] {strides = array<i32>} : memref<32x128xf32, #tpu.memory_space<vmem>>, vector<16xf32>,
            %get3A_427 = arith.index_cast %scan3A_423 : i32 to index
            %get3A_428 = arith.constant 0 : index
            %get3A_429 = tpu.vector_load %arg23[%get3A_427, %get3A_428] {strides = array<i32>} : memref<32x128xf32, #tpu.memory_space<vmem>>, vector<16xf32>,
            %add3A_430 = arith.addf %get3A_426, %get3A_429 : vector<16xf32>
            %max3A_431 = arith.constant 0.000000e+00 : f32
            %max3A_432 = vector.broadcast %max3A_431 : f32 to vector<16xf32>
            %max3A_433 = arith.maximumf %add3A_430, %max3A_432 : vector<16xf32>
            %swap3A_434 = arith.index_cast %scan3A_423 : i32 to index
            %swap3A_435 = arith.constant 0 : index
            %swap3A_436 = tpu.vector_load %arg21[%swap3A_434, %swap3A_435] {strides = array<i32>} : memref<32x128xf32, #tpu.memory_space<vmem>>, vector<16xf32>,
            tpu.vector_store %arg21[%swap3A_434, %swap3A_435], %max3A_433 {strides = array<i32>} : memref<32x128xf32, #tpu.memory_space<vmem>>, vector<16xf32>,
            %get3A_437 = arith.index_cast %scan3A_423 : i32 to index
            %get3A_438 = arith.constant 16 : index
            %get3A_439 = tpu.vector_load %arg21[%get3A_437, %get3A_438] {strides = array<i32>} : memref<32x128xf32, #tpu.memory_space<vmem>>, vector<16xf32>,
            %get3A_440 = arith.index_cast %scan3A_423 : i32 to index
            %get3A_441 = arith.constant 16 : index
            %get3A_442 = tpu.vector_load %arg23[%get3A_440, %get3A_441] {strides = array<i32>} : memref<32x128xf32, #tpu.memory_space<vmem>>, vector<16xf32>,
            %add3A_443 = arith.addf %get3A_439, %get3A_442 : vector<16xf32>
            %max3A_444 = arith.constant 0.000000e+00 : f32
            %max3A_445 = vector.broadcast %max3A_444 : f32 to vector<16xf32>
            %max3A_446 = arith.maximumf %add3A_443, %max3A_445 : vector<16xf32>
            %swap3A_447 = arith.index_cast %scan3A_423 : i32 to index
            %swap3A_448 = arith.constant 16 : index
            %swap3A_449 = tpu.vector_load %arg21[%swap3A_447, %swap3A_448] {strides = array<i32>} : memref<32x128xf32, #tpu.memory_space<vmem>>, vector<16xf32>,
            tpu.vector_store %arg21[%swap3A_447, %swap3A_448], %max3A_446 {strides = array<i32>} : memref<32x128xf32, #tpu.memory_space<vmem>>, vector<16xf32>,
            %get3A_450 = arith.index_cast %scan3A_423 : i32 to index
            %get3A_451 = arith.constant 32 : index
            %get3A_452 = tpu.vector_load %arg21[%get3A_450, %get3A_451] {strides = array<i32>} : memref<32x128xf32, #tpu.memory_space<vmem>>, vector<16xf32>,
            %get3A_453 = arith.index_cast %scan3A_423 : i32 to index
            %get3A_454 = arith.constant 32 : index
            %get3A_455 = tpu.vector_load %arg23[%get3A_453, %get3A_454] {strides = array<i32>} : memref<32x128xf32, #tpu.memory_space<vmem>>, vector<16xf32>,
            %add3A_456 = arith.addf %get3A_452, %get3A_455 : vector<16xf32>
            %max3A_457 = arith.constant 0.000000e+00 : f32
            %max3A_458 = vector.broadcast %max3A_457 : f32 to vector<16xf32>
            %max3A_459 = arith.maximumf %add3A_456, %max3A_458 : vector<16xf32>
            %swap3A_460 = arith.index_cast %scan3A_423 : i32 to index
            %swap3A_461 = arith.constant 32 : index
            %swap3A_462 = tpu.vector_load %arg21[%swap3A_460, %swap3A_461] {strides = array<i32>} : memref<32x128xf32, #tpu.memory_space<vmem>>, vector<16xf32>,
            tpu.vector_store %arg21[%swap3A_460, %swap3A_461], %max3A_459 {strides = array<i32>} : memref<32x128xf32, #tpu.memory_space<vmem>>, vector<16xf32>,
            %get3A_463 = arith.index_cast %scan3A_423 : i32 to index
            %get3A_464 = arith.constant 48 : index
            %get3A_465 = tpu.vector_load %arg21[%get3A_463, %get3A_464] {strides = array<i32>} : memref<32x128xf32, #tpu.memory_space<vmem>>, vector<16xf32>,
            %get3A_466 = arith.index_cast %scan3A_423 : i32 to index
            %get3A_467 = arith.constant 48 : index
            %get3A_468 = tpu.vector_load %arg23[%get3A_466, %get3A_467] {strides = array<i32>} : memref<32x128xf32, #tpu.memory_space<vmem>>, vector<16xf32>,
            %add3A_469 = arith.addf %get3A_465, %get3A_468 : vector<16xf32>
            %max3A_470 = arith.constant 0.000000e+00 : f32
            %max3A_471 = vector.broadcast %max3A_470 : f32 to vector<16xf32>
            %max3A_472 = arith.maximumf %add3A_469, %max3A_471 : vector<16xf32>
            %swap3A_473 = arith.index_cast %scan3A_423 : i32 to index
            %swap3A_474 = arith.constant 48 : index
            %swap3A_475 = tpu.vector_load %arg21[%swap3A_473, %swap3A_474] {strides = array<i32>} : memref<32x128xf32, #tpu.memory_space<vmem>>, vector<16xf32>,
            tpu.vector_store %arg21[%swap3A_473, %swap3A_474], %max3A_472 {strides = array<i32>} : memref<32x128xf32, #tpu.memory_space<vmem>>, vector<16xf32>,
            %get3A_476 = arith.index_cast %scan3A_423 : i32 to index
            %get3A_477 = arith.constant 64 : index
            %get3A_478 = tpu.vector_load %arg21[%get3A_476, %get3A_477] {strides = array<i32>} : memref<32x128xf32, #tpu.memory_space<vmem>>, vector<16xf32>,
            %get3A_479 = arith.index_cast %scan3A_423 : i32 to index
            %get3A_480 = arith.constant 64 : index
            %get3A_481 = tpu.vector_load %arg23[%get3A_479, %get3A_480] {strides = array<i32>} : memref<32x128xf32, #tpu.memory_space<vmem>>, vector<16xf32>,
            %add3A_482 = arith.addf %get3A_478, %get3A_481 : vector<16xf32>
            %max3A_483 = arith.constant 0.000000e+00 : f32
            %max3A_484 = vector.broadcast %max3A_483 : f32 to vector<16xf32>
            %max3A_485 = arith.maximumf %add3A_482, %max3A_484 : vector<16xf32>
            %swap3A_486 = arith.index_cast %scan3A_423 : i32 to index
            %swap3A_487 = arith.constant 64 : index
            %swap3A_488 = tpu.vector_load %arg21[%swap3A_486, %swap3A_487] {strides = array<i32>} : memref<32x128xf32, #tpu.memory_space<vmem>>, vector<16xf32>,
            tpu.vector_store %arg21[%swap3A_486, %swap3A_487], %max3A_485 {strides = array<i32>} : memref<32x128xf32, #tpu.memory_space<vmem>>, vector<16xf32>,
            %get3A_489 = arith.index_cast %scan3A_423 : i32 to index
            %get3A_490 = arith.constant 80 : index
            %get3A_491 = tpu.vector_load %arg21[%get3A_489, %get3A_490] {strides = array<i32>} : memref<32x128xf32, #tpu.memory_space<vmem>>, vector<16xf32>,
            %get3A_492 = arith.index_cast %scan3A_423 : i32 to index
            %get3A_493 = arith.constant 80 : index
            %get3A_494 = tpu.vector_load %arg23[%get3A_492, %get3A_493] {strides = array<i32>} : memref<32x128xf32, #tpu.memory_space<vmem>>, vector<16xf32>,
            %add3A_495 = arith.addf %get3A_491, %get3A_494 : vector<16xf32>
            %max3A_496 = arith.constant 0.000000e+00 : f32
            %max3A_497 = vector.broadcast %max3A_496 : f32 to vector<16xf32>
            %max3A_498 = arith.maximumf %add3A_495, %max3A_497 : vector<16xf32>
            %swap3A_499 = arith.index_cast %scan3A_423 : i32 to index
            %swap3A_500 = arith.constant 80 : index
            %swap3A_501 = tpu.vector_load %arg21[%swap3A_499, %swap3A_500] {strides = array<i32>} : memref<32x128xf32, #tpu.memory_space<vmem>>, vector<16xf32>,
            tpu.vector_store %arg21[%swap3A_499, %swap3A_500], %max3A_498 {strides = array<i32>} : memref<32x128xf32, #tpu.memory_space<vmem>>, vector<16xf32>,
            %get3A_502 = arith.index_cast %scan3A_423 : i32 to index
            %get3A_503 = arith.constant 96 : index
            %get3A_504 = tpu.vector_load %arg21[%get3A_502, %get3A_503] {strides = array<i32>} : memref<32x128xf32, #tpu.memory_space<vmem>>, vector<16xf32>,
            %get3A_505 = arith.index_cast %scan3A_423 : i32 to index
            %get3A_506 = arith.constant 96 : index
            %get3A_507 = tpu.vector_load %arg23[%get3A_505, %get3A_506] {strides = array<i32>} : memref<32x128xf32, #tpu.memory_space<vmem>>, vector<16xf32>,
            %add3A_508 = arith.addf %get3A_504, %get3A_507 : vector<16xf32>
            %max3A_509 = arith.constant 0.000000e+00 : f32
            %max3A_510 = vector.broadcast %max3A_509 : f32 to vector<16xf32>
            %max3A_511 = arith.maximumf %add3A_508, %max3A_510 : vector<16xf32>
            %swap3A_512 = arith.index_cast %scan3A_423 : i32 to index
            %swap3A_513 = arith.constant 96 : index
            %swap3A_514 = tpu.vector_load %arg21[%swap3A_512, %swap3A_513] {strides = array<i32>} : memref<32x128xf32, #tpu.memory_space<vmem>>, vector<16xf32>,
            tpu.vector_store %arg21[%swap3A_512, %swap3A_513], %max3A_511 {strides = array<i32>} : memref<32x128xf32, #tpu.memory_space<vmem>>, vector<16xf32>,
            %get3A_515 = arith.index_cast %scan3A_423 : i32 to index
            %get3A_516 = arith.constant 112 : index
            %get3A_517 = tpu.vector_load %arg21[%get3A_515, %get3A_516] {strides = array<i32>} : memref<32x128xf32, #tpu.memory_space<vmem>>, vector<16xf32>,
            %get3A_518 = arith.index_cast %scan3A_423 : i32 to index
            %get3A_519 = arith.constant 112 : index
            %get3A_520 = tpu.vector_load %arg23[%get3A_518, %get3A_519] {strides = array<i32>} : memref<32x128xf32, #tpu.memory_space<vmem>>, vector<16xf32>,
            %add3A_521 = arith.addf %get3A_517, %get3A_520 : vector<16xf32>
            %max3A_522 = arith.constant 0.000000e+00 : f32
            %max3A_523 = vector.broadcast %max3A_522 : f32 to vector<16xf32>
            %max3A_524 = arith.maximumf %add3A_521, %max3A_523 : vector<16xf32>
            %swap3A_525 = arith.index_cast %scan3A_423 : i32 to index
            %swap3A_526 = arith.constant 112 : index
            %swap3A_527 = tpu.vector_load %arg21[%swap3A_525, %swap3A_526] {strides = array<i32>} : memref<32x128xf32, #tpu.memory_space<vmem>>, vector<16xf32>,
            tpu.vector_store %arg21[%swap3A_525, %swap3A_526], %max3A_524 {strides = array<i32>} : memref<32x128xf32, #tpu.memory_space<vmem>>, vector<16xf32>,
          }
          %scan3A_422 = arith.constant 32 : i32
          "tpu.region"() ({
            %run_scoped3A = tpu.sem_alloc : memref<!tpu.dma_semaphore, #tpu.memory_space<semaphore_mem>>
            %dma_start3A_423 = arith.constant 0 : i32
            %dma_start3A_424 = arith.constant 0 : i32
            %dma_start3A_425 = tpu.memref_slice %arg11[%dma_start3A_423, %dma_start3A_424] : memref<10016x128xf32, #tpu.memory_space<vmem_shared>> -> memref<10016x128xf32, #tpu.memory_space<vmem_shared>>
            tpu.enqueue_indirect_dma source(%arg21 : memref<32x128xf32, #tpu.memory_space<vmem>>) target(%dma_start3A_425 : memref<10016x128xf32, #tpu.memory_space<vmem_shared>>) offsets(%arg27 : memref<32xi32, #tpu.memory_space<vmem>>) semaphore(%run_scoped3A : memref<!tpu.dma_semaphore, #tpu.memory_space<semaphore_mem>>) {add = true}
            %dma_wait3A_426 = arith.constant 0 : i32
            %dma_wait3A_427 = arith.constant 0 : i32
            %dma_wait3A_428 = tpu.memref_slice %arg11[%dma_wait3A_426, %dma_wait3A_427] : memref<10016x128xf32, #tpu.memory_space<vmem_shared>> -> memref<10016x128xf32, #tpu.memory_space<vmem_shared>>
            tpu.wait_indirect_dma semaphore(%run_scoped3A : memref<!tpu.dma_semaphore, #tpu.memory_space<semaphore_mem>>) src(%arg21 : memref<32x128xf32, #tpu.memory_space<vmem>>) dst(%dma_wait3A_428 : memref<10016x128xf32, #tpu.memory_space<vmem_shared>>)
            tpu.yield
          }) : () -> ()
          "tpu.region"() ({
            %run_scoped3A = tpu.sem_alloc : memref<!tpu.dma_semaphore, #tpu.memory_space<semaphore_mem>>
            %dma_start3A_423 = arith.constant 0 : i32
            %dma_start3A_424 = arith.constant 0 : i32
            %dma_start3A_425 = tpu.memref_slice %arg12[%dma_start3A_423, %dma_start3A_424] : memref<10016x16xf32, #tpu.memory_space<vmem_shared>> -> memref<10016x16xf32, #tpu.memory_space<vmem_shared>>
            tpu.enqueue_indirect_dma source(%arg25 : memref<32x16xf32, #tpu.memory_space<vmem>>) target(%dma_start3A_425 : memref<10016x16xf32, #tpu.memory_space<vmem_shared>>) offsets(%arg27 : memref<32xi32, #tpu.memory_space<vmem>>) semaphore(%run_scoped3A : memref<!tpu.dma_semaphore, #tpu.memory_space<semaphore_mem>>) {add = true}
            %dma_wait3A_426 = arith.constant 0 : i32
            %dma_wait3A_427 = arith.constant 0 : i32
            %dma_wait3A_428 = tpu.memref_slice %arg12[%dma_wait3A_426, %dma_wait3A_427] : memref<10016x16xf32, #tpu.memory_space<vmem_shared>> -> memref<10016x16xf32, #tpu.memory_space<vmem_shared>>
            tpu.wait_indirect_dma semaphore(%run_scoped3A : memref<!tpu.dma_semaphore, #tpu.memory_space<semaphore_mem>>) src(%arg25 : memref<32x16xf32, #tpu.memory_space<vmem>>) dst(%dma_wait3A_428 : memref<10016x16xf32, #tpu.memory_space<vmem_shared>>)
            tpu.yield
          }) : () -> ()
        }
        %while3A_380 = arith.constant 1 : i32
        scf.for %while3A_384 = %while3A_378 to %while3A_374 step %while3A_380  : i32 {
          %mul3A_385 = arith.constant 32 : i32
          %mul3A_386 = arith.muli %while3A_384, %mul3A_385 : i32
          %add3A_387 = arith.addi %scan3A_314, %mul3A_386 : i32
          %and3A_388 = arith.constant 2047 : i32
          %and3A_389 = arith.andi %add3A_387, %and3A_388 : i32
          %multiple_of3A = tpu.assume_multiple %and3A_389, 32 : i32
          %dma_start3A_390 = tpu.memref_slice %arg16[%multiple_of3A] : memref<2048xi32, #tpu.memory_space<vmem>> -> memref<32xi32, #tpu.memory_space<vmem>>
          %dma_start3A_391 = arith.constant 0 : i32
          %dma_start3A_392 = arith.constant 0 : i32
          %dma_start3A_393 = tpu.memref_slice %arg2[%dma_start3A_391, %dma_start3A_392] : memref<10000x128xf32, #tpu.memory_space<hbm>> -> memref<10000x128xf32, #tpu.memory_space<hbm>>
          tpu.enqueue_indirect_dma source(%dma_start3A_393 : memref<10000x128xf32, #tpu.memory_space<hbm>>) target(%arg21 : memref<32x128xf32, #tpu.memory_space<vmem>>) offsets(%dma_start3A_390 : memref<32xi32, #tpu.memory_space<vmem>>) semaphore(%arg30 : memref<!tpu.dma_semaphore, #tpu.memory_space<semaphore_mem>>)
          %dma_start3A_394 = tpu.memref_slice %arg18[%multiple_of3A] : memref<2048xi32, #tpu.memory_space<vmem>> -> memref<32xi32, #tpu.memory_space<vmem>>
          %dma_start3A_395 = arith.constant 0 : i32
          %dma_start3A_396 = arith.constant 0 : i32
          %dma_start3A_397 = tpu.memref_slice %arg3[%dma_start3A_395, %dma_start3A_396] : memref<400x128xf32, #tpu.memory_space<hbm>> -> memref<400x128xf32, #tpu.memory_space<hbm>>
          tpu.enqueue_indirect_dma source(%dma_start3A_397 : memref<400x128xf32, #tpu.memory_space<hbm>>) target(%arg23 : memref<32x128xf32, #tpu.memory_space<vmem>>) offsets(%dma_start3A_394 : memref<32xi32, #tpu.memory_space<vmem>>) semaphore(%arg30 : memref<!tpu.dma_semaphore, #tpu.memory_space<semaphore_mem>>)
          %add3A_398 = arith.constant 0 : i32
          %add3A_399 = arith.addi %multiple_of3A, %add3A_398 : i32
          %get3A = arith.index_cast %add3A_399 : i32 to index
          %get3A_400 = tpu.vector_load %arg17[%get3A] {strides = array<i32>} : memref<2048xi32, #tpu.memory_space<vmem>>, vector<16xi32>,
          %swap3A = arith.constant 0 : index
          %swap3A_401 = tpu.vector_load %arg27[%swap3A] {strides = array<i32>} : memref<32xi32, #tpu.memory_space<vmem>>, vector<16xi32>,
          tpu.vector_store %arg27[%swap3A], %get3A_400 {strides = array<i32>} : memref<32xi32, #tpu.memory_space<vmem>>, vector<16xi32>,
          %add3A_402 = arith.constant 16 : i32
          %add3A_403 = arith.addi %multiple_of3A, %add3A_402 : i32
          %get3A_404 = arith.index_cast %add3A_403 : i32 to index
          %get3A_405 = tpu.vector_load %arg17[%get3A_404] {strides = array<i32>} : memref<2048xi32, #tpu.memory_space<vmem>>, vector<16xi32>,
          %swap3A_406 = arith.constant 16 : index
          %swap3A_407 = tpu.vector_load %arg27[%swap3A_406] {strides = array<i32>} : memref<32xi32, #tpu.memory_space<vmem>>, vector<16xi32>,
          tpu.vector_store %arg27[%swap3A_406], %get3A_405 {strides = array<i32>} : memref<32xi32, #tpu.memory_space<vmem>>, vector<16xi32>,
          %multiple_of3A_408 = tpu.assume_multiple %and3A_389, 32 : i32
          %dma_wait3A_409 = tpu.memref_slice %arg16[%multiple_of3A_408] : memref<2048xi32, #tpu.memory_space<vmem>> -> memref<32xi32, #tpu.memory_space<vmem>>
          %dma_wait3A_410 = arith.constant 0 : i32
          %dma_wait3A_411 = arith.constant 0 : i32
          %dma_wait3A_412 = tpu.memref_slice %arg2[%dma_wait3A_410, %dma_wait3A_411] : memref<10000x128xf32, #tpu.memory_space<hbm>> -> memref<10000x128xf32, #tpu.memory_space<hbm>>
          tpu.wait_indirect_dma semaphore(%arg30 : memref<!tpu.dma_semaphore, #tpu.memory_space<semaphore_mem>>) src(%dma_wait3A_412 : memref<10000x128xf32, #tpu.memory_space<hbm>>) dst(%arg21 : memref<32x128xf32, #tpu.memory_space<vmem>>)
          %dma_wait3A_413 = tpu.memref_slice %arg18[%multiple_of3A_408] : memref<2048xi32, #tpu.memory_space<vmem>> -> memref<32xi32, #tpu.memory_space<vmem>>
          %dma_wait3A_414 = arith.constant 0 : i32
          %dma_wait3A_415 = arith.constant 0 : i32
          %dma_wait3A_416 = tpu.memref_slice %arg3[%dma_wait3A_414, %dma_wait3A_415] : memref<400x128xf32, #tpu.memory_space<hbm>> -> memref<400x128xf32, #tpu.memory_space<hbm>>
          tpu.wait_indirect_dma semaphore(%arg30 : memref<!tpu.dma_semaphore, #tpu.memory_space<semaphore_mem>>) src(%dma_wait3A_416 : memref<400x128xf32, #tpu.memory_space<hbm>>) dst(%arg23 : memref<32x128xf32, #tpu.memory_space<vmem>>)
          %scan3A_417 = arith.constant 0 : i32
          %scan3A_418 = arith.constant 0 : i32
          %scan3A_419 = arith.constant 32 : i32
          %scan3A_420 = arith.addi %scan3A_418, %scan3A_419 : i32
          %scan3A_421 = arith.constant 1 : i32
          scf.for %scan3A_423 = %scan3A_418 to %scan3A_420 step %scan3A_421  : i32 {
            %get3A_424 = arith.index_cast %scan3A_423 : i32 to index
            %get3A_425 = arith.constant 0 : index
            %get3A_426 = tpu.vector_load %arg21[%get3A_424, %get3A_425] {strides = array<i32>} : memref<32x128xf32, #tpu.memory_space<vmem>>, vector<16xf32>,
            %get3A_427 = arith.index_cast %scan3A_423 : i32 to index
            %get3A_428 = arith.constant 0 : index
            %get3A_429 = tpu.vector_load %arg23[%get3A_427, %get3A_428] {strides = array<i32>} : memref<32x128xf32, #tpu.memory_space<vmem>>, vector<16xf32>,
            %add3A_430 = arith.addf %get3A_426, %get3A_429 : vector<16xf32>
            %max3A_431 = arith.constant 0.000000e+00 : f32
            %max3A_432 = vector.broadcast %max3A_431 : f32 to vector<16xf32>
            %max3A_433 = arith.maximumf %add3A_430, %max3A_432 : vector<16xf32>
            %swap3A_434 = arith.index_cast %scan3A_423 : i32 to index
            %swap3A_435 = arith.constant 0 : index
            %swap3A_436 = tpu.vector_load %arg21[%swap3A_434, %swap3A_435] {strides = array<i32>} : memref<32x128xf32, #tpu.memory_space<vmem>>, vector<16xf32>,
            tpu.vector_store %arg21[%swap3A_434, %swap3A_435], %max3A_433 {strides = array<i32>} : memref<32x128xf32, #tpu.memory_space<vmem>>, vector<16xf32>,
            %get3A_437 = arith.index_cast %scan3A_423 : i32 to index
            %get3A_438 = arith.constant 16 : index
            %get3A_439 = tpu.vector_load %arg21[%get3A_437, %get3A_438] {strides = array<i32>} : memref<32x128xf32, #tpu.memory_space<vmem>>, vector<16xf32>,
            %get3A_440 = arith.index_cast %scan3A_423 : i32 to index
            %get3A_441 = arith.constant 16 : index
            %get3A_442 = tpu.vector_load %arg23[%get3A_440, %get3A_441] {strides = array<i32>} : memref<32x128xf32, #tpu.memory_space<vmem>>, vector<16xf32>,
            %add3A_443 = arith.addf %get3A_439, %get3A_442 : vector<16xf32>
            %max3A_444 = arith.constant 0.000000e+00 : f32
            %max3A_445 = vector.broadcast %max3A_444 : f32 to vector<16xf32>
            %max3A_446 = arith.maximumf %add3A_443, %max3A_445 : vector<16xf32>
            %swap3A_447 = arith.index_cast %scan3A_423 : i32 to index
            %swap3A_448 = arith.constant 16 : index
            %swap3A_449 = tpu.vector_load %arg21[%swap3A_447, %swap3A_448] {strides = array<i32>} : memref<32x128xf32, #tpu.memory_space<vmem>>, vector<16xf32>,
            tpu.vector_store %arg21[%swap3A_447, %swap3A_448], %max3A_446 {strides = array<i32>} : memref<32x128xf32, #tpu.memory_space<vmem>>, vector<16xf32>,
            %get3A_450 = arith.index_cast %scan3A_423 : i32 to index
            %get3A_451 = arith.constant 32 : index
            %get3A_452 = tpu.vector_load %arg21[%get3A_450, %get3A_451] {strides = array<i32>} : memref<32x128xf32, #tpu.memory_space<vmem>>, vector<16xf32>,
            %get3A_453 = arith.index_cast %scan3A_423 : i32 to index
            %get3A_454 = arith.constant 32 : index
            %get3A_455 = tpu.vector_load %arg23[%get3A_453, %get3A_454] {strides = array<i32>} : memref<32x128xf32, #tpu.memory_space<vmem>>, vector<16xf32>,
            %add3A_456 = arith.addf %get3A_452, %get3A_455 : vector<16xf32>
            %max3A_457 = arith.constant 0.000000e+00 : f32
            %max3A_458 = vector.broadcast %max3A_457 : f32 to vector<16xf32>
            %max3A_459 = arith.maximumf %add3A_456, %max3A_458 : vector<16xf32>
            %swap3A_460 = arith.index_cast %scan3A_423 : i32 to index
            %swap3A_461 = arith.constant 32 : index
            %swap3A_462 = tpu.vector_load %arg21[%swap3A_460, %swap3A_461] {strides = array<i32>} : memref<32x128xf32, #tpu.memory_space<vmem>>, vector<16xf32>,
            tpu.vector_store %arg21[%swap3A_460, %swap3A_461], %max3A_459 {strides = array<i32>} : memref<32x128xf32, #tpu.memory_space<vmem>>, vector<16xf32>,
            %get3A_463 = arith.index_cast %scan3A_423 : i32 to index
            %get3A_464 = arith.constant 48 : index
            %get3A_465 = tpu.vector_load %arg21[%get3A_463, %get3A_464] {strides = array<i32>} : memref<32x128xf32, #tpu.memory_space<vmem>>, vector<16xf32>,
            %get3A_466 = arith.index_cast %scan3A_423 : i32 to index
            %get3A_467 = arith.constant 48 : index
            %get3A_468 = tpu.vector_load %arg23[%get3A_466, %get3A_467] {strides = array<i32>} : memref<32x128xf32, #tpu.memory_space<vmem>>, vector<16xf32>,
            %add3A_469 = arith.addf %get3A_465, %get3A_468 : vector<16xf32>
            %max3A_470 = arith.constant 0.000000e+00 : f32
            %max3A_471 = vector.broadcast %max3A_470 : f32 to vector<16xf32>
            %max3A_472 = arith.maximumf %add3A_469, %max3A_471 : vector<16xf32>
            %swap3A_473 = arith.index_cast %scan3A_423 : i32 to index
            %swap3A_474 = arith.constant 48 : index
            %swap3A_475 = tpu.vector_load %arg21[%swap3A_473, %swap3A_474] {strides = array<i32>} : memref<32x128xf32, #tpu.memory_space<vmem>>, vector<16xf32>,
            tpu.vector_store %arg21[%swap3A_473, %swap3A_474], %max3A_472 {strides = array<i32>} : memref<32x128xf32, #tpu.memory_space<vmem>>, vector<16xf32>,
            %get3A_476 = arith.index_cast %scan3A_423 : i32 to index
            %get3A_477 = arith.constant 64 : index
            %get3A_478 = tpu.vector_load %arg21[%get3A_476, %get3A_477] {strides = array<i32>} : memref<32x128xf32, #tpu.memory_space<vmem>>, vector<16xf32>,
            %get3A_479 = arith.index_cast %scan3A_423 : i32 to index
            %get3A_480 = arith.constant 64 : index
            %get3A_481 = tpu.vector_load %arg23[%get3A_479, %get3A_480] {strides = array<i32>} : memref<32x128xf32, #tpu.memory_space<vmem>>, vector<16xf32>,
            %add3A_482 = arith.addf %get3A_478, %get3A_481 : vector<16xf32>
            %max3A_483 = arith.constant 0.000000e+00 : f32
            %max3A_484 = vector.broadcast %max3A_483 : f32 to vector<16xf32>
            %max3A_485 = arith.maximumf %add3A_482, %max3A_484 : vector<16xf32>
            %swap3A_486 = arith.index_cast %scan3A_423 : i32 to index
            %swap3A_487 = arith.constant 64 : index
            %swap3A_488 = tpu.vector_load %arg21[%swap3A_486, %swap3A_487] {strides = array<i32>} : memref<32x128xf32, #tpu.memory_space<vmem>>, vector<16xf32>,
            tpu.vector_store %arg21[%swap3A_486, %swap3A_487], %max3A_485 {strides = array<i32>} : memref<32x128xf32, #tpu.memory_space<vmem>>, vector<16xf32>,
            %get3A_489 = arith.index_cast %scan3A_423 : i32 to index
            %get3A_490 = arith.constant 80 : index
            %get3A_491 = tpu.vector_load %arg21[%get3A_489, %get3A_490] {strides = array<i32>} : memref<32x128xf32, #tpu.memory_space<vmem>>, vector<16xf32>,
            %get3A_492 = arith.index_cast %scan3A_423 : i32 to index
            %get3A_493 = arith.constant 80 : index
            %get3A_494 = tpu.vector_load %arg23[%get3A_492, %get3A_493] {strides = array<i32>} : memref<32x128xf32, #tpu.memory_space<vmem>>, vector<16xf32>,
            %add3A_495 = arith.addf %get3A_491, %get3A_494 : vector<16xf32>
            %max3A_496 = arith.constant 0.000000e+00 : f32
            %max3A_497 = vector.broadcast %max3A_496 : f32 to vector<16xf32>
            %max3A_498 = arith.maximumf %add3A_495, %max3A_497 : vector<16xf32>
            %swap3A_499 = arith.index_cast %scan3A_423 : i32 to index
            %swap3A_500 = arith.constant 80 : index
            %swap3A_501 = tpu.vector_load %arg21[%swap3A_499, %swap3A_500] {strides = array<i32>} : memref<32x128xf32, #tpu.memory_space<vmem>>, vector<16xf32>,
            tpu.vector_store %arg21[%swap3A_499, %swap3A_500], %max3A_498 {strides = array<i32>} : memref<32x128xf32, #tpu.memory_space<vmem>>, vector<16xf32>,
            %get3A_502 = arith.index_cast %scan3A_423 : i32 to index
            %get3A_503 = arith.constant 96 : index
            %get3A_504 = tpu.vector_load %arg21[%get3A_502, %get3A_503] {strides = array<i32>} : memref<32x128xf32, #tpu.memory_space<vmem>>, vector<16xf32>,
            %get3A_505 = arith.index_cast %scan3A_423 : i32 to index
            %get3A_506 = arith.constant 96 : index
            %get3A_507 = tpu.vector_load %arg23[%get3A_505, %get3A_506] {strides = array<i32>} : memref<32x128xf32, #tpu.memory_space<vmem>>, vector<16xf32>,
            %add3A_508 = arith.addf %get3A_504, %get3A_507 : vector<16xf32>
            %max3A_509 = arith.constant 0.000000e+00 : f32
            %max3A_510 = vector.broadcast %max3A_509 : f32 to vector<16xf32>
            %max3A_511 = arith.maximumf %add3A_508, %max3A_510 : vector<16xf32>
            %swap3A_512 = arith.index_cast %scan3A_423 : i32 to index
            %swap3A_513 = arith.constant 96 : index
            %swap3A_514 = tpu.vector_load %arg21[%swap3A_512, %swap3A_513] {strides = array<i32>} : memref<32x128xf32, #tpu.memory_space<vmem>>, vector<16xf32>,
            tpu.vector_store %arg21[%swap3A_512, %swap3A_513], %max3A_511 {strides = array<i32>} : memref<32x128xf32, #tpu.memory_space<vmem>>, vector<16xf32>,
            %get3A_515 = arith.index_cast %scan3A_423 : i32 to index
            %get3A_516 = arith.constant 112 : index
            %get3A_517 = tpu.vector_load %arg21[%get3A_515, %get3A_516] {strides = array<i32>} : memref<32x128xf32, #tpu.memory_space<vmem>>, vector<16xf32>,
            %get3A_518 = arith.index_cast %scan3A_423 : i32 to index
            %get3A_519 = arith.constant 112 : index
            %get3A_520 = tpu.vector_load %arg23[%get3A_518, %get3A_519] {strides = array<i32>} : memref<32x128xf32, #tpu.memory_space<vmem>>, vector<16xf32>,
            %add3A_521 = arith.addf %get3A_517, %get3A_520 : vector<16xf32>
            %max3A_522 = arith.constant 0.000000e+00 : f32
            %max3A_523 = vector.broadcast %max3A_522 : f32 to vector<16xf32>
            %max3A_524 = arith.maximumf %add3A_521, %max3A_523 : vector<16xf32>
            %swap3A_525 = arith.index_cast %scan3A_423 : i32 to index
            %swap3A_526 = arith.constant 112 : index
            %swap3A_527 = tpu.vector_load %arg21[%swap3A_525, %swap3A_526] {strides = array<i32>} : memref<32x128xf32, #tpu.memory_space<vmem>>, vector<16xf32>,
            tpu.vector_store %arg21[%swap3A_525, %swap3A_526], %max3A_524 {strides = array<i32>} : memref<32x128xf32, #tpu.memory_space<vmem>>, vector<16xf32>,
          }
          %scan3A_422 = arith.constant 32 : i32
          "tpu.region"() ({
            %run_scoped3A = tpu.sem_alloc : memref<!tpu.dma_semaphore, #tpu.memory_space<semaphore_mem>>
            %dma_start3A_423 = arith.constant 0 : i32
            %dma_start3A_424 = arith.constant 0 : i32
            %dma_start3A_425 = tpu.memref_slice %arg11[%dma_start3A_423, %dma_start3A_424] : memref<10016x128xf32, #tpu.memory_space<vmem_shared>> -> memref<10016x128xf32, #tpu.memory_space<vmem_shared>>
            tpu.enqueue_indirect_dma source(%arg21 : memref<32x128xf32, #tpu.memory_space<vmem>>) target(%dma_start3A_425 : memref<10016x128xf32, #tpu.memory_space<vmem_shared>>) offsets(%arg27 : memref<32xi32, #tpu.memory_space<vmem>>) semaphore(%run_scoped3A : memref<!tpu.dma_semaphore, #tpu.memory_space<semaphore_mem>>) {add = true}
            %dma_wait3A_426 = arith.constant 0 : i32
            %dma_wait3A_427 = arith.constant 0 : i32
            %dma_wait3A_428 = tpu.memref_slice %arg11[%dma_wait3A_426, %dma_wait3A_427] : memref<10016x128xf32, #tpu.memory_space<vmem_shared>> -> memref<10016x128xf32, #tpu.memory_space<vmem_shared>>
            tpu.wait_indirect_dma semaphore(%run_scoped3A : memref<!tpu.dma_semaphore, #tpu.memory_space<semaphore_mem>>) src(%arg21 : memref<32x128xf32, #tpu.memory_space<vmem>>) dst(%dma_wait3A_428 : memref<10016x128xf32, #tpu.memory_space<vmem_shared>>)
            tpu.yield
          }) : () -> ()
          "tpu.region"() ({
            %run_scoped3A = tpu.sem_alloc : memref<!tpu.dma_semaphore, #tpu.memory_space<semaphore_mem>>
            %dma_start3A_423 = arith.constant 0 : i32
            %dma_start3A_424 = arith.constant 0 : i32
            %dma_start3A_425 = tpu.memref_slice %arg12[%dma_start3A_423, %dma_start3A_424] : memref<10016x16xf32, #tpu.memory_space<vmem_shared>> -> memref<10016x16xf32, #tpu.memory_space<vmem_shared>>
            tpu.enqueue_indirect_dma source(%arg25 : memref<32x16xf32, #tpu.memory_space<vmem>>) target(%dma_start3A_425 : memref<10016x16xf32, #tpu.memory_space<vmem_shared>>) offsets(%arg27 : memref<32xi32, #tpu.memory_space<vmem>>) semaphore(%run_scoped3A : memref<!tpu.dma_semaphore, #tpu.memory_space<semaphore_mem>>) {add = true}
            %dma_wait3A_426 = arith.constant 0 : i32
            %dma_wait3A_427 = arith.constant 0 : i32
            %dma_wait3A_428 = tpu.memref_slice %arg12[%dma_wait3A_426, %dma_wait3A_427] : memref<10016x16xf32, #tpu.memory_space<vmem_shared>> -> memref<10016x16xf32, #tpu.memory_space<vmem_shared>>
            tpu.wait_indirect_dma semaphore(%run_scoped3A : memref<!tpu.dma_semaphore, #tpu.memory_space<semaphore_mem>>) src(%arg25 : memref<32x16xf32, #tpu.memory_space<vmem>>) dst(%dma_wait3A_428 : memref<10016x16xf32, #tpu.memory_space<vmem_shared>>)
            tpu.yield
          }) : () -> ()
        }
        %mul3A_381 = arith.constant 32 : i32
        %mul3A_382 = arith.muli %max3A_370, %mul3A_381 : i32
        %add3A_383 = arith.addi %scan3A_314, %mul3A_382 : i32
        scf.yield %while3A_330, %add3A_383 : vector<16xi32>, i32
      }
      %scan3A_311 = arith.constant 5 : i32
      scf.yield %scan3A_310#0, %scan3A_310#1 : vector<16xi32>, i32
    }
    %scan3A_64 = arith.constant 5 : i32
    %reduce_max3A = arith.constant true
    %reduce_max3A_65 = vector.broadcast %reduce_max3A : i1 to vector<16xi1>
    %reduce_max3A_66 = arith.constant -2147483648 : i32
    %reduce_max3A_67 = vector.broadcast %reduce_max3A_66 : i32 to vector<16xi32>
    %reduce_max3A_68 = arith.xori %scan3A_63#0, %reduce_max3A_67 : vector<16xi32>
    %reduce_max3A_69 = tpu.scan <max>, %reduce_max3A_68 masked %reduce_max3A_65 : vector<16xi32>, vector<16xi1> -> vector<16xi32>
    %reduce_max3A_70 = arith.xori %reduce_max3A_69, %reduce_max3A_67 : vector<16xi32>
    %reduce_max3A_71 = vector.extract %reduce_max3A_70[15] : i32 from vector<16xi32>
    "tpu.trace_stop"() : () -> ()
    "tpu.trace_start"() <{level = 10 : i32, message = "p_drain"}> : () -> ()
    %sub3A_72 = arith.subi %reduce_max3A_71, %scan3A_63#1 : i32
    %add3A_73 = arith.constant 64 : i32
    %add3A_74 = arith.addi %sub3A_72, %add3A_73 : i32
    %sub3A_75 = arith.constant 1 : i32
    %sub3A_76 = arith.subi %add3A_74, %sub3A_75 : i32
    %jit3A_77 = arith.constant 64 : i32
    %div3A_78 = arith.divsi %sub3A_76, %jit3A_77 : i32
    %sign3A_79 = arith.constant 0 : i32
    %sign3A_80 = arith.cmpi sgt, %sub3A_76, %sign3A_79 : i32
    %sign3A_81 = arith.extui %sign3A_80 : i1 to i32
    %sign3A_82 = arith.constant 0 : i32
    %sign3A_83 = arith.cmpi slt, %sub3A_76, %sign3A_82 : i32
    %sign3A_84 = arith.extui %sign3A_83 : i1 to i32
    %sign3A_85 = arith.subi %sign3A_81, %sign3A_84 : i32
    %sign3A_86 = arith.constant 0 : i32
    %sign3A_87 = arith.cmpi sgt, %jit3A_77, %sign3A_86 : i32
    %sign3A_88 = arith.extui %sign3A_87 : i1 to i32
    %sign3A_89 = arith.constant 0 : i32
    %sign3A_90 = arith.cmpi slt, %jit3A_77, %sign3A_89 : i32
    %sign3A_91 = arith.extui %sign3A_90 : i1 to i32
    %sign3A_92 = arith.subi %sign3A_88, %sign3A_91 : i32
    %ne3A_93 = arith.cmpi ne, %sign3A_85, %sign3A_92 : i32
    %rem3A_94 = arith.remsi %sub3A_76, %jit3A_77 : i32
    %ne3A_95 = arith.constant 0 : i32
    %ne3A_96 = arith.cmpi ne, %rem3A_94, %ne3A_95 : i32
    %and3A_97 = arith.andi %ne3A_93, %ne3A_96 : i1
    %sub3A_98 = arith.constant 1 : i32
    %sub3A_99 = arith.subi %div3A_78, %sub3A_98 : i32
    %select_n3A_100 = arith.select %and3A_97, %sub3A_99, %div3A_78 : i32
    %mul3A_101 = arith.constant 2 : i32
    %mul3A_102 = arith.muli %select_n3A_100, %mul3A_101 : i32
    %mul3A_103 = arith.constant 32 : i32
    %mul3A_104 = arith.muli %mul3A_102, %mul3A_103 : i32
    %add3A_105 = arith.addi %scan3A_63#1, %mul3A_104 : i32
    %broadcast_in_dim3A_106 = arith.constant 10000 : i32
    %broadcast_in_dim3A_107 = vector.broadcast %broadcast_in_dim3A_106 : i32 to vector<16xi32>
    %add3A_108 = arith.constant 0 : i32
    %add3A_109 = arith.addi %reduce_max3A_71, %add3A_108 : i32
    %add3A_110 = vector.broadcast %add3A_109 : i32 to vector<16xi32>
    %add3A_111 = arith.addi %add3A_110, %iota3A : vector<16xi32>
    %lt3A = vector.broadcast %add3A_105 : i32 to vector<16xi32>
    %lt3A_112 = arith.cmpi slt, %add3A_111, %lt3A : vector<16xi32>
    %and3A_113 = arith.constant 2047 : i32
    %and3A_114 = vector.broadcast %and3A_113 : i32 to vector<16xi32>
    %and3A_115 = arith.andi %add3A_111, %and3A_114 : vector<16xi32>
    tpu.vector_store_idx %arg16[%and3A_115], %broadcast_in_dim3A_3 masked %lt3A_112 : memref<2048xi32, #tpu.memory_space<vmem>>[vector<16xi32>], vector<16xi32>, vector<16xi1>
    tpu.vector_store_idx %arg17[%and3A_115], %broadcast_in_dim3A_107 masked %lt3A_112 : memref<2048xi32, #tpu.memory_space<vmem>>[vector<16xi32>], vector<16xi32>, vector<16xi1>
    tpu.vector_store_idx %arg18[%and3A_115], %broadcast_in_dim3A_3 masked %lt3A_112 : memref<2048xi32, #tpu.memory_space<vmem>>[vector<16xi32>], vector<16xi32>, vector<16xi1>
    %add3A_116 = arith.constant 16 : i32
    %add3A_117 = arith.addi %reduce_max3A_71, %add3A_116 : i32
    %add3A_118 = vector.broadcast %add3A_117 : i32 to vector<16xi32>
    %add3A_119 = arith.addi %add3A_118, %iota3A : vector<16xi32>
    %lt3A_120 = vector.broadcast %add3A_105 : i32 to vector<16xi32>
    %lt3A_121 = arith.cmpi slt, %add3A_119, %lt3A_120 : vector<16xi32>
    %and3A_122 = arith.constant 2047 : i32
    %and3A_123 = vector.broadcast %and3A_122 : i32 to vector<16xi32>
    %and3A_124 = arith.andi %add3A_119, %and3A_123 : vector<16xi32>
    tpu.vector_store_idx %arg16[%and3A_124], %broadcast_in_dim3A_3 masked %lt3A_121 : memref<2048xi32, #tpu.memory_space<vmem>>[vector<16xi32>], vector<16xi32>, vector<16xi1>
    tpu.vector_store_idx %arg17[%and3A_124], %broadcast_in_dim3A_107 masked %lt3A_121 : memref<2048xi32, #tpu.memory_space<vmem>>[vector<16xi32>], vector<16xi32>, vector<16xi1>
    tpu.vector_store_idx %arg18[%and3A_124], %broadcast_in_dim3A_3 masked %lt3A_121 : memref<2048xi32, #tpu.memory_space<vmem>>[vector<16xi32>], vector<16xi32>, vector<16xi1>
    %add3A_125 = arith.constant 32 : i32
    %add3A_126 = arith.addi %reduce_max3A_71, %add3A_125 : i32
    %add3A_127 = vector.broadcast %add3A_126 : i32 to vector<16xi32>
    %add3A_128 = arith.addi %add3A_127, %iota3A : vector<16xi32>
    %lt3A_129 = vector.broadcast %add3A_105 : i32 to vector<16xi32>
    %lt3A_130 = arith.cmpi slt, %add3A_128, %lt3A_129 : vector<16xi32>
    %and3A_131 = arith.constant 2047 : i32
    %and3A_132 = vector.broadcast %and3A_131 : i32 to vector<16xi32>
    %and3A_133 = arith.andi %add3A_128, %and3A_132 : vector<16xi32>
    tpu.vector_store_idx %arg16[%and3A_133], %broadcast_in_dim3A_3 masked %lt3A_130 : memref<2048xi32, #tpu.memory_space<vmem>>[vector<16xi32>], vector<16xi32>, vector<16xi1>
    tpu.vector_store_idx %arg17[%and3A_133], %broadcast_in_dim3A_107 masked %lt3A_130 : memref<2048xi32, #tpu.memory_space<vmem>>[vector<16xi32>], vector<16xi32>, vector<16xi1>
    tpu.vector_store_idx %arg18[%and3A_133], %broadcast_in_dim3A_3 masked %lt3A_130 : memref<2048xi32, #tpu.memory_space<vmem>>[vector<16xi32>], vector<16xi32>, vector<16xi1>
    %add3A_134 = arith.constant 48 : i32
    %add3A_135 = arith.addi %reduce_max3A_71, %add3A_134 : i32
    %add3A_136 = vector.broadcast %add3A_135 : i32 to vector<16xi32>
    %add3A_137 = arith.addi %add3A_136, %iota3A : vector<16xi32>
    %lt3A_138 = vector.broadcast %add3A_105 : i32 to vector<16xi32>
    %lt3A_139 = arith.cmpi slt, %add3A_137, %lt3A_138 : vector<16xi32>
    %and3A_140 = arith.constant 2047 : i32
    %and3A_141 = vector.broadcast %and3A_140 : i32 to vector<16xi32>
    %and3A_142 = arith.andi %add3A_137, %and3A_141 : vector<16xi32>
    tpu.vector_store_idx %arg16[%and3A_142], %broadcast_in_dim3A_3 masked %lt3A_139 : memref<2048xi32, #tpu.memory_space<vmem>>[vector<16xi32>], vector<16xi32>, vector<16xi1>
    tpu.vector_store_idx %arg17[%and3A_142], %broadcast_in_dim3A_107 masked %lt3A_139 : memref<2048xi32, #tpu.memory_space<vmem>>[vector<16xi32>], vector<16xi32>, vector<16xi1>
    tpu.vector_store_idx %arg18[%and3A_142], %broadcast_in_dim3A_3 masked %lt3A_139 : memref<2048xi32, #tpu.memory_space<vmem>>[vector<16xi32>], vector<16xi32>, vector<16xi1>
    %jit3A_143 = arith.constant 2 : i32
    %div3A_144 = arith.divsi %mul3A_102, %jit3A_143 : i32
    %sign3A_145 = arith.constant 0 : i32
    %sign3A_146 = arith.cmpi sgt, %mul3A_102, %sign3A_145 : i32
    %sign3A_147 = arith.extui %sign3A_146 : i1 to i32
    %sign3A_148 = arith.constant 0 : i32
    %sign3A_149 = arith.cmpi slt, %mul3A_102, %sign3A_148 : i32
    %sign3A_150 = arith.extui %sign3A_149 : i1 to i32
    %sign3A_151 = arith.subi %sign3A_147, %sign3A_150 : i32
    %sign3A_152 = arith.constant 0 : i32
    %sign3A_153 = arith.cmpi sgt, %jit3A_143, %sign3A_152 : i32
    %sign3A_154 = arith.extui %sign3A_153 : i1 to i32
    %sign3A_155 = arith.constant 0 : i32
    %sign3A_156 = arith.cmpi slt, %jit3A_143, %sign3A_155 : i32
    %sign3A_157 = arith.extui %sign3A_156 : i1 to i32
    %sign3A_158 = arith.subi %sign3A_154, %sign3A_157 : i32
    %ne3A_159 = arith.cmpi ne, %sign3A_151, %sign3A_158 : i32
    %rem3A_160 = arith.remsi %mul3A_102, %jit3A_143 : i32
    %ne3A_161 = arith.constant 0 : i32
    %ne3A_162 = arith.cmpi ne, %rem3A_160, %ne3A_161 : i32
    %and3A_163 = arith.andi %ne3A_159, %ne3A_162 : i1
    %sub3A_164 = arith.constant 1 : i32
    %sub3A_165 = arith.subi %div3A_144, %sub3A_164 : i32
    %select_n3A_166 = arith.select %and3A_163, %sub3A_165, %div3A_144 : i32
    %gt3A = arith.constant 0 : i32
    %gt3A_167 = arith.cmpi sgt, %mul3A_102, %gt3A : i32
    %convert_element_type3A = arith.extui %gt3A_167 : i1 to i32
    %cond3A = arith.constant 0 : i32
    %cond3A_168 = arith.cmpi ne, %convert_element_type3A, %cond3A : i32
    scf.if %cond3A_168 {
      %and3A_276 = arith.constant 2047 : i32
      %and3A_277 = arith.andi %scan3A_63#1, %and3A_276 : i32
      %multiple_of3A = tpu.assume_multiple %and3A_277, 32 : i32
      %dma_start3A_278 = tpu.memref_slice %arg16[%multiple_of3A] : memref<2048xi32, #tpu.memory_space<vmem>> -> memref<32xi32, #tpu.memory_space<vmem>>
      %dma_start3A_279 = arith.constant 0 : i32
      %dma_start3A_280 = arith.constant 0 : i32
      %dma_start3A_281 = tpu.memref_slice %arg2[%dma_start3A_279, %dma_start3A_280] : memref<10000x128xf32, #tpu.memory_space<hbm>> -> memref<10000x128xf32, #tpu.memory_space<hbm>>
      tpu.enqueue_indirect_dma source(%dma_start3A_281 : memref<10000x128xf32, #tpu.memory_space<hbm>>) target(%arg21 : memref<32x128xf32, #tpu.memory_space<vmem>>) offsets(%dma_start3A_278 : memref<32xi32, #tpu.memory_space<vmem>>) semaphore(%arg30 : memref<!tpu.dma_semaphore, #tpu.memory_space<semaphore_mem>>)
      %dma_start3A_282 = tpu.memref_slice %arg18[%multiple_of3A] : memref<2048xi32, #tpu.memory_space<vmem>> -> memref<32xi32, #tpu.memory_space<vmem>>
      %dma_start3A_283 = arith.constant 0 : i32
      %dma_start3A_284 = arith.constant 0 : i32
      %dma_start3A_285 = tpu.memref_slice %arg3[%dma_start3A_283, %dma_start3A_284] : memref<400x128xf32, #tpu.memory_space<hbm>> -> memref<400x128xf32, #tpu.memory_space<hbm>>
      tpu.enqueue_indirect_dma source(%dma_start3A_285 : memref<400x128xf32, #tpu.memory_space<hbm>>) target(%arg23 : memref<32x128xf32, #tpu.memory_space<vmem>>) offsets(%dma_start3A_282 : memref<32xi32, #tpu.memory_space<vmem>>) semaphore(%arg30 : memref<!tpu.dma_semaphore, #tpu.memory_space<semaphore_mem>>)
      %add3A_286 = arith.constant 0 : i32
      %add3A_287 = arith.addi %multiple_of3A, %add3A_286 : i32
      %get3A = arith.index_cast %add3A_287 : i32 to index
      %get3A_288 = tpu.vector_load %arg17[%get3A] {strides = array<i32>} : memref<2048xi32, #tpu.memory_space<vmem>>, vector<16xi32>,
      %swap3A = arith.constant 0 : index
      %swap3A_289 = tpu.vector_load %arg27[%swap3A] {strides = array<i32>} : memref<32xi32, #tpu.memory_space<vmem>>, vector<16xi32>,
      tpu.vector_store %arg27[%swap3A], %get3A_288 {strides = array<i32>} : memref<32xi32, #tpu.memory_space<vmem>>, vector<16xi32>,
      %add3A_290 = arith.constant 16 : i32
      %add3A_291 = arith.addi %multiple_of3A, %add3A_290 : i32
      %get3A_292 = arith.index_cast %add3A_291 : i32 to index
      %get3A_293 = tpu.vector_load %arg17[%get3A_292] {strides = array<i32>} : memref<2048xi32, #tpu.memory_space<vmem>>, vector<16xi32>,
      %swap3A_294 = arith.constant 16 : index
      %swap3A_295 = tpu.vector_load %arg27[%swap3A_294] {strides = array<i32>} : memref<32xi32, #tpu.memory_space<vmem>>, vector<16xi32>,
      tpu.vector_store %arg27[%swap3A_294], %get3A_293 {strides = array<i32>} : memref<32xi32, #tpu.memory_space<vmem>>, vector<16xi32>,
    } else {
    }
    %while3A_169 = arith.constant 0 : i32
    %while3A_170 = arith.constant 0 : i32
    %while3A_171 = arith.subi %select_n3A_166, %while3A_170 : i32
    %while3A_172 = arith.addi %while3A_170, %while3A_171 : i32
    %while3A_173 = arith.constant 1 : i32
    %while3A_174 = arith.divsi %while3A_171, %while3A_173 : i32
    %while3A_175 = arith.muli %while3A_174, %while3A_173 : i32
    %while3A_176 = arith.addi %while3A_170, %while3A_175 : i32
    %while3A_177 = arith.constant 1 : i32
    scf.for %while3A_276 = %while3A_170 to %while3A_176 step %while3A_177  : i32 {
      %mul3A_277 = arith.constant 2 : i32
      %mul3A_278 = arith.muli %mul3A_277, %while3A_276 : i32
      %mul3A_279 = arith.constant 32 : i32
      %mul3A_280 = arith.muli %mul3A_278, %mul3A_279 : i32
      %add3A_281 = arith.addi %scan3A_63#1, %mul3A_280 : i32
      %and3A_282 = arith.constant 2047 : i32
      %and3A_283 = arith.andi %add3A_281, %and3A_282 : i32
      %multiple_of3A = tpu.assume_multiple %and3A_283, 32 : i32
      %dma_wait3A_284 = tpu.memref_slice %arg16[%multiple_of3A] : memref<2048xi32, #tpu.memory_space<vmem>> -> memref<32xi32, #tpu.memory_space<vmem>>
      %dma_wait3A_285 = arith.constant 0 : i32
      %dma_wait3A_286 = arith.constant 0 : i32
      %dma_wait3A_287 = tpu.memref_slice %arg2[%dma_wait3A_285, %dma_wait3A_286] : memref<10000x128xf32, #tpu.memory_space<hbm>> -> memref<10000x128xf32, #tpu.memory_space<hbm>>
      tpu.wait_indirect_dma semaphore(%arg30 : memref<!tpu.dma_semaphore, #tpu.memory_space<semaphore_mem>>) src(%dma_wait3A_287 : memref<10000x128xf32, #tpu.memory_space<hbm>>) dst(%arg21 : memref<32x128xf32, #tpu.memory_space<vmem>>)
      %dma_wait3A_288 = tpu.memref_slice %arg18[%multiple_of3A] : memref<2048xi32, #tpu.memory_space<vmem>> -> memref<32xi32, #tpu.memory_space<vmem>>
      %dma_wait3A_289 = arith.constant 0 : i32
      %dma_wait3A_290 = arith.constant 0 : i32
      %dma_wait3A_291 = tpu.memref_slice %arg3[%dma_wait3A_289, %dma_wait3A_290] : memref<400x128xf32, #tpu.memory_space<hbm>> -> memref<400x128xf32, #tpu.memory_space<hbm>>
      tpu.wait_indirect_dma semaphore(%arg30 : memref<!tpu.dma_semaphore, #tpu.memory_space<semaphore_mem>>) src(%dma_wait3A_291 : memref<400x128xf32, #tpu.memory_space<hbm>>) dst(%arg23 : memref<32x128xf32, #tpu.memory_space<vmem>>)
      %add3A_292 = arith.constant 32 : i32
      %add3A_293 = arith.addi %add3A_281, %add3A_292 : i32
      %and3A_294 = arith.constant 2047 : i32
      %and3A_295 = arith.andi %add3A_293, %and3A_294 : i32
      %multiple_of3A_296 = tpu.assume_multiple %and3A_295, 32 : i32
      %dma_start3A_297 = tpu.memref_slice %arg16[%multiple_of3A_296] : memref<2048xi32, #tpu.memory_space<vmem>> -> memref<32xi32, #tpu.memory_space<vmem>>
      %dma_start3A_298 = arith.constant 0 : i32
      %dma_start3A_299 = arith.constant 0 : i32
      %dma_start3A_300 = tpu.memref_slice %arg2[%dma_start3A_298, %dma_start3A_299] : memref<10000x128xf32, #tpu.memory_space<hbm>> -> memref<10000x128xf32, #tpu.memory_space<hbm>>
      tpu.enqueue_indirect_dma source(%dma_start3A_300 : memref<10000x128xf32, #tpu.memory_space<hbm>>) target(%arg22 : memref<32x128xf32, #tpu.memory_space<vmem>>) offsets(%dma_start3A_297 : memref<32xi32, #tpu.memory_space<vmem>>) semaphore(%arg31 : memref<!tpu.dma_semaphore, #tpu.memory_space<semaphore_mem>>)
      %dma_start3A_301 = tpu.memref_slice %arg18[%multiple_of3A_296] : memref<2048xi32, #tpu.memory_space<vmem>> -> memref<32xi32, #tpu.memory_space<vmem>>
      %dma_start3A_302 = arith.constant 0 : i32
      %dma_start3A_303 = arith.constant 0 : i32
      %dma_start3A_304 = tpu.memref_slice %arg3[%dma_start3A_302, %dma_start3A_303] : memref<400x128xf32, #tpu.memory_space<hbm>> -> memref<400x128xf32, #tpu.memory_space<hbm>>
      tpu.enqueue_indirect_dma source(%dma_start3A_304 : memref<400x128xf32, #tpu.memory_space<hbm>>) target(%arg24 : memref<32x128xf32, #tpu.memory_space<vmem>>) offsets(%dma_start3A_301 : memref<32xi32, #tpu.memory_space<vmem>>) semaphore(%arg31 : memref<!tpu.dma_semaphore, #tpu.memory_space<semaphore_mem>>)
      %add3A_305 = arith.constant 0 : i32
      %add3A_306 = arith.addi %multiple_of3A_296, %add3A_305 : i32
      %get3A = arith.index_cast %add3A_306 : i32 to index
      %get3A_307 = tpu.vector_load %arg17[%get3A] {strides = array<i32>} : memref<2048xi32, #tpu.memory_space<vmem>>, vector<16xi32>,
      %swap3A = arith.constant 0 : index
      %swap3A_308 = tpu.vector_load %arg28[%swap3A] {strides = array<i32>} : memref<32xi32, #tpu.memory_space<vmem>>, vector<16xi32>,
      tpu.vector_store %arg28[%swap3A], %get3A_307 {strides = array<i32>} : memref<32xi32, #tpu.memory_space<vmem>>, vector<16xi32>,
      %add3A_309 = arith.constant 16 : i32
      %add3A_310 = arith.addi %multiple_of3A_296, %add3A_309 : i32
      %get3A_311 = arith.index_cast %add3A_310 : i32 to index
      %get3A_312 = tpu.vector_load %arg17[%get3A_311] {strides = array<i32>} : memref<2048xi32, #tpu.memory_space<vmem>>, vector<16xi32>,
      %swap3A_313 = arith.constant 16 : index
      %swap3A_314 = tpu.vector_load %arg28[%swap3A_313] {strides = array<i32>} : memref<32xi32, #tpu.memory_space<vmem>>, vector<16xi32>,
      tpu.vector_store %arg28[%swap3A_313], %get3A_312 {strides = array<i32>} : memref<32xi32, #tpu.memory_space<vmem>>, vector<16xi32>,
      %scan3A_315 = arith.constant 0 : i32
      %scan3A_316 = arith.constant 0 : i32
      %scan3A_317 = arith.constant 32 : i32
      %scan3A_318 = arith.addi %scan3A_316, %scan3A_317 : i32
      %scan3A_319 = arith.constant 1 : i32
      scf.for %scan3A_346 = %scan3A_316 to %scan3A_318 step %scan3A_319  : i32 {
        %get3A_347 = arith.index_cast %scan3A_346 : i32 to index
        %get3A_348 = arith.constant 0 : index
        %get3A_349 = tpu.vector_load %arg21[%get3A_347, %get3A_348] {strides = array<i32>} : memref<32x128xf32, #tpu.memory_space<vmem>>, vector<16xf32>,
        %get3A_350 = arith.index_cast %scan3A_346 : i32 to index
        %get3A_351 = arith.constant 0 : index
        %get3A_352 = tpu.vector_load %arg23[%get3A_350, %get3A_351] {strides = array<i32>} : memref<32x128xf32, #tpu.memory_space<vmem>>, vector<16xf32>,
        %add3A_353 = arith.addf %get3A_349, %get3A_352 : vector<16xf32>
        %max3A = arith.constant 0.000000e+00 : f32
        %max3A_354 = vector.broadcast %max3A : f32 to vector<16xf32>
        %max3A_355 = arith.maximumf %add3A_353, %max3A_354 : vector<16xf32>
        %swap3A_356 = arith.index_cast %scan3A_346 : i32 to index
        %swap3A_357 = arith.constant 0 : index
        %swap3A_358 = tpu.vector_load %arg21[%swap3A_356, %swap3A_357] {strides = array<i32>} : memref<32x128xf32, #tpu.memory_space<vmem>>, vector<16xf32>,
        tpu.vector_store %arg21[%swap3A_356, %swap3A_357], %max3A_355 {strides = array<i32>} : memref<32x128xf32, #tpu.memory_space<vmem>>, vector<16xf32>,
        %get3A_359 = arith.index_cast %scan3A_346 : i32 to index
        %get3A_360 = arith.constant 16 : index
        %get3A_361 = tpu.vector_load %arg21[%get3A_359, %get3A_360] {strides = array<i32>} : memref<32x128xf32, #tpu.memory_space<vmem>>, vector<16xf32>,
        %get3A_362 = arith.index_cast %scan3A_346 : i32 to index
        %get3A_363 = arith.constant 16 : index
        %get3A_364 = tpu.vector_load %arg23[%get3A_362, %get3A_363] {strides = array<i32>} : memref<32x128xf32, #tpu.memory_space<vmem>>, vector<16xf32>,
        %add3A_365 = arith.addf %get3A_361, %get3A_364 : vector<16xf32>
        %max3A_366 = arith.constant 0.000000e+00 : f32
        %max3A_367 = vector.broadcast %max3A_366 : f32 to vector<16xf32>
        %max3A_368 = arith.maximumf %add3A_365, %max3A_367 : vector<16xf32>
        %swap3A_369 = arith.index_cast %scan3A_346 : i32 to index
        %swap3A_370 = arith.constant 16 : index
        %swap3A_371 = tpu.vector_load %arg21[%swap3A_369, %swap3A_370] {strides = array<i32>} : memref<32x128xf32, #tpu.memory_space<vmem>>, vector<16xf32>,
        tpu.vector_store %arg21[%swap3A_369, %swap3A_370], %max3A_368 {strides = array<i32>} : memref<32x128xf32, #tpu.memory_space<vmem>>, vector<16xf32>,
        %get3A_372 = arith.index_cast %scan3A_346 : i32 to index
        %get3A_373 = arith.constant 32 : index
        %get3A_374 = tpu.vector_load %arg21[%get3A_372, %get3A_373] {strides = array<i32>} : memref<32x128xf32, #tpu.memory_space<vmem>>, vector<16xf32>,
        %get3A_375 = arith.index_cast %scan3A_346 : i32 to index
        %get3A_376 = arith.constant 32 : index
        %get3A_377 = tpu.vector_load %arg23[%get3A_375, %get3A_376] {strides = array<i32>} : memref<32x128xf32, #tpu.memory_space<vmem>>, vector<16xf32>,
        %add3A_378 = arith.addf %get3A_374, %get3A_377 : vector<16xf32>
        %max3A_379 = arith.constant 0.000000e+00 : f32
        %max3A_380 = vector.broadcast %max3A_379 : f32 to vector<16xf32>
        %max3A_381 = arith.maximumf %add3A_378, %max3A_380 : vector<16xf32>
        %swap3A_382 = arith.index_cast %scan3A_346 : i32 to index
        %swap3A_383 = arith.constant 32 : index
        %swap3A_384 = tpu.vector_load %arg21[%swap3A_382, %swap3A_383] {strides = array<i32>} : memref<32x128xf32, #tpu.memory_space<vmem>>, vector<16xf32>,
        tpu.vector_store %arg21[%swap3A_382, %swap3A_383], %max3A_381 {strides = array<i32>} : memref<32x128xf32, #tpu.memory_space<vmem>>, vector<16xf32>,
        %get3A_385 = arith.index_cast %scan3A_346 : i32 to index
        %get3A_386 = arith.constant 48 : index
        %get3A_387 = tpu.vector_load %arg21[%get3A_385, %get3A_386] {strides = array<i32>} : memref<32x128xf32, #tpu.memory_space<vmem>>, vector<16xf32>,
        %get3A_388 = arith.index_cast %scan3A_346 : i32 to index
        %get3A_389 = arith.constant 48 : index
        %get3A_390 = tpu.vector_load %arg23[%get3A_388, %get3A_389] {strides = array<i32>} : memref<32x128xf32, #tpu.memory_space<vmem>>, vector<16xf32>,
        %add3A_391 = arith.addf %get3A_387, %get3A_390 : vector<16xf32>
        %max3A_392 = arith.constant 0.000000e+00 : f32
        %max3A_393 = vector.broadcast %max3A_392 : f32 to vector<16xf32>
        %max3A_394 = arith.maximumf %add3A_391, %max3A_393 : vector<16xf32>
        %swap3A_395 = arith.index_cast %scan3A_346 : i32 to index
        %swap3A_396 = arith.constant 48 : index
        %swap3A_397 = tpu.vector_load %arg21[%swap3A_395, %swap3A_396] {strides = array<i32>} : memref<32x128xf32, #tpu.memory_space<vmem>>, vector<16xf32>,
        tpu.vector_store %arg21[%swap3A_395, %swap3A_396], %max3A_394 {strides = array<i32>} : memref<32x128xf32, #tpu.memory_space<vmem>>, vector<16xf32>,
        %get3A_398 = arith.index_cast %scan3A_346 : i32 to index
        %get3A_399 = arith.constant 64 : index
        %get3A_400 = tpu.vector_load %arg21[%get3A_398, %get3A_399] {strides = array<i32>} : memref<32x128xf32, #tpu.memory_space<vmem>>, vector<16xf32>,
        %get3A_401 = arith.index_cast %scan3A_346 : i32 to index
        %get3A_402 = arith.constant 64 : index
        %get3A_403 = tpu.vector_load %arg23[%get3A_401, %get3A_402] {strides = array<i32>} : memref<32x128xf32, #tpu.memory_space<vmem>>, vector<16xf32>,
        %add3A_404 = arith.addf %get3A_400, %get3A_403 : vector<16xf32>
        %max3A_405 = arith.constant 0.000000e+00 : f32
        %max3A_406 = vector.broadcast %max3A_405 : f32 to vector<16xf32>
        %max3A_407 = arith.maximumf %add3A_404, %max3A_406 : vector<16xf32>
        %swap3A_408 = arith.index_cast %scan3A_346 : i32 to index
        %swap3A_409 = arith.constant 64 : index
        %swap3A_410 = tpu.vector_load %arg21[%swap3A_408, %swap3A_409] {strides = array<i32>} : memref<32x128xf32, #tpu.memory_space<vmem>>, vector<16xf32>,
        tpu.vector_store %arg21[%swap3A_408, %swap3A_409], %max3A_407 {strides = array<i32>} : memref<32x128xf32, #tpu.memory_space<vmem>>, vector<16xf32>,
        %get3A_411 = arith.index_cast %scan3A_346 : i32 to index
        %get3A_412 = arith.constant 80 : index
        %get3A_413 = tpu.vector_load %arg21[%get3A_411, %get3A_412] {strides = array<i32>} : memref<32x128xf32, #tpu.memory_space<vmem>>, vector<16xf32>,
        %get3A_414 = arith.index_cast %scan3A_346 : i32 to index
        %get3A_415 = arith.constant 80 : index
        %get3A_416 = tpu.vector_load %arg23[%get3A_414, %get3A_415] {strides = array<i32>} : memref<32x128xf32, #tpu.memory_space<vmem>>, vector<16xf32>,
        %add3A_417 = arith.addf %get3A_413, %get3A_416 : vector<16xf32>
        %max3A_418 = arith.constant 0.000000e+00 : f32
        %max3A_419 = vector.broadcast %max3A_418 : f32 to vector<16xf32>
        %max3A_420 = arith.maximumf %add3A_417, %max3A_419 : vector<16xf32>
        %swap3A_421 = arith.index_cast %scan3A_346 : i32 to index
        %swap3A_422 = arith.constant 80 : index
        %swap3A_423 = tpu.vector_load %arg21[%swap3A_421, %swap3A_422] {strides = array<i32>} : memref<32x128xf32, #tpu.memory_space<vmem>>, vector<16xf32>,
        tpu.vector_store %arg21[%swap3A_421, %swap3A_422], %max3A_420 {strides = array<i32>} : memref<32x128xf32, #tpu.memory_space<vmem>>, vector<16xf32>,
        %get3A_424 = arith.index_cast %scan3A_346 : i32 to index
        %get3A_425 = arith.constant 96 : index
        %get3A_426 = tpu.vector_load %arg21[%get3A_424, %get3A_425] {strides = array<i32>} : memref<32x128xf32, #tpu.memory_space<vmem>>, vector<16xf32>,
        %get3A_427 = arith.index_cast %scan3A_346 : i32 to index
        %get3A_428 = arith.constant 96 : index
        %get3A_429 = tpu.vector_load %arg23[%get3A_427, %get3A_428] {strides = array<i32>} : memref<32x128xf32, #tpu.memory_space<vmem>>, vector<16xf32>,
        %add3A_430 = arith.addf %get3A_426, %get3A_429 : vector<16xf32>
        %max3A_431 = arith.constant 0.000000e+00 : f32
        %max3A_432 = vector.broadcast %max3A_431 : f32 to vector<16xf32>
        %max3A_433 = arith.maximumf %add3A_430, %max3A_432 : vector<16xf32>
        %swap3A_434 = arith.index_cast %scan3A_346 : i32 to index
        %swap3A_435 = arith.constant 96 : index
        %swap3A_436 = tpu.vector_load %arg21[%swap3A_434, %swap3A_435] {strides = array<i32>} : memref<32x128xf32, #tpu.memory_space<vmem>>, vector<16xf32>,
        tpu.vector_store %arg21[%swap3A_434, %swap3A_435], %max3A_433 {strides = array<i32>} : memref<32x128xf32, #tpu.memory_space<vmem>>, vector<16xf32>,
        %get3A_437 = arith.index_cast %scan3A_346 : i32 to index
        %get3A_438 = arith.constant 112 : index
        %get3A_439 = tpu.vector_load %arg21[%get3A_437, %get3A_438] {strides = array<i32>} : memref<32x128xf32, #tpu.memory_space<vmem>>, vector<16xf32>,
        %get3A_440 = arith.index_cast %scan3A_346 : i32 to index
        %get3A_441 = arith.constant 112 : index
        %get3A_442 = tpu.vector_load %arg23[%get3A_440, %get3A_441] {strides = array<i32>} : memref<32x128xf32, #tpu.memory_space<vmem>>, vector<16xf32>,
        %add3A_443 = arith.addf %get3A_439, %get3A_442 : vector<16xf32>
        %max3A_444 = arith.constant 0.000000e+00 : f32
        %max3A_445 = vector.broadcast %max3A_444 : f32 to vector<16xf32>
        %max3A_446 = arith.maximumf %add3A_443, %max3A_445 : vector<16xf32>
        %swap3A_447 = arith.index_cast %scan3A_346 : i32 to index
        %swap3A_448 = arith.constant 112 : index
        %swap3A_449 = tpu.vector_load %arg21[%swap3A_447, %swap3A_448] {strides = array<i32>} : memref<32x128xf32, #tpu.memory_space<vmem>>, vector<16xf32>,
        tpu.vector_store %arg21[%swap3A_447, %swap3A_448], %max3A_446 {strides = array<i32>} : memref<32x128xf32, #tpu.memory_space<vmem>>, vector<16xf32>,
      }
      %scan3A_320 = arith.constant 32 : i32
      "tpu.region"() ({
        %run_scoped3A = tpu.sem_alloc : memref<!tpu.dma_semaphore, #tpu.memory_space<semaphore_mem>>
        %dma_start3A_346 = arith.constant 0 : i32
        %dma_start3A_347 = arith.constant 0 : i32
        %dma_start3A_348 = tpu.memref_slice %arg11[%dma_start3A_346, %dma_start3A_347] : memref<10016x128xf32, #tpu.memory_space<vmem_shared>> -> memref<10016x128xf32, #tpu.memory_space<vmem_shared>>
        tpu.enqueue_indirect_dma source(%arg21 : memref<32x128xf32, #tpu.memory_space<vmem>>) target(%dma_start3A_348 : memref<10016x128xf32, #tpu.memory_space<vmem_shared>>) offsets(%arg27 : memref<32xi32, #tpu.memory_space<vmem>>) semaphore(%run_scoped3A : memref<!tpu.dma_semaphore, #tpu.memory_space<semaphore_mem>>) {add = true}
        %dma_wait3A_349 = arith.constant 0 : i32
        %dma_wait3A_350 = arith.constant 0 : i32
        %dma_wait3A_351 = tpu.memref_slice %arg11[%dma_wait3A_349, %dma_wait3A_350] : memref<10016x128xf32, #tpu.memory_space<vmem_shared>> -> memref<10016x128xf32, #tpu.memory_space<vmem_shared>>
        tpu.wait_indirect_dma semaphore(%run_scoped3A : memref<!tpu.dma_semaphore, #tpu.memory_space<semaphore_mem>>) src(%arg21 : memref<32x128xf32, #tpu.memory_space<vmem>>) dst(%dma_wait3A_351 : memref<10016x128xf32, #tpu.memory_space<vmem_shared>>)
        tpu.yield
      }) : () -> ()
      "tpu.region"() ({
        %run_scoped3A = tpu.sem_alloc : memref<!tpu.dma_semaphore, #tpu.memory_space<semaphore_mem>>
        %dma_start3A_346 = arith.constant 0 : i32
        %dma_start3A_347 = arith.constant 0 : i32
        %dma_start3A_348 = tpu.memref_slice %arg12[%dma_start3A_346, %dma_start3A_347] : memref<10016x16xf32, #tpu.memory_space<vmem_shared>> -> memref<10016x16xf32, #tpu.memory_space<vmem_shared>>
        tpu.enqueue_indirect_dma source(%arg25 : memref<32x16xf32, #tpu.memory_space<vmem>>) target(%dma_start3A_348 : memref<10016x16xf32, #tpu.memory_space<vmem_shared>>) offsets(%arg27 : memref<32xi32, #tpu.memory_space<vmem>>) semaphore(%run_scoped3A : memref<!tpu.dma_semaphore, #tpu.memory_space<semaphore_mem>>) {add = true}
        %dma_wait3A_349 = arith.constant 0 : i32
        %dma_wait3A_350 = arith.constant 0 : i32
        %dma_wait3A_351 = tpu.memref_slice %arg12[%dma_wait3A_349, %dma_wait3A_350] : memref<10016x16xf32, #tpu.memory_space<vmem_shared>> -> memref<10016x16xf32, #tpu.memory_space<vmem_shared>>
        tpu.wait_indirect_dma semaphore(%run_scoped3A : memref<!tpu.dma_semaphore, #tpu.memory_space<semaphore_mem>>) src(%arg25 : memref<32x16xf32, #tpu.memory_space<vmem>>) dst(%dma_wait3A_351 : memref<10016x16xf32, #tpu.memory_space<vmem_shared>>)
        tpu.yield
      }) : () -> ()
      %add3A_321 = arith.constant 32 : i32
      %add3A_322 = arith.addi %add3A_281, %add3A_321 : i32
      %and3A_323 = arith.constant 2047 : i32
      %and3A_324 = arith.andi %add3A_322, %and3A_323 : i32
      %multiple_of3A_325 = tpu.assume_multiple %and3A_324, 32 : i32
      %dma_wait3A_326 = tpu.memref_slice %arg16[%multiple_of3A_325] : memref<2048xi32, #tpu.memory_space<vmem>> -> memref<32xi32, #tpu.memory_space<vmem>>
      %dma_wait3A_327 = arith.constant 0 : i32
      %dma_wait3A_328 = arith.constant 0 : i32
      %dma_wait3A_329 = tpu.memref_slice %arg2[%dma_wait3A_327, %dma_wait3A_328] : memref<10000x128xf32, #tpu.memory_space<hbm>> -> memref<10000x128xf32, #tpu.memory_space<hbm>>
      tpu.wait_indirect_dma semaphore(%arg31 : memref<!tpu.dma_semaphore, #tpu.memory_space<semaphore_mem>>) src(%dma_wait3A_329 : memref<10000x128xf32, #tpu.memory_space<hbm>>) dst(%arg22 : memref<32x128xf32, #tpu.memory_space<vmem>>)
      %dma_wait3A_330 = tpu.memref_slice %arg18[%multiple_of3A_325] : memref<2048xi32, #tpu.memory_space<vmem>> -> memref<32xi32, #tpu.memory_space<vmem>>
      %dma_wait3A_331 = arith.constant 0 : i32
      %dma_wait3A_332 = arith.constant 0 : i32
      %dma_wait3A_333 = tpu.memref_slice %arg3[%dma_wait3A_331, %dma_wait3A_332] : memref<400x128xf32, #tpu.memory_space<hbm>> -> memref<400x128xf32, #tpu.memory_space<hbm>>
      tpu.wait_indirect_dma semaphore(%arg31 : memref<!tpu.dma_semaphore, #tpu.memory_space<semaphore_mem>>) src(%dma_wait3A_333 : memref<400x128xf32, #tpu.memory_space<hbm>>) dst(%arg24 : memref<32x128xf32, #tpu.memory_space<vmem>>)
      %add3A_334 = arith.constant 1 : i32
      %add3A_335 = arith.addi %while3A_276, %add3A_334 : i32
      %lt3A_336 = arith.cmpi slt, %add3A_335, %select_n3A_166 : i32
      %convert_element_type3A_337 = arith.extui %lt3A_336 : i1 to i32
      %cond3A_338 = arith.constant 0 : i32
      %cond3A_339 = arith.cmpi ne, %convert_element_type3A_337, %cond3A_338 : i32
      scf.if %cond3A_339 {
        %add3A_346 = arith.constant 64 : i32
        %add3A_347 = arith.addi %add3A_281, %add3A_346 : i32
        %and3A_348 = arith.constant 2047 : i32
        %and3A_349 = arith.andi %add3A_347, %and3A_348 : i32
        %multiple_of3A_350 = tpu.assume_multiple %and3A_349, 32 : i32
        %dma_start3A_351 = tpu.memref_slice %arg16[%multiple_of3A_350] : memref<2048xi32, #tpu.memory_space<vmem>> -> memref<32xi32, #tpu.memory_space<vmem>>
        %dma_start3A_352 = arith.constant 0 : i32
        %dma_start3A_353 = arith.constant 0 : i32
        %dma_start3A_354 = tpu.memref_slice %arg2[%dma_start3A_352, %dma_start3A_353] : memref<10000x128xf32, #tpu.memory_space<hbm>> -> memref<10000x128xf32, #tpu.memory_space<hbm>>
        tpu.enqueue_indirect_dma source(%dma_start3A_354 : memref<10000x128xf32, #tpu.memory_space<hbm>>) target(%arg21 : memref<32x128xf32, #tpu.memory_space<vmem>>) offsets(%dma_start3A_351 : memref<32xi32, #tpu.memory_space<vmem>>) semaphore(%arg30 : memref<!tpu.dma_semaphore, #tpu.memory_space<semaphore_mem>>)
        %dma_start3A_355 = tpu.memref_slice %arg18[%multiple_of3A_350] : memref<2048xi32, #tpu.memory_space<vmem>> -> memref<32xi32, #tpu.memory_space<vmem>>
        %dma_start3A_356 = arith.constant 0 : i32
        %dma_start3A_357 = arith.constant 0 : i32
        %dma_start3A_358 = tpu.memref_slice %arg3[%dma_start3A_356, %dma_start3A_357] : memref<400x128xf32, #tpu.memory_space<hbm>> -> memref<400x128xf32, #tpu.memory_space<hbm>>
        tpu.enqueue_indirect_dma source(%dma_start3A_358 : memref<400x128xf32, #tpu.memory_space<hbm>>) target(%arg23 : memref<32x128xf32, #tpu.memory_space<vmem>>) offsets(%dma_start3A_355 : memref<32xi32, #tpu.memory_space<vmem>>) semaphore(%arg30 : memref<!tpu.dma_semaphore, #tpu.memory_space<semaphore_mem>>)
        %add3A_359 = arith.constant 0 : i32
        %add3A_360 = arith.addi %multiple_of3A_350, %add3A_359 : i32
        %get3A_361 = arith.index_cast %add3A_360 : i32 to index
        %get3A_362 = tpu.vector_load %arg17[%get3A_361] {strides = array<i32>} : memref<2048xi32, #tpu.memory_space<vmem>>, vector<16xi32>,
        %swap3A_363 = arith.constant 0 : index
        %swap3A_364 = tpu.vector_load %arg27[%swap3A_363] {strides = array<i32>} : memref<32xi32, #tpu.memory_space<vmem>>, vector<16xi32>,
        tpu.vector_store %arg27[%swap3A_363], %get3A_362 {strides = array<i32>} : memref<32xi32, #tpu.memory_space<vmem>>, vector<16xi32>,
        %add3A_365 = arith.constant 16 : i32
        %add3A_366 = arith.addi %multiple_of3A_350, %add3A_365 : i32
        %get3A_367 = arith.index_cast %add3A_366 : i32 to index
        %get3A_368 = tpu.vector_load %arg17[%get3A_367] {strides = array<i32>} : memref<2048xi32, #tpu.memory_space<vmem>>, vector<16xi32>,
        %swap3A_369 = arith.constant 16 : index
        %swap3A_370 = tpu.vector_load %arg27[%swap3A_369] {strides = array<i32>} : memref<32xi32, #tpu.memory_space<vmem>>, vector<16xi32>,
        tpu.vector_store %arg27[%swap3A_369], %get3A_368 {strides = array<i32>} : memref<32xi32, #tpu.memory_space<vmem>>, vector<16xi32>,
      } else {
      }
      %scan3A_340 = arith.constant 0 : i32
      %scan3A_341 = arith.constant 0 : i32
      %scan3A_342 = arith.constant 32 : i32
      %scan3A_343 = arith.addi %scan3A_341, %scan3A_342 : i32
      %scan3A_344 = arith.constant 1 : i32
      scf.for %scan3A_346 = %scan3A_341 to %scan3A_343 step %scan3A_344  : i32 {
        %get3A_347 = arith.index_cast %scan3A_346 : i32 to index
        %get3A_348 = arith.constant 0 : index
        %get3A_349 = tpu.vector_load %arg22[%get3A_347, %get3A_348] {strides = array<i32>} : memref<32x128xf32, #tpu.memory_space<vmem>>, vector<16xf32>,
        %get3A_350 = arith.index_cast %scan3A_346 : i32 to index
        %get3A_351 = arith.constant 0 : index
        %get3A_352 = tpu.vector_load %arg24[%get3A_350, %get3A_351] {strides = array<i32>} : memref<32x128xf32, #tpu.memory_space<vmem>>, vector<16xf32>,
        %add3A_353 = arith.addf %get3A_349, %get3A_352 : vector<16xf32>
        %max3A = arith.constant 0.000000e+00 : f32
        %max3A_354 = vector.broadcast %max3A : f32 to vector<16xf32>
        %max3A_355 = arith.maximumf %add3A_353, %max3A_354 : vector<16xf32>
        %swap3A_356 = arith.index_cast %scan3A_346 : i32 to index
        %swap3A_357 = arith.constant 0 : index
        %swap3A_358 = tpu.vector_load %arg22[%swap3A_356, %swap3A_357] {strides = array<i32>} : memref<32x128xf32, #tpu.memory_space<vmem>>, vector<16xf32>,
        tpu.vector_store %arg22[%swap3A_356, %swap3A_357], %max3A_355 {strides = array<i32>} : memref<32x128xf32, #tpu.memory_space<vmem>>, vector<16xf32>,
        %get3A_359 = arith.index_cast %scan3A_346 : i32 to index
        %get3A_360 = arith.constant 16 : index
        %get3A_361 = tpu.vector_load %arg22[%get3A_359, %get3A_360] {strides = array<i32>} : memref<32x128xf32, #tpu.memory_space<vmem>>, vector<16xf32>,
        %get3A_362 = arith.index_cast %scan3A_346 : i32 to index
        %get3A_363 = arith.constant 16 : index
        %get3A_364 = tpu.vector_load %arg24[%get3A_362, %get3A_363] {strides = array<i32>} : memref<32x128xf32, #tpu.memory_space<vmem>>, vector<16xf32>,
        %add3A_365 = arith.addf %get3A_361, %get3A_364 : vector<16xf32>
        %max3A_366 = arith.constant 0.000000e+00 : f32
        %max3A_367 = vector.broadcast %max3A_366 : f32 to vector<16xf32>
        %max3A_368 = arith.maximumf %add3A_365, %max3A_367 : vector<16xf32>
        %swap3A_369 = arith.index_cast %scan3A_346 : i32 to index
        %swap3A_370 = arith.constant 16 : index
        %swap3A_371 = tpu.vector_load %arg22[%swap3A_369, %swap3A_370] {strides = array<i32>} : memref<32x128xf32, #tpu.memory_space<vmem>>, vector<16xf32>,
        tpu.vector_store %arg22[%swap3A_369, %swap3A_370], %max3A_368 {strides = array<i32>} : memref<32x128xf32, #tpu.memory_space<vmem>>, vector<16xf32>,
        %get3A_372 = arith.index_cast %scan3A_346 : i32 to index
        %get3A_373 = arith.constant 32 : index
        %get3A_374 = tpu.vector_load %arg22[%get3A_372, %get3A_373] {strides = array<i32>} : memref<32x128xf32, #tpu.memory_space<vmem>>, vector<16xf32>,
        %get3A_375 = arith.index_cast %scan3A_346 : i32 to index
        %get3A_376 = arith.constant 32 : index
        %get3A_377 = tpu.vector_load %arg24[%get3A_375, %get3A_376] {strides = array<i32>} : memref<32x128xf32, #tpu.memory_space<vmem>>, vector<16xf32>,
        %add3A_378 = arith.addf %get3A_374, %get3A_377 : vector<16xf32>
        %max3A_379 = arith.constant 0.000000e+00 : f32
        %max3A_380 = vector.broadcast %max3A_379 : f32 to vector<16xf32>
        %max3A_381 = arith.maximumf %add3A_378, %max3A_380 : vector<16xf32>
        %swap3A_382 = arith.index_cast %scan3A_346 : i32 to index
        %swap3A_383 = arith.constant 32 : index
        %swap3A_384 = tpu.vector_load %arg22[%swap3A_382, %swap3A_383] {strides = array<i32>} : memref<32x128xf32, #tpu.memory_space<vmem>>, vector<16xf32>,
        tpu.vector_store %arg22[%swap3A_382, %swap3A_383], %max3A_381 {strides = array<i32>} : memref<32x128xf32, #tpu.memory_space<vmem>>, vector<16xf32>,
        %get3A_385 = arith.index_cast %scan3A_346 : i32 to index
        %get3A_386 = arith.constant 48 : index
        %get3A_387 = tpu.vector_load %arg22[%get3A_385, %get3A_386] {strides = array<i32>} : memref<32x128xf32, #tpu.memory_space<vmem>>, vector<16xf32>,
        %get3A_388 = arith.index_cast %scan3A_346 : i32 to index
        %get3A_389 = arith.constant 48 : index
        %get3A_390 = tpu.vector_load %arg24[%get3A_388, %get3A_389] {strides = array<i32>} : memref<32x128xf32, #tpu.memory_space<vmem>>, vector<16xf32>,
        %add3A_391 = arith.addf %get3A_387, %get3A_390 : vector<16xf32>
        %max3A_392 = arith.constant 0.000000e+00 : f32
        %max3A_393 = vector.broadcast %max3A_392 : f32 to vector<16xf32>
        %max3A_394 = arith.maximumf %add3A_391, %max3A_393 : vector<16xf32>
        %swap3A_395 = arith.index_cast %scan3A_346 : i32 to index
        %swap3A_396 = arith.constant 48 : index
        %swap3A_397 = tpu.vector_load %arg22[%swap3A_395, %swap3A_396] {strides = array<i32>} : memref<32x128xf32, #tpu.memory_space<vmem>>, vector<16xf32>,
        tpu.vector_store %arg22[%swap3A_395, %swap3A_396], %max3A_394 {strides = array<i32>} : memref<32x128xf32, #tpu.memory_space<vmem>>, vector<16xf32>,
        %get3A_398 = arith.index_cast %scan3A_346 : i32 to index
        %get3A_399 = arith.constant 64 : index
        %get3A_400 = tpu.vector_load %arg22[%get3A_398, %get3A_399] {strides = array<i32>} : memref<32x128xf32, #tpu.memory_space<vmem>>, vector<16xf32>,
        %get3A_401 = arith.index_cast %scan3A_346 : i32 to index
        %get3A_402 = arith.constant 64 : index
        %get3A_403 = tpu.vector_load %arg24[%get3A_401, %get3A_402] {strides = array<i32>} : memref<32x128xf32, #tpu.memory_space<vmem>>, vector<16xf32>,
        %add3A_404 = arith.addf %get3A_400, %get3A_403 : vector<16xf32>
        %max3A_405 = arith.constant 0.000000e+00 : f32
        %max3A_406 = vector.broadcast %max3A_405 : f32 to vector<16xf32>
        %max3A_407 = arith.maximumf %add3A_404, %max3A_406 : vector<16xf32>
        %swap3A_408 = arith.index_cast %scan3A_346 : i32 to index
        %swap3A_409 = arith.constant 64 : index
        %swap3A_410 = tpu.vector_load %arg22[%swap3A_408, %swap3A_409] {strides = array<i32>} : memref<32x128xf32, #tpu.memory_space<vmem>>, vector<16xf32>,
        tpu.vector_store %arg22[%swap3A_408, %swap3A_409], %max3A_407 {strides = array<i32>} : memref<32x128xf32, #tpu.memory_space<vmem>>, vector<16xf32>,
        %get3A_411 = arith.index_cast %scan3A_346 : i32 to index
        %get3A_412 = arith.constant 80 : index
        %get3A_413 = tpu.vector_load %arg22[%get3A_411, %get3A_412] {strides = array<i32>} : memref<32x128xf32, #tpu.memory_space<vmem>>, vector<16xf32>,
        %get3A_414 = arith.index_cast %scan3A_346 : i32 to index
        %get3A_415 = arith.constant 80 : index
        %get3A_416 = tpu.vector_load %arg24[%get3A_414, %get3A_415] {strides = array<i32>} : memref<32x128xf32, #tpu.memory_space<vmem>>, vector<16xf32>,
        %add3A_417 = arith.addf %get3A_413, %get3A_416 : vector<16xf32>
        %max3A_418 = arith.constant 0.000000e+00 : f32
        %max3A_419 = vector.broadcast %max3A_418 : f32 to vector<16xf32>
        %max3A_420 = arith.maximumf %add3A_417, %max3A_419 : vector<16xf32>
        %swap3A_421 = arith.index_cast %scan3A_346 : i32 to index
        %swap3A_422 = arith.constant 80 : index
        %swap3A_423 = tpu.vector_load %arg22[%swap3A_421, %swap3A_422] {strides = array<i32>} : memref<32x128xf32, #tpu.memory_space<vmem>>, vector<16xf32>,
        tpu.vector_store %arg22[%swap3A_421, %swap3A_422], %max3A_420 {strides = array<i32>} : memref<32x128xf32, #tpu.memory_space<vmem>>, vector<16xf32>,
        %get3A_424 = arith.index_cast %scan3A_346 : i32 to index
        %get3A_425 = arith.constant 96 : index
        %get3A_426 = tpu.vector_load %arg22[%get3A_424, %get3A_425] {strides = array<i32>} : memref<32x128xf32, #tpu.memory_space<vmem>>, vector<16xf32>,
        %get3A_427 = arith.index_cast %scan3A_346 : i32 to index
        %get3A_428 = arith.constant 96 : index
        %get3A_429 = tpu.vector_load %arg24[%get3A_427, %get3A_428] {strides = array<i32>} : memref<32x128xf32, #tpu.memory_space<vmem>>, vector<16xf32>,
        %add3A_430 = arith.addf %get3A_426, %get3A_429 : vector<16xf32>
        %max3A_431 = arith.constant 0.000000e+00 : f32
        %max3A_432 = vector.broadcast %max3A_431 : f32 to vector<16xf32>
        %max3A_433 = arith.maximumf %add3A_430, %max3A_432 : vector<16xf32>
        %swap3A_434 = arith.index_cast %scan3A_346 : i32 to index
        %swap3A_435 = arith.constant 96 : index
        %swap3A_436 = tpu.vector_load %arg22[%swap3A_434, %swap3A_435] {strides = array<i32>} : memref<32x128xf32, #tpu.memory_space<vmem>>, vector<16xf32>,
        tpu.vector_store %arg22[%swap3A_434, %swap3A_435], %max3A_433 {strides = array<i32>} : memref<32x128xf32, #tpu.memory_space<vmem>>, vector<16xf32>,
        %get3A_437 = arith.index_cast %scan3A_346 : i32 to index
        %get3A_438 = arith.constant 112 : index
        %get3A_439 = tpu.vector_load %arg22[%get3A_437, %get3A_438] {strides = array<i32>} : memref<32x128xf32, #tpu.memory_space<vmem>>, vector<16xf32>,
        %get3A_440 = arith.index_cast %scan3A_346 : i32 to index
        %get3A_441 = arith.constant 112 : index
        %get3A_442 = tpu.vector_load %arg24[%get3A_440, %get3A_441] {strides = array<i32>} : memref<32x128xf32, #tpu.memory_space<vmem>>, vector<16xf32>,
        %add3A_443 = arith.addf %get3A_439, %get3A_442 : vector<16xf32>
        %max3A_444 = arith.constant 0.000000e+00 : f32
        %max3A_445 = vector.broadcast %max3A_444 : f32 to vector<16xf32>
        %max3A_446 = arith.maximumf %add3A_443, %max3A_445 : vector<16xf32>
        %swap3A_447 = arith.index_cast %scan3A_346 : i32 to index
        %swap3A_448 = arith.constant 112 : index
        %swap3A_449 = tpu.vector_load %arg22[%swap3A_447, %swap3A_448] {strides = array<i32>} : memref<32x128xf32, #tpu.memory_space<vmem>>, vector<16xf32>,
        tpu.vector_store %arg22[%swap3A_447, %swap3A_448], %max3A_446 {strides = array<i32>} : memref<32x128xf32, #tpu.memory_space<vmem>>, vector<16xf32>,
      }
      %scan3A_345 = arith.constant 32 : i32
      "tpu.region"() ({
        %run_scoped3A = tpu.sem_alloc : memref<!tpu.dma_semaphore, #tpu.memory_space<semaphore_mem>>
        %dma_start3A_346 = arith.constant 0 : i32
        %dma_start3A_347 = arith.constant 0 : i32
        %dma_start3A_348 = tpu.memref_slice %arg11[%dma_start3A_346, %dma_start3A_347] : memref<10016x128xf32, #tpu.memory_space<vmem_shared>> -> memref<10016x128xf32, #tpu.memory_space<vmem_shared>>
        tpu.enqueue_indirect_dma source(%arg22 : memref<32x128xf32, #tpu.memory_space<vmem>>) target(%dma_start3A_348 : memref<10016x128xf32, #tpu.memory_space<vmem_shared>>) offsets(%arg28 : memref<32xi32, #tpu.memory_space<vmem>>) semaphore(%run_scoped3A : memref<!tpu.dma_semaphore, #tpu.memory_space<semaphore_mem>>) {add = true}
        %dma_wait3A_349 = arith.constant 0 : i32
        %dma_wait3A_350 = arith.constant 0 : i32
        %dma_wait3A_351 = tpu.memref_slice %arg11[%dma_wait3A_349, %dma_wait3A_350] : memref<10016x128xf32, #tpu.memory_space<vmem_shared>> -> memref<10016x128xf32, #tpu.memory_space<vmem_shared>>
        tpu.wait_indirect_dma semaphore(%run_scoped3A : memref<!tpu.dma_semaphore, #tpu.memory_space<semaphore_mem>>) src(%arg22 : memref<32x128xf32, #tpu.memory_space<vmem>>) dst(%dma_wait3A_351 : memref<10016x128xf32, #tpu.memory_space<vmem_shared>>)
        tpu.yield
      }) : () -> ()
      "tpu.region"() ({
        %run_scoped3A = tpu.sem_alloc : memref<!tpu.dma_semaphore, #tpu.memory_space<semaphore_mem>>
        %dma_start3A_346 = arith.constant 0 : i32
        %dma_start3A_347 = arith.constant 0 : i32
        %dma_start3A_348 = tpu.memref_slice %arg12[%dma_start3A_346, %dma_start3A_347] : memref<10016x16xf32, #tpu.memory_space<vmem_shared>> -> memref<10016x16xf32, #tpu.memory_space<vmem_shared>>
        tpu.enqueue_indirect_dma source(%arg25 : memref<32x16xf32, #tpu.memory_space<vmem>>) target(%dma_start3A_348 : memref<10016x16xf32, #tpu.memory_space<vmem_shared>>) offsets(%arg28 : memref<32xi32, #tpu.memory_space<vmem>>) semaphore(%run_scoped3A : memref<!tpu.dma_semaphore, #tpu.memory_space<semaphore_mem>>) {add = true}
        %dma_wait3A_349 = arith.constant 0 : i32
        %dma_wait3A_350 = arith.constant 0 : i32
        %dma_wait3A_351 = tpu.memref_slice %arg12[%dma_wait3A_349, %dma_wait3A_350] : memref<10016x16xf32, #tpu.memory_space<vmem_shared>> -> memref<10016x16xf32, #tpu.memory_space<vmem_shared>>
        tpu.wait_indirect_dma semaphore(%run_scoped3A : memref<!tpu.dma_semaphore, #tpu.memory_space<semaphore_mem>>) src(%arg25 : memref<32x16xf32, #tpu.memory_space<vmem>>) dst(%dma_wait3A_351 : memref<10016x16xf32, #tpu.memory_space<vmem_shared>>)
        tpu.yield
      }) : () -> ()
    }
    %while3A_178 = arith.constant 1 : i32
    scf.for %while3A_276 = %while3A_176 to %while3A_172 step %while3A_178  : i32 {
      %mul3A_277 = arith.constant 2 : i32
      %mul3A_278 = arith.muli %mul3A_277, %while3A_276 : i32
      %mul3A_279 = arith.constant 32 : i32
      %mul3A_280 = arith.muli %mul3A_278, %mul3A_279 : i32
      %add3A_281 = arith.addi %scan3A_63#1, %mul3A_280 : i32
      %and3A_282 = arith.constant 2047 : i32
      %and3A_283 = arith.andi %add3A_281, %and3A_282 : i32
      %multiple_of3A = tpu.assume_multiple %and3A_283, 32 : i32
      %dma_wait3A_284 = tpu.memref_slice %arg16[%multiple_of3A] : memref<2048xi32, #tpu.memory_space<vmem>> -> memref<32xi32, #tpu.memory_space<vmem>>
      %dma_wait3A_285 = arith.constant 0 : i32
      %dma_wait3A_286 = arith.constant 0 : i32
      %dma_wait3A_287 = tpu.memref_slice %arg2[%dma_wait3A_285, %dma_wait3A_286] : memref<10000x128xf32, #tpu.memory_space<hbm>> -> memref<10000x128xf32, #tpu.memory_space<hbm>>
      tpu.wait_indirect_dma semaphore(%arg30 : memref<!tpu.dma_semaphore, #tpu.memory_space<semaphore_mem>>) src(%dma_wait3A_287 : memref<10000x128xf32, #tpu.memory_space<hbm>>) dst(%arg21 : memref<32x128xf32, #tpu.memory_space<vmem>>)
      %dma_wait3A_288 = tpu.memref_slice %arg18[%multiple_of3A] : memref<2048xi32, #tpu.memory_space<vmem>> -> memref<32xi32, #tpu.memory_space<vmem>>
      %dma_wait3A_289 = arith.constant 0 : i32
      %dma_wait3A_290 = arith.constant 0 : i32
      %dma_wait3A_291 = tpu.memref_slice %arg3[%dma_wait3A_289, %dma_wait3A_290] : memref<400x128xf32, #tpu.memory_space<hbm>> -> memref<400x128xf32, #tpu.memory_space<hbm>>
      tpu.wait_indirect_dma semaphore(%arg30 : memref<!tpu.dma_semaphore, #tpu.memory_space<semaphore_mem>>) src(%dma_wait3A_291 : memref<400x128xf32, #tpu.memory_space<hbm>>) dst(%arg23 : memref<32x128xf32, #tpu.memory_space<vmem>>)
      %add3A_292 = arith.constant 32 : i32
      %add3A_293 = arith.addi %add3A_281, %add3A_292 : i32
      %and3A_294 = arith.constant 2047 : i32
      %and3A_295 = arith.andi %add3A_293, %and3A_294 : i32
      %multiple_of3A_296 = tpu.assume_multiple %and3A_295, 32 : i32
      %dma_start3A_297 = tpu.memref_slice %arg16[%multiple_of3A_296] : memref<2048xi32, #tpu.memory_space<vmem>> -> memref<32xi32, #tpu.memory_space<vmem>>
      %dma_start3A_298 = arith.constant 0 : i32
      %dma_start3A_299 = arith.constant 0 : i32
      %dma_start3A_300 = tpu.memref_slice %arg2[%dma_start3A_298, %dma_start3A_299] : memref<10000x128xf32, #tpu.memory_space<hbm>> -> memref<10000x128xf32, #tpu.memory_space<hbm>>
      tpu.enqueue_indirect_dma source(%dma_start3A_300 : memref<10000x128xf32, #tpu.memory_space<hbm>>) target(%arg22 : memref<32x128xf32, #tpu.memory_space<vmem>>) offsets(%dma_start3A_297 : memref<32xi32, #tpu.memory_space<vmem>>) semaphore(%arg31 : memref<!tpu.dma_semaphore, #tpu.memory_space<semaphore_mem>>)
      %dma_start3A_301 = tpu.memref_slice %arg18[%multiple_of3A_296] : memref<2048xi32, #tpu.memory_space<vmem>> -> memref<32xi32, #tpu.memory_space<vmem>>
      %dma_start3A_302 = arith.constant 0 : i32
      %dma_start3A_303 = arith.constant 0 : i32
      %dma_start3A_304 = tpu.memref_slice %arg3[%dma_start3A_302, %dma_start3A_303] : memref<400x128xf32, #tpu.memory_space<hbm>> -> memref<400x128xf32, #tpu.memory_space<hbm>>
      tpu.enqueue_indirect_dma source(%dma_start3A_304 : memref<400x128xf32, #tpu.memory_space<hbm>>) target(%arg24 : memref<32x128xf32, #tpu.memory_space<vmem>>) offsets(%dma_start3A_301 : memref<32xi32, #tpu.memory_space<vmem>>) semaphore(%arg31 : memref<!tpu.dma_semaphore, #tpu.memory_space<semaphore_mem>>)
      %add3A_305 = arith.constant 0 : i32
      %add3A_306 = arith.addi %multiple_of3A_296, %add3A_305 : i32
      %get3A = arith.index_cast %add3A_306 : i32 to index
      %get3A_307 = tpu.vector_load %arg17[%get3A] {strides = array<i32>} : memref<2048xi32, #tpu.memory_space<vmem>>, vector<16xi32>,
      %swap3A = arith.constant 0 : index
      %swap3A_308 = tpu.vector_load %arg28[%swap3A] {strides = array<i32>} : memref<32xi32, #tpu.memory_space<vmem>>, vector<16xi32>,
      tpu.vector_store %arg28[%swap3A], %get3A_307 {strides = array<i32>} : memref<32xi32, #tpu.memory_space<vmem>>, vector<16xi32>,
      %add3A_309 = arith.constant 16 : i32
      %add3A_310 = arith.addi %multiple_of3A_296, %add3A_309 : i32
      %get3A_311 = arith.index_cast %add3A_310 : i32 to index
      %get3A_312 = tpu.vector_load %arg17[%get3A_311] {strides = array<i32>} : memref<2048xi32, #tpu.memory_space<vmem>>, vector<16xi32>,
      %swap3A_313 = arith.constant 16 : index
      %swap3A_314 = tpu.vector_load %arg28[%swap3A_313] {strides = array<i32>} : memref<32xi32, #tpu.memory_space<vmem>>, vector<16xi32>,
      tpu.vector_store %arg28[%swap3A_313], %get3A_312 {strides = array<i32>} : memref<32xi32, #tpu.memory_space<vmem>>, vector<16xi32>,
      %scan3A_315 = arith.constant 0 : i32
      %scan3A_316 = arith.constant 0 : i32
      %scan3A_317 = arith.constant 32 : i32
      %scan3A_318 = arith.addi %scan3A_316, %scan3A_317 : i32
      %scan3A_319 = arith.constant 1 : i32
      scf.for %scan3A_346 = %scan3A_316 to %scan3A_318 step %scan3A_319  : i32 {
        %get3A_347 = arith.index_cast %scan3A_346 : i32 to index
        %get3A_348 = arith.constant 0 : index
        %get3A_349 = tpu.vector_load %arg21[%get3A_347, %get3A_348] {strides = array<i32>} : memref<32x128xf32, #tpu.memory_space<vmem>>, vector<16xf32>,
        %get3A_350 = arith.index_cast %scan3A_346 : i32 to index
        %get3A_351 = arith.constant 0 : index
        %get3A_352 = tpu.vector_load %arg23[%get3A_350, %get3A_351] {strides = array<i32>} : memref<32x128xf32, #tpu.memory_space<vmem>>, vector<16xf32>,
        %add3A_353 = arith.addf %get3A_349, %get3A_352 : vector<16xf32>
        %max3A = arith.constant 0.000000e+00 : f32
        %max3A_354 = vector.broadcast %max3A : f32 to vector<16xf32>
        %max3A_355 = arith.maximumf %add3A_353, %max3A_354 : vector<16xf32>
        %swap3A_356 = arith.index_cast %scan3A_346 : i32 to index
        %swap3A_357 = arith.constant 0 : index
        %swap3A_358 = tpu.vector_load %arg21[%swap3A_356, %swap3A_357] {strides = array<i32>} : memref<32x128xf32, #tpu.memory_space<vmem>>, vector<16xf32>,
        tpu.vector_store %arg21[%swap3A_356, %swap3A_357], %max3A_355 {strides = array<i32>} : memref<32x128xf32, #tpu.memory_space<vmem>>, vector<16xf32>,
        %get3A_359 = arith.index_cast %scan3A_346 : i32 to index
        %get3A_360 = arith.constant 16 : index
        %get3A_361 = tpu.vector_load %arg21[%get3A_359, %get3A_360] {strides = array<i32>} : memref<32x128xf32, #tpu.memory_space<vmem>>, vector<16xf32>,
        %get3A_362 = arith.index_cast %scan3A_346 : i32 to index
        %get3A_363 = arith.constant 16 : index
        %get3A_364 = tpu.vector_load %arg23[%get3A_362, %get3A_363] {strides = array<i32>} : memref<32x128xf32, #tpu.memory_space<vmem>>, vector<16xf32>,
        %add3A_365 = arith.addf %get3A_361, %get3A_364 : vector<16xf32>
        %max3A_366 = arith.constant 0.000000e+00 : f32
        %max3A_367 = vector.broadcast %max3A_366 : f32 to vector<16xf32>
        %max3A_368 = arith.maximumf %add3A_365, %max3A_367 : vector<16xf32>
        %swap3A_369 = arith.index_cast %scan3A_346 : i32 to index
        %swap3A_370 = arith.constant 16 : index
        %swap3A_371 = tpu.vector_load %arg21[%swap3A_369, %swap3A_370] {strides = array<i32>} : memref<32x128xf32, #tpu.memory_space<vmem>>, vector<16xf32>,
        tpu.vector_store %arg21[%swap3A_369, %swap3A_370], %max3A_368 {strides = array<i32>} : memref<32x128xf32, #tpu.memory_space<vmem>>, vector<16xf32>,
        %get3A_372 = arith.index_cast %scan3A_346 : i32 to index
        %get3A_373 = arith.constant 32 : index
        %get3A_374 = tpu.vector_load %arg21[%get3A_372, %get3A_373] {strides = array<i32>} : memref<32x128xf32, #tpu.memory_space<vmem>>, vector<16xf32>,
        %get3A_375 = arith.index_cast %scan3A_346 : i32 to index
        %get3A_376 = arith.constant 32 : index
        %get3A_377 = tpu.vector_load %arg23[%get3A_375, %get3A_376] {strides = array<i32>} : memref<32x128xf32, #tpu.memory_space<vmem>>, vector<16xf32>,
        %add3A_378 = arith.addf %get3A_374, %get3A_377 : vector<16xf32>
        %max3A_379 = arith.constant 0.000000e+00 : f32
        %max3A_380 = vector.broadcast %max3A_379 : f32 to vector<16xf32>
        %max3A_381 = arith.maximumf %add3A_378, %max3A_380 : vector<16xf32>
        %swap3A_382 = arith.index_cast %scan3A_346 : i32 to index
        %swap3A_383 = arith.constant 32 : index
        %swap3A_384 = tpu.vector_load %arg21[%swap3A_382, %swap3A_383] {strides = array<i32>} : memref<32x128xf32, #tpu.memory_space<vmem>>, vector<16xf32>,
        tpu.vector_store %arg21[%swap3A_382, %swap3A_383], %max3A_381 {strides = array<i32>} : memref<32x128xf32, #tpu.memory_space<vmem>>, vector<16xf32>,
        %get3A_385 = arith.index_cast %scan3A_346 : i32 to index
        %get3A_386 = arith.constant 48 : index
        %get3A_387 = tpu.vector_load %arg21[%get3A_385, %get3A_386] {strides = array<i32>} : memref<32x128xf32, #tpu.memory_space<vmem>>, vector<16xf32>,
        %get3A_388 = arith.index_cast %scan3A_346 : i32 to index
        %get3A_389 = arith.constant 48 : index
        %get3A_390 = tpu.vector_load %arg23[%get3A_388, %get3A_389] {strides = array<i32>} : memref<32x128xf32, #tpu.memory_space<vmem>>, vector<16xf32>,
        %add3A_391 = arith.addf %get3A_387, %get3A_390 : vector<16xf32>
        %max3A_392 = arith.constant 0.000000e+00 : f32
        %max3A_393 = vector.broadcast %max3A_392 : f32 to vector<16xf32>
        %max3A_394 = arith.maximumf %add3A_391, %max3A_393 : vector<16xf32>
        %swap3A_395 = arith.index_cast %scan3A_346 : i32 to index
        %swap3A_396 = arith.constant 48 : index
        %swap3A_397 = tpu.vector_load %arg21[%swap3A_395, %swap3A_396] {strides = array<i32>} : memref<32x128xf32, #tpu.memory_space<vmem>>, vector<16xf32>,
        tpu.vector_store %arg21[%swap3A_395, %swap3A_396], %max3A_394 {strides = array<i32>} : memref<32x128xf32, #tpu.memory_space<vmem>>, vector<16xf32>,
        %get3A_398 = arith.index_cast %scan3A_346 : i32 to index
        %get3A_399 = arith.constant 64 : index
        %get3A_400 = tpu.vector_load %arg21[%get3A_398, %get3A_399] {strides = array<i32>} : memref<32x128xf32, #tpu.memory_space<vmem>>, vector<16xf32>,
        %get3A_401 = arith.index_cast %scan3A_346 : i32 to index
        %get3A_402 = arith.constant 64 : index
        %get3A_403 = tpu.vector_load %arg23[%get3A_401, %get3A_402] {strides = array<i32>} : memref<32x128xf32, #tpu.memory_space<vmem>>, vector<16xf32>,
        %add3A_404 = arith.addf %get3A_400, %get3A_403 : vector<16xf32>
        %max3A_405 = arith.constant 0.000000e+00 : f32
        %max3A_406 = vector.broadcast %max3A_405 : f32 to vector<16xf32>
        %max3A_407 = arith.maximumf %add3A_404, %max3A_406 : vector<16xf32>
        %swap3A_408 = arith.index_cast %scan3A_346 : i32 to index
        %swap3A_409 = arith.constant 64 : index
        %swap3A_410 = tpu.vector_load %arg21[%swap3A_408, %swap3A_409] {strides = array<i32>} : memref<32x128xf32, #tpu.memory_space<vmem>>, vector<16xf32>,
        tpu.vector_store %arg21[%swap3A_408, %swap3A_409], %max3A_407 {strides = array<i32>} : memref<32x128xf32, #tpu.memory_space<vmem>>, vector<16xf32>,
        %get3A_411 = arith.index_cast %scan3A_346 : i32 to index
        %get3A_412 = arith.constant 80 : index
        %get3A_413 = tpu.vector_load %arg21[%get3A_411, %get3A_412] {strides = array<i32>} : memref<32x128xf32, #tpu.memory_space<vmem>>, vector<16xf32>,
        %get3A_414 = arith.index_cast %scan3A_346 : i32 to index
        %get3A_415 = arith.constant 80 : index
        %get3A_416 = tpu.vector_load %arg23[%get3A_414, %get3A_415] {strides = array<i32>} : memref<32x128xf32, #tpu.memory_space<vmem>>, vector<16xf32>,
        %add3A_417 = arith.addf %get3A_413, %get3A_416 : vector<16xf32>
        %max3A_418 = arith.constant 0.000000e+00 : f32
        %max3A_419 = vector.broadcast %max3A_418 : f32 to vector<16xf32>
        %max3A_420 = arith.maximumf %add3A_417, %max3A_419 : vector<16xf32>
        %swap3A_421 = arith.index_cast %scan3A_346 : i32 to index
        %swap3A_422 = arith.constant 80 : index
        %swap3A_423 = tpu.vector_load %arg21[%swap3A_421, %swap3A_422] {strides = array<i32>} : memref<32x128xf32, #tpu.memory_space<vmem>>, vector<16xf32>,
        tpu.vector_store %arg21[%swap3A_421, %swap3A_422], %max3A_420 {strides = array<i32>} : memref<32x128xf32, #tpu.memory_space<vmem>>, vector<16xf32>,
        %get3A_424 = arith.index_cast %scan3A_346 : i32 to index
        %get3A_425 = arith.constant 96 : index
        %get3A_426 = tpu.vector_load %arg21[%get3A_424, %get3A_425] {strides = array<i32>} : memref<32x128xf32, #tpu.memory_space<vmem>>, vector<16xf32>,
        %get3A_427 = arith.index_cast %scan3A_346 : i32 to index
        %get3A_428 = arith.constant 96 : index
        %get3A_429 = tpu.vector_load %arg23[%get3A_427, %get3A_428] {strides = array<i32>} : memref<32x128xf32, #tpu.memory_space<vmem>>, vector<16xf32>,
        %add3A_430 = arith.addf %get3A_426, %get3A_429 : vector<16xf32>
        %max3A_431 = arith.constant 0.000000e+00 : f32
        %max3A_432 = vector.broadcast %max3A_431 : f32 to vector<16xf32>
        %max3A_433 = arith.maximumf %add3A_430, %max3A_432 : vector<16xf32>
        %swap3A_434 = arith.index_cast %scan3A_346 : i32 to index
        %swap3A_435 = arith.constant 96 : index
        %swap3A_436 = tpu.vector_load %arg21[%swap3A_434, %swap3A_435] {strides = array<i32>} : memref<32x128xf32, #tpu.memory_space<vmem>>, vector<16xf32>,
        tpu.vector_store %arg21[%swap3A_434, %swap3A_435], %max3A_433 {strides = array<i32>} : memref<32x128xf32, #tpu.memory_space<vmem>>, vector<16xf32>,
        %get3A_437 = arith.index_cast %scan3A_346 : i32 to index
        %get3A_438 = arith.constant 112 : index
        %get3A_439 = tpu.vector_load %arg21[%get3A_437, %get3A_438] {strides = array<i32>} : memref<32x128xf32, #tpu.memory_space<vmem>>, vector<16xf32>,
        %get3A_440 = arith.index_cast %scan3A_346 : i32 to index
        %get3A_441 = arith.constant 112 : index
        %get3A_442 = tpu.vector_load %arg23[%get3A_440, %get3A_441] {strides = array<i32>} : memref<32x128xf32, #tpu.memory_space<vmem>>, vector<16xf32>,
        %add3A_443 = arith.addf %get3A_439, %get3A_442 : vector<16xf32>
        %max3A_444 = arith.constant 0.000000e+00 : f32
        %max3A_445 = vector.broadcast %max3A_444 : f32 to vector<16xf32>
        %max3A_446 = arith.maximumf %add3A_443, %max3A_445 : vector<16xf32>
        %swap3A_447 = arith.index_cast %scan3A_346 : i32 to index
        %swap3A_448 = arith.constant 112 : index
        %swap3A_449 = tpu.vector_load %arg21[%swap3A_447, %swap3A_448] {strides = array<i32>} : memref<32x128xf32, #tpu.memory_space<vmem>>, vector<16xf32>,
        tpu.vector_store %arg21[%swap3A_447, %swap3A_448], %max3A_446 {strides = array<i32>} : memref<32x128xf32, #tpu.memory_space<vmem>>, vector<16xf32>,
      }
      %scan3A_320 = arith.constant 32 : i32
      "tpu.region"() ({
        %run_scoped3A = tpu.sem_alloc : memref<!tpu.dma_semaphore, #tpu.memory_space<semaphore_mem>>
        %dma_start3A_346 = arith.constant 0 : i32
        %dma_start3A_347 = arith.constant 0 : i32
        %dma_start3A_348 = tpu.memref_slice %arg11[%dma_start3A_346, %dma_start3A_347] : memref<10016x128xf32, #tpu.memory_space<vmem_shared>> -> memref<10016x128xf32, #tpu.memory_space<vmem_shared>>
        tpu.enqueue_indirect_dma source(%arg21 : memref<32x128xf32, #tpu.memory_space<vmem>>) target(%dma_start3A_348 : memref<10016x128xf32, #tpu.memory_space<vmem_shared>>) offsets(%arg27 : memref<32xi32, #tpu.memory_space<vmem>>) semaphore(%run_scoped3A : memref<!tpu.dma_semaphore, #tpu.memory_space<semaphore_mem>>) {add = true}
        %dma_wait3A_349 = arith.constant 0 : i32
        %dma_wait3A_350 = arith.constant 0 : i32
        %dma_wait3A_351 = tpu.memref_slice %arg11[%dma_wait3A_349, %dma_wait3A_350] : memref<10016x128xf32, #tpu.memory_space<vmem_shared>> -> memref<10016x128xf32, #tpu.memory_space<vmem_shared>>
        tpu.wait_indirect_dma semaphore(%run_scoped3A : memref<!tpu.dma_semaphore, #tpu.memory_space<semaphore_mem>>) src(%arg21 : memref<32x128xf32, #tpu.memory_space<vmem>>) dst(%dma_wait3A_351 : memref<10016x128xf32, #tpu.memory_space<vmem_shared>>)
        tpu.yield
      }) : () -> ()
      "tpu.region"() ({
        %run_scoped3A = tpu.sem_alloc : memref<!tpu.dma_semaphore, #tpu.memory_space<semaphore_mem>>
        %dma_start3A_346 = arith.constant 0 : i32
        %dma_start3A_347 = arith.constant 0 : i32
        %dma_start3A_348 = tpu.memref_slice %arg12[%dma_start3A_346, %dma_start3A_347] : memref<10016x16xf32, #tpu.memory_space<vmem_shared>> -> memref<10016x16xf32, #tpu.memory_space<vmem_shared>>
        tpu.enqueue_indirect_dma source(%arg25 : memref<32x16xf32, #tpu.memory_space<vmem>>) target(%dma_start3A_348 : memref<10016x16xf32, #tpu.memory_space<vmem_shared>>) offsets(%arg27 : memref<32xi32, #tpu.memory_space<vmem>>) semaphore(%run_scoped3A : memref<!tpu.dma_semaphore, #tpu.memory_space<semaphore_mem>>) {add = true}
        %dma_wait3A_349 = arith.constant 0 : i32
        %dma_wait3A_350 = arith.constant 0 : i32
        %dma_wait3A_351 = tpu.memref_slice %arg12[%dma_wait3A_349, %dma_wait3A_350] : memref<10016x16xf32, #tpu.memory_space<vmem_shared>> -> memref<10016x16xf32, #tpu.memory_space<vmem_shared>>
        tpu.wait_indirect_dma semaphore(%run_scoped3A : memref<!tpu.dma_semaphore, #tpu.memory_space<semaphore_mem>>) src(%arg25 : memref<32x16xf32, #tpu.memory_space<vmem>>) dst(%dma_wait3A_351 : memref<10016x16xf32, #tpu.memory_space<vmem_shared>>)
        tpu.yield
      }) : () -> ()
      %add3A_321 = arith.constant 32 : i32
      %add3A_322 = arith.addi %add3A_281, %add3A_321 : i32
      %and3A_323 = arith.constant 2047 : i32
      %and3A_324 = arith.andi %add3A_322, %and3A_323 : i32
      %multiple_of3A_325 = tpu.assume_multiple %and3A_324, 32 : i32
      %dma_wait3A_326 = tpu.memref_slice %arg16[%multiple_of3A_325] : memref<2048xi32, #tpu.memory_space<vmem>> -> memref<32xi32, #tpu.memory_space<vmem>>
      %dma_wait3A_327 = arith.constant 0 : i32
      %dma_wait3A_328 = arith.constant 0 : i32
      %dma_wait3A_329 = tpu.memref_slice %arg2[%dma_wait3A_327, %dma_wait3A_328] : memref<10000x128xf32, #tpu.memory_space<hbm>> -> memref<10000x128xf32, #tpu.memory_space<hbm>>
      tpu.wait_indirect_dma semaphore(%arg31 : memref<!tpu.dma_semaphore, #tpu.memory_space<semaphore_mem>>) src(%dma_wait3A_329 : memref<10000x128xf32, #tpu.memory_space<hbm>>) dst(%arg22 : memref<32x128xf32, #tpu.memory_space<vmem>>)
      %dma_wait3A_330 = tpu.memref_slice %arg18[%multiple_of3A_325] : memref<2048xi32, #tpu.memory_space<vmem>> -> memref<32xi32, #tpu.memory_space<vmem>>
      %dma_wait3A_331 = arith.constant 0 : i32
      %dma_wait3A_332 = arith.constant 0 : i32
      %dma_wait3A_333 = tpu.memref_slice %arg3[%dma_wait3A_331, %dma_wait3A_332] : memref<400x128xf32, #tpu.memory_space<hbm>> -> memref<400x128xf32, #tpu.memory_space<hbm>>
      tpu.wait_indirect_dma semaphore(%arg31 : memref<!tpu.dma_semaphore, #tpu.memory_space<semaphore_mem>>) src(%dma_wait3A_333 : memref<400x128xf32, #tpu.memory_space<hbm>>) dst(%arg24 : memref<32x128xf32, #tpu.memory_space<vmem>>)
      %add3A_334 = arith.constant 1 : i32
      %add3A_335 = arith.addi %while3A_276, %add3A_334 : i32
      %lt3A_336 = arith.cmpi slt, %add3A_335, %select_n3A_166 : i32
      %convert_element_type3A_337 = arith.extui %lt3A_336 : i1 to i32
      %cond3A_338 = arith.constant 0 : i32
      %cond3A_339 = arith.cmpi ne, %convert_element_type3A_337, %cond3A_338 : i32
      scf.if %cond3A_339 {
        %add3A_346 = arith.constant 64 : i32
        %add3A_347 = arith.addi %add3A_281, %add3A_346 : i32
        %and3A_348 = arith.constant 2047 : i32
        %and3A_349 = arith.andi %add3A_347, %and3A_348 : i32
        %multiple_of3A_350 = tpu.assume_multiple %and3A_349, 32 : i32
        %dma_start3A_351 = tpu.memref_slice %arg16[%multiple_of3A_350] : memref<2048xi32, #tpu.memory_space<vmem>> -> memref<32xi32, #tpu.memory_space<vmem>>
        %dma_start3A_352 = arith.constant 0 : i32
        %dma_start3A_353 = arith.constant 0 : i32
        %dma_start3A_354 = tpu.memref_slice %arg2[%dma_start3A_352, %dma_start3A_353] : memref<10000x128xf32, #tpu.memory_space<hbm>> -> memref<10000x128xf32, #tpu.memory_space<hbm>>
        tpu.enqueue_indirect_dma source(%dma_start3A_354 : memref<10000x128xf32, #tpu.memory_space<hbm>>) target(%arg21 : memref<32x128xf32, #tpu.memory_space<vmem>>) offsets(%dma_start3A_351 : memref<32xi32, #tpu.memory_space<vmem>>) semaphore(%arg30 : memref<!tpu.dma_semaphore, #tpu.memory_space<semaphore_mem>>)
        %dma_start3A_355 = tpu.memref_slice %arg18[%multiple_of3A_350] : memref<2048xi32, #tpu.memory_space<vmem>> -> memref<32xi32, #tpu.memory_space<vmem>>
        %dma_start3A_356 = arith.constant 0 : i32
        %dma_start3A_357 = arith.constant 0 : i32
        %dma_start3A_358 = tpu.memref_slice %arg3[%dma_start3A_356, %dma_start3A_357] : memref<400x128xf32, #tpu.memory_space<hbm>> -> memref<400x128xf32, #tpu.memory_space<hbm>>
        tpu.enqueue_indirect_dma source(%dma_start3A_358 : memref<400x128xf32, #tpu.memory_space<hbm>>) target(%arg23 : memref<32x128xf32, #tpu.memory_space<vmem>>) offsets(%dma_start3A_355 : memref<32xi32, #tpu.memory_space<vmem>>) semaphore(%arg30 : memref<!tpu.dma_semaphore, #tpu.memory_space<semaphore_mem>>)
        %add3A_359 = arith.constant 0 : i32
        %add3A_360 = arith.addi %multiple_of3A_350, %add3A_359 : i32
        %get3A_361 = arith.index_cast %add3A_360 : i32 to index
        %get3A_362 = tpu.vector_load %arg17[%get3A_361] {strides = array<i32>} : memref<2048xi32, #tpu.memory_space<vmem>>, vector<16xi32>,
        %swap3A_363 = arith.constant 0 : index
        %swap3A_364 = tpu.vector_load %arg27[%swap3A_363] {strides = array<i32>} : memref<32xi32, #tpu.memory_space<vmem>>, vector<16xi32>,
        tpu.vector_store %arg27[%swap3A_363], %get3A_362 {strides = array<i32>} : memref<32xi32, #tpu.memory_space<vmem>>, vector<16xi32>,
        %add3A_365 = arith.constant 16 : i32
        %add3A_366 = arith.addi %multiple_of3A_350, %add3A_365 : i32
        %get3A_367 = arith.index_cast %add3A_366 : i32 to index
        %get3A_368 = tpu.vector_load %arg17[%get3A_367] {strides = array<i32>} : memref<2048xi32, #tpu.memory_space<vmem>>, vector<16xi32>,
        %swap3A_369 = arith.constant 16 : index
        %swap3A_370 = tpu.vector_load %arg27[%swap3A_369] {strides = array<i32>} : memref<32xi32, #tpu.memory_space<vmem>>, vector<16xi32>,
        tpu.vector_store %arg27[%swap3A_369], %get3A_368 {strides = array<i32>} : memref<32xi32, #tpu.memory_space<vmem>>, vector<16xi32>,
      } else {
      }
      %scan3A_340 = arith.constant 0 : i32
      %scan3A_341 = arith.constant 0 : i32
      %scan3A_342 = arith.constant 32 : i32
      %scan3A_343 = arith.addi %scan3A_341, %scan3A_342 : i32
      %scan3A_344 = arith.constant 1 : i32
      scf.for %scan3A_346 = %scan3A_341 to %scan3A_343 step %scan3A_344  : i32 {
        %get3A_347 = arith.index_cast %scan3A_346 : i32 to index
        %get3A_348 = arith.constant 0 : index
        %get3A_349 = tpu.vector_load %arg22[%get3A_347, %get3A_348] {strides = array<i32>} : memref<32x128xf32, #tpu.memory_space<vmem>>, vector<16xf32>,
        %get3A_350 = arith.index_cast %scan3A_346 : i32 to index
        %get3A_351 = arith.constant 0 : index
        %get3A_352 = tpu.vector_load %arg24[%get3A_350, %get3A_351] {strides = array<i32>} : memref<32x128xf32, #tpu.memory_space<vmem>>, vector<16xf32>,
        %add3A_353 = arith.addf %get3A_349, %get3A_352 : vector<16xf32>
        %max3A = arith.constant 0.000000e+00 : f32
        %max3A_354 = vector.broadcast %max3A : f32 to vector<16xf32>
        %max3A_355 = arith.maximumf %add3A_353, %max3A_354 : vector<16xf32>
        %swap3A_356 = arith.index_cast %scan3A_346 : i32 to index
        %swap3A_357 = arith.constant 0 : index
        %swap3A_358 = tpu.vector_load %arg22[%swap3A_356, %swap3A_357] {strides = array<i32>} : memref<32x128xf32, #tpu.memory_space<vmem>>, vector<16xf32>,
        tpu.vector_store %arg22[%swap3A_356, %swap3A_357], %max3A_355 {strides = array<i32>} : memref<32x128xf32, #tpu.memory_space<vmem>>, vector<16xf32>,
        %get3A_359 = arith.index_cast %scan3A_346 : i32 to index
        %get3A_360 = arith.constant 16 : index
        %get3A_361 = tpu.vector_load %arg22[%get3A_359, %get3A_360] {strides = array<i32>} : memref<32x128xf32, #tpu.memory_space<vmem>>, vector<16xf32>,
        %get3A_362 = arith.index_cast %scan3A_346 : i32 to index
        %get3A_363 = arith.constant 16 : index
        %get3A_364 = tpu.vector_load %arg24[%get3A_362, %get3A_363] {strides = array<i32>} : memref<32x128xf32, #tpu.memory_space<vmem>>, vector<16xf32>,
        %add3A_365 = arith.addf %get3A_361, %get3A_364 : vector<16xf32>
        %max3A_366 = arith.constant 0.000000e+00 : f32
        %max3A_367 = vector.broadcast %max3A_366 : f32 to vector<16xf32>
        %max3A_368 = arith.maximumf %add3A_365, %max3A_367 : vector<16xf32>
        %swap3A_369 = arith.index_cast %scan3A_346 : i32 to index
        %swap3A_370 = arith.constant 16 : index
        %swap3A_371 = tpu.vector_load %arg22[%swap3A_369, %swap3A_370] {strides = array<i32>} : memref<32x128xf32, #tpu.memory_space<vmem>>, vector<16xf32>,
        tpu.vector_store %arg22[%swap3A_369, %swap3A_370], %max3A_368 {strides = array<i32>} : memref<32x128xf32, #tpu.memory_space<vmem>>, vector<16xf32>,
        %get3A_372 = arith.index_cast %scan3A_346 : i32 to index
        %get3A_373 = arith.constant 32 : index
        %get3A_374 = tpu.vector_load %arg22[%get3A_372, %get3A_373] {strides = array<i32>} : memref<32x128xf32, #tpu.memory_space<vmem>>, vector<16xf32>,
        %get3A_375 = arith.index_cast %scan3A_346 : i32 to index
        %get3A_376 = arith.constant 32 : index
        %get3A_377 = tpu.vector_load %arg24[%get3A_375, %get3A_376] {strides = array<i32>} : memref<32x128xf32, #tpu.memory_space<vmem>>, vector<16xf32>,
        %add3A_378 = arith.addf %get3A_374, %get3A_377 : vector<16xf32>
        %max3A_379 = arith.constant 0.000000e+00 : f32
        %max3A_380 = vector.broadcast %max3A_379 : f32 to vector<16xf32>
        %max3A_381 = arith.maximumf %add3A_378, %max3A_380 : vector<16xf32>
        %swap3A_382 = arith.index_cast %scan3A_346 : i32 to index
        %swap3A_383 = arith.constant 32 : index
        %swap3A_384 = tpu.vector_load %arg22[%swap3A_382, %swap3A_383] {strides = array<i32>} : memref<32x128xf32, #tpu.memory_space<vmem>>, vector<16xf32>,
        tpu.vector_store %arg22[%swap3A_382, %swap3A_383], %max3A_381 {strides = array<i32>} : memref<32x128xf32, #tpu.memory_space<vmem>>, vector<16xf32>,
        %get3A_385 = arith.index_cast %scan3A_346 : i32 to index
        %get3A_386 = arith.constant 48 : index
        %get3A_387 = tpu.vector_load %arg22[%get3A_385, %get3A_386] {strides = array<i32>} : memref<32x128xf32, #tpu.memory_space<vmem>>, vector<16xf32>,
        %get3A_388 = arith.index_cast %scan3A_346 : i32 to index
        %get3A_389 = arith.constant 48 : index
        %get3A_390 = tpu.vector_load %arg24[%get3A_388, %get3A_389] {strides = array<i32>} : memref<32x128xf32, #tpu.memory_space<vmem>>, vector<16xf32>,
        %add3A_391 = arith.addf %get3A_387, %get3A_390 : vector<16xf32>
        %max3A_392 = arith.constant 0.000000e+00 : f32
        %max3A_393 = vector.broadcast %max3A_392 : f32 to vector<16xf32>
        %max3A_394 = arith.maximumf %add3A_391, %max3A_393 : vector<16xf32>
        %swap3A_395 = arith.index_cast %scan3A_346 : i32 to index
        %swap3A_396 = arith.constant 48 : index
        %swap3A_397 = tpu.vector_load %arg22[%swap3A_395, %swap3A_396] {strides = array<i32>} : memref<32x128xf32, #tpu.memory_space<vmem>>, vector<16xf32>,
        tpu.vector_store %arg22[%swap3A_395, %swap3A_396], %max3A_394 {strides = array<i32>} : memref<32x128xf32, #tpu.memory_space<vmem>>, vector<16xf32>,
        %get3A_398 = arith.index_cast %scan3A_346 : i32 to index
        %get3A_399 = arith.constant 64 : index
        %get3A_400 = tpu.vector_load %arg22[%get3A_398, %get3A_399] {strides = array<i32>} : memref<32x128xf32, #tpu.memory_space<vmem>>, vector<16xf32>,
        %get3A_401 = arith.index_cast %scan3A_346 : i32 to index
        %get3A_402 = arith.constant 64 : index
        %get3A_403 = tpu.vector_load %arg24[%get3A_401, %get3A_402] {strides = array<i32>} : memref<32x128xf32, #tpu.memory_space<vmem>>, vector<16xf32>,
        %add3A_404 = arith.addf %get3A_400, %get3A_403 : vector<16xf32>
        %max3A_405 = arith.constant 0.000000e+00 : f32
        %max3A_406 = vector.broadcast %max3A_405 : f32 to vector<16xf32>
        %max3A_407 = arith.maximumf %add3A_404, %max3A_406 : vector<16xf32>
        %swap3A_408 = arith.index_cast %scan3A_346 : i32 to index
        %swap3A_409 = arith.constant 64 : index
        %swap3A_410 = tpu.vector_load %arg22[%swap3A_408, %swap3A_409] {strides = array<i32>} : memref<32x128xf32, #tpu.memory_space<vmem>>, vector<16xf32>,
        tpu.vector_store %arg22[%swap3A_408, %swap3A_409], %max3A_407 {strides = array<i32>} : memref<32x128xf32, #tpu.memory_space<vmem>>, vector<16xf32>,
        %get3A_411 = arith.index_cast %scan3A_346 : i32 to index
        %get3A_412 = arith.constant 80 : index
        %get3A_413 = tpu.vector_load %arg22[%get3A_411, %get3A_412] {strides = array<i32>} : memref<32x128xf32, #tpu.memory_space<vmem>>, vector<16xf32>,
        %get3A_414 = arith.index_cast %scan3A_346 : i32 to index
        %get3A_415 = arith.constant 80 : index
        %get3A_416 = tpu.vector_load %arg24[%get3A_414, %get3A_415] {strides = array<i32>} : memref<32x128xf32, #tpu.memory_space<vmem>>, vector<16xf32>,
        %add3A_417 = arith.addf %get3A_413, %get3A_416 : vector<16xf32>
        %max3A_418 = arith.constant 0.000000e+00 : f32
        %max3A_419 = vector.broadcast %max3A_418 : f32 to vector<16xf32>
        %max3A_420 = arith.maximumf %add3A_417, %max3A_419 : vector<16xf32>
        %swap3A_421 = arith.index_cast %scan3A_346 : i32 to index
        %swap3A_422 = arith.constant 80 : index
        %swap3A_423 = tpu.vector_load %arg22[%swap3A_421, %swap3A_422] {strides = array<i32>} : memref<32x128xf32, #tpu.memory_space<vmem>>, vector<16xf32>,
        tpu.vector_store %arg22[%swap3A_421, %swap3A_422], %max3A_420 {strides = array<i32>} : memref<32x128xf32, #tpu.memory_space<vmem>>, vector<16xf32>,
        %get3A_424 = arith.index_cast %scan3A_346 : i32 to index
        %get3A_425 = arith.constant 96 : index
        %get3A_426 = tpu.vector_load %arg22[%get3A_424, %get3A_425] {strides = array<i32>} : memref<32x128xf32, #tpu.memory_space<vmem>>, vector<16xf32>,
        %get3A_427 = arith.index_cast %scan3A_346 : i32 to index
        %get3A_428 = arith.constant 96 : index
        %get3A_429 = tpu.vector_load %arg24[%get3A_427, %get3A_428] {strides = array<i32>} : memref<32x128xf32, #tpu.memory_space<vmem>>, vector<16xf32>,
        %add3A_430 = arith.addf %get3A_426, %get3A_429 : vector<16xf32>
        %max3A_431 = arith.constant 0.000000e+00 : f32
        %max3A_432 = vector.broadcast %max3A_431 : f32 to vector<16xf32>
        %max3A_433 = arith.maximumf %add3A_430, %max3A_432 : vector<16xf32>
        %swap3A_434 = arith.index_cast %scan3A_346 : i32 to index
        %swap3A_435 = arith.constant 96 : index
        %swap3A_436 = tpu.vector_load %arg22[%swap3A_434, %swap3A_435] {strides = array<i32>} : memref<32x128xf32, #tpu.memory_space<vmem>>, vector<16xf32>,
        tpu.vector_store %arg22[%swap3A_434, %swap3A_435], %max3A_433 {strides = array<i32>} : memref<32x128xf32, #tpu.memory_space<vmem>>, vector<16xf32>,
        %get3A_437 = arith.index_cast %scan3A_346 : i32 to index
        %get3A_438 = arith.constant 112 : index
        %get3A_439 = tpu.vector_load %arg22[%get3A_437, %get3A_438] {strides = array<i32>} : memref<32x128xf32, #tpu.memory_space<vmem>>, vector<16xf32>,
        %get3A_440 = arith.index_cast %scan3A_346 : i32 to index
        %get3A_441 = arith.constant 112 : index
        %get3A_442 = tpu.vector_load %arg24[%get3A_440, %get3A_441] {strides = array<i32>} : memref<32x128xf32, #tpu.memory_space<vmem>>, vector<16xf32>,
        %add3A_443 = arith.addf %get3A_439, %get3A_442 : vector<16xf32>
        %max3A_444 = arith.constant 0.000000e+00 : f32
        %max3A_445 = vector.broadcast %max3A_444 : f32 to vector<16xf32>
        %max3A_446 = arith.maximumf %add3A_443, %max3A_445 : vector<16xf32>
        %swap3A_447 = arith.index_cast %scan3A_346 : i32 to index
        %swap3A_448 = arith.constant 112 : index
        %swap3A_449 = tpu.vector_load %arg22[%swap3A_447, %swap3A_448] {strides = array<i32>} : memref<32x128xf32, #tpu.memory_space<vmem>>, vector<16xf32>,
        tpu.vector_store %arg22[%swap3A_447, %swap3A_448], %max3A_446 {strides = array<i32>} : memref<32x128xf32, #tpu.memory_space<vmem>>, vector<16xf32>,
      }
      %scan3A_345 = arith.constant 32 : i32
      "tpu.region"() ({
        %run_scoped3A = tpu.sem_alloc : memref<!tpu.dma_semaphore, #tpu.memory_space<semaphore_mem>>
        %dma_start3A_346 = arith.constant 0 : i32
        %dma_start3A_347 = arith.constant 0 : i32
        %dma_start3A_348 = tpu.memref_slice %arg11[%dma_start3A_346, %dma_start3A_347] : memref<10016x128xf32, #tpu.memory_space<vmem_shared>> -> memref<10016x128xf32, #tpu.memory_space<vmem_shared>>
        tpu.enqueue_indirect_dma source(%arg22 : memref<32x128xf32, #tpu.memory_space<vmem>>) target(%dma_start3A_348 : memref<10016x128xf32, #tpu.memory_space<vmem_shared>>) offsets(%arg28 : memref<32xi32, #tpu.memory_space<vmem>>) semaphore(%run_scoped3A : memref<!tpu.dma_semaphore, #tpu.memory_space<semaphore_mem>>) {add = true}
        %dma_wait3A_349 = arith.constant 0 : i32
        %dma_wait3A_350 = arith.constant 0 : i32
        %dma_wait3A_351 = tpu.memref_slice %arg11[%dma_wait3A_349, %dma_wait3A_350] : memref<10016x128xf32, #tpu.memory_space<vmem_shared>> -> memref<10016x128xf32, #tpu.memory_space<vmem_shared>>
        tpu.wait_indirect_dma semaphore(%run_scoped3A : memref<!tpu.dma_semaphore, #tpu.memory_space<semaphore_mem>>) src(%arg22 : memref<32x128xf32, #tpu.memory_space<vmem>>) dst(%dma_wait3A_351 : memref<10016x128xf32, #tpu.memory_space<vmem_shared>>)
        tpu.yield
      }) : () -> ()
      "tpu.region"() ({
        %run_scoped3A = tpu.sem_alloc : memref<!tpu.dma_semaphore, #tpu.memory_space<semaphore_mem>>
        %dma_start3A_346 = arith.constant 0 : i32
        %dma_start3A_347 = arith.constant 0 : i32
        %dma_start3A_348 = tpu.memref_slice %arg12[%dma_start3A_346, %dma_start3A_347] : memref<10016x16xf32, #tpu.memory_space<vmem_shared>> -> memref<10016x16xf32, #tpu.memory_space<vmem_shared>>
        tpu.enqueue_indirect_dma source(%arg25 : memref<32x16xf32, #tpu.memory_space<vmem>>) target(%dma_start3A_348 : memref<10016x16xf32, #tpu.memory_space<vmem_shared>>) offsets(%arg28 : memref<32xi32, #tpu.memory_space<vmem>>) semaphore(%run_scoped3A : memref<!tpu.dma_semaphore, #tpu.memory_space<semaphore_mem>>) {add = true}
        %dma_wait3A_349 = arith.constant 0 : i32
        %dma_wait3A_350 = arith.constant 0 : i32
        %dma_wait3A_351 = tpu.memref_slice %arg12[%dma_wait3A_349, %dma_wait3A_350] : memref<10016x16xf32, #tpu.memory_space<vmem_shared>> -> memref<10016x16xf32, #tpu.memory_space<vmem_shared>>
        tpu.wait_indirect_dma semaphore(%run_scoped3A : memref<!tpu.dma_semaphore, #tpu.memory_space<semaphore_mem>>) src(%arg25 : memref<32x16xf32, #tpu.memory_space<vmem>>) dst(%dma_wait3A_351 : memref<10016x16xf32, #tpu.memory_space<vmem_shared>>)
        tpu.yield
      }) : () -> ()
    }
    "tpu.trace_stop"() : () -> ()
    "tpu.trace_start"() <{level = 10 : i32, message = "p_barrier2"}> : () -> ()
    %barrier3A_179 = arith.constant 0 : index
    tpu.barrier barrier_id(%barrier3A_179)
    "tpu.trace_stop"() : () -> ()
    "tpu.trace_start"() <{level = 10 : i32, message = "p_out"}> : () -> ()
    %mul3A_180 = arith.constant 64 : i32
    %mul3A_181 = arith.muli %arg1, %mul3A_180 : i32
    "tpu.region"() ({
      %run_scoped3A = tpu.sem_alloc : memref<!tpu.dma_semaphore, #tpu.memory_space<semaphore_mem>>
      %dma_start3A_276 = tpu.memref_slice %arg6[%mul3A_181] : memref<1024xi32, #tpu.memory_space<hbm>> -> memref<64xi32, #tpu.memory_space<hbm>>
      %dma_start3A_277 = tpu.memref_slice %arg6[%mul3A_181] : memref<1024xi32, #tpu.memory_space<hbm>> -> memref<64xi32, #tpu.memory_space<hbm>>
      tpu.enqueue_dma source(%dma_start3A_277 : memref<64xi32, #tpu.memory_space<hbm>>) target(%arg29 : memref<64xi32, #tpu.memory_space<vmem>>) target_semaphore(%run_scoped3A : memref<!tpu.dma_semaphore, #tpu.memory_space<semaphore_mem>>)
      %dma_wait3A_278 = tpu.memref_slice %arg6[%mul3A_181] : memref<1024xi32, #tpu.memory_space<hbm>> -> memref<64xi32, #tpu.memory_space<hbm>>
      %dma_wait3A_279 = tpu.memref_slice %arg6[%mul3A_181] : memref<1024xi32, #tpu.memory_space<hbm>> -> memref<64xi32, #tpu.memory_space<hbm>>
      tpu.wait_dma2 semaphore(%run_scoped3A : memref<!tpu.dma_semaphore, #tpu.memory_space<semaphore_mem>>) src(%dma_wait3A_279 : memref<64xi32, #tpu.memory_space<hbm>>) dst(%arg29 : memref<64xi32, #tpu.memory_space<vmem>>)
      tpu.yield
    }) : () -> ()
    %dma_start3A = arith.constant 0 : i32
    %dma_start3A_182 = tpu.memref_slice %arg29[%dma_start3A] : memref<64xi32, #tpu.memory_space<vmem>> -> memref<32xi32, #tpu.memory_space<vmem>>
    %dma_start3A_183 = arith.constant 0 : i32
    %dma_start3A_184 = arith.constant 0 : i32
    %dma_start3A_185 = tpu.memref_slice %arg11[%dma_start3A_183, %dma_start3A_184] : memref<10016x128xf32, #tpu.memory_space<vmem_shared>> -> memref<10016x128xf32, #tpu.memory_space<vmem_shared>>
    tpu.enqueue_indirect_dma source(%dma_start3A_185 : memref<10016x128xf32, #tpu.memory_space<vmem_shared>>) target(%arg21 : memref<32x128xf32, #tpu.memory_space<vmem>>) offsets(%dma_start3A_182 : memref<32xi32, #tpu.memory_space<vmem>>) semaphore(%arg30 : memref<!tpu.dma_semaphore, #tpu.memory_space<semaphore_mem>>)
    %dma_start3A_186 = arith.constant 32 : i32
    %dma_start3A_187 = tpu.memref_slice %arg29[%dma_start3A_186] : memref<64xi32, #tpu.memory_space<vmem>> -> memref<32xi32, #tpu.memory_space<vmem>>
    %dma_start3A_188 = arith.constant 0 : i32
    %dma_start3A_189 = arith.constant 0 : i32
    %dma_start3A_190 = tpu.memref_slice %arg11[%dma_start3A_188, %dma_start3A_189] : memref<10016x128xf32, #tpu.memory_space<vmem_shared>> -> memref<10016x128xf32, #tpu.memory_space<vmem_shared>>
    tpu.enqueue_indirect_dma source(%dma_start3A_190 : memref<10016x128xf32, #tpu.memory_space<vmem_shared>>) target(%arg22 : memref<32x128xf32, #tpu.memory_space<vmem>>) offsets(%dma_start3A_187 : memref<32xi32, #tpu.memory_space<vmem>>) semaphore(%arg31 : memref<!tpu.dma_semaphore, #tpu.memory_space<semaphore_mem>>)
    %dma_start3A_191 = arith.constant 0 : i32
    %dma_start3A_192 = tpu.memref_slice %arg29[%dma_start3A_191] : memref<64xi32, #tpu.memory_space<vmem>> -> memref<32xi32, #tpu.memory_space<vmem>>
    %dma_start3A_193 = arith.constant 0 : i32
    %dma_start3A_194 = arith.constant 0 : i32
    %dma_start3A_195 = tpu.memref_slice %arg12[%dma_start3A_193, %dma_start3A_194] : memref<10016x16xf32, #tpu.memory_space<vmem_shared>> -> memref<10016x16xf32, #tpu.memory_space<vmem_shared>>
    tpu.enqueue_indirect_dma source(%dma_start3A_195 : memref<10016x16xf32, #tpu.memory_space<vmem_shared>>) target(%arg26 : memref<32x16xf32, #tpu.memory_space<vmem>>) offsets(%dma_start3A_192 : memref<32xi32, #tpu.memory_space<vmem>>) semaphore(%arg32 : memref<!tpu.dma_semaphore, #tpu.memory_space<semaphore_mem>>)
    %dma_start3A_196 = arith.constant 32 : i32
    %dma_start3A_197 = tpu.memref_slice %arg29[%dma_start3A_196] : memref<64xi32, #tpu.memory_space<vmem>> -> memref<32xi32, #tpu.memory_space<vmem>>
    %dma_start3A_198 = arith.constant 0 : i32
    %dma_start3A_199 = arith.constant 0 : i32
    %dma_start3A_200 = tpu.memref_slice %arg12[%dma_start3A_198, %dma_start3A_199] : memref<10016x16xf32, #tpu.memory_space<vmem_shared>> -> memref<10016x16xf32, #tpu.memory_space<vmem_shared>>
    tpu.enqueue_indirect_dma source(%dma_start3A_200 : memref<10016x16xf32, #tpu.memory_space<vmem_shared>>) target(%arg25 : memref<32x16xf32, #tpu.memory_space<vmem>>) offsets(%dma_start3A_197 : memref<32xi32, #tpu.memory_space<vmem>>) semaphore(%arg33 : memref<!tpu.dma_semaphore, #tpu.memory_space<semaphore_mem>>)
    %dma_wait3A = arith.constant 0 : i32
    %dma_wait3A_201 = tpu.memref_slice %arg29[%dma_wait3A] : memref<64xi32, #tpu.memory_space<vmem>> -> memref<32xi32, #tpu.memory_space<vmem>>
    %dma_wait3A_202 = arith.constant 0 : i32
    %dma_wait3A_203 = arith.constant 0 : i32
    %dma_wait3A_204 = tpu.memref_slice %arg11[%dma_wait3A_202, %dma_wait3A_203] : memref<10016x128xf32, #tpu.memory_space<vmem_shared>> -> memref<10016x128xf32, #tpu.memory_space<vmem_shared>>
    tpu.wait_indirect_dma semaphore(%arg30 : memref<!tpu.dma_semaphore, #tpu.memory_space<semaphore_mem>>) src(%dma_wait3A_204 : memref<10016x128xf32, #tpu.memory_space<vmem_shared>>) dst(%arg21 : memref<32x128xf32, #tpu.memory_space<vmem>>)
    %dma_start3A_205 = arith.constant 0 : i32
    %dma_start3A_206 = tpu.memref_slice %arg8[%arg0, %mul3A_181, %dma_start3A_205] : memref<2x1024x128xf32, #tpu.memory_space<hbm>> -> memref<1x32x128xf32, #tpu.memory_space<hbm>>
    %dma_start3A_207 = tpu.memref_squeeze %dma_start3A_206 : memref<1x32x128xf32, #tpu.memory_space<hbm>> -> memref<32x128xf32, #tpu.memory_space<hbm>>
    %dma_start3A_208 = arith.constant 0 : i32
    %dma_start3A_209 = tpu.memref_slice %arg8[%arg0, %mul3A_181, %dma_start3A_208] : memref<2x1024x128xf32, #tpu.memory_space<hbm>> -> memref<1x32x128xf32, #tpu.memory_space<hbm>>
    %dma_start3A_210 = tpu.memref_squeeze %dma_start3A_209 : memref<1x32x128xf32, #tpu.memory_space<hbm>> -> memref<32x128xf32, #tpu.memory_space<hbm>>
    tpu.enqueue_dma source(%arg21 : memref<32x128xf32, #tpu.memory_space<vmem>>) target(%dma_start3A_210 : memref<32x128xf32, #tpu.memory_space<hbm>>) target_semaphore(%arg30 : memref<!tpu.dma_semaphore, #tpu.memory_space<semaphore_mem>>)
    %dma_wait3A_211 = arith.constant 32 : i32
    %dma_wait3A_212 = tpu.memref_slice %arg29[%dma_wait3A_211] : memref<64xi32, #tpu.memory_space<vmem>> -> memref<32xi32, #tpu.memory_space<vmem>>
    %dma_wait3A_213 = arith.constant 0 : i32
    %dma_wait3A_214 = arith.constant 0 : i32
    %dma_wait3A_215 = tpu.memref_slice %arg11[%dma_wait3A_213, %dma_wait3A_214] : memref<10016x128xf32, #tpu.memory_space<vmem_shared>> -> memref<10016x128xf32, #tpu.memory_space<vmem_shared>>
    tpu.wait_indirect_dma semaphore(%arg31 : memref<!tpu.dma_semaphore, #tpu.memory_space<semaphore_mem>>) src(%dma_wait3A_215 : memref<10016x128xf32, #tpu.memory_space<vmem_shared>>) dst(%arg22 : memref<32x128xf32, #tpu.memory_space<vmem>>)
    %add3A_216 = arith.constant 32 : i32
    %add3A_217 = arith.addi %mul3A_181, %add3A_216 : i32
    %dma_start3A_218 = arith.constant 0 : i32
    %dma_start3A_219 = tpu.memref_slice %arg8[%arg0, %add3A_217, %dma_start3A_218] : memref<2x1024x128xf32, #tpu.memory_space<hbm>> -> memref<1x32x128xf32, #tpu.memory_space<hbm>>
    %dma_start3A_220 = tpu.memref_squeeze %dma_start3A_219 : memref<1x32x128xf32, #tpu.memory_space<hbm>> -> memref<32x128xf32, #tpu.memory_space<hbm>>
    %dma_start3A_221 = arith.constant 0 : i32
    %dma_start3A_222 = tpu.memref_slice %arg8[%arg0, %add3A_217, %dma_start3A_221] : memref<2x1024x128xf32, #tpu.memory_space<hbm>> -> memref<1x32x128xf32, #tpu.memory_space<hbm>>
    %dma_start3A_223 = tpu.memref_squeeze %dma_start3A_222 : memref<1x32x128xf32, #tpu.memory_space<hbm>> -> memref<32x128xf32, #tpu.memory_space<hbm>>
    tpu.enqueue_dma source(%arg22 : memref<32x128xf32, #tpu.memory_space<vmem>>) target(%dma_start3A_223 : memref<32x128xf32, #tpu.memory_space<hbm>>) target_semaphore(%arg31 : memref<!tpu.dma_semaphore, #tpu.memory_space<semaphore_mem>>)
    %dma_wait3A_224 = arith.constant 0 : i32
    %dma_wait3A_225 = tpu.memref_slice %arg29[%dma_wait3A_224] : memref<64xi32, #tpu.memory_space<vmem>> -> memref<32xi32, #tpu.memory_space<vmem>>
    %dma_wait3A_226 = arith.constant 0 : i32
    %dma_wait3A_227 = arith.constant 0 : i32
    %dma_wait3A_228 = tpu.memref_slice %arg12[%dma_wait3A_226, %dma_wait3A_227] : memref<10016x16xf32, #tpu.memory_space<vmem_shared>> -> memref<10016x16xf32, #tpu.memory_space<vmem_shared>>
    tpu.wait_indirect_dma semaphore(%arg32 : memref<!tpu.dma_semaphore, #tpu.memory_space<semaphore_mem>>) src(%dma_wait3A_228 : memref<10016x16xf32, #tpu.memory_space<vmem_shared>>) dst(%arg26 : memref<32x16xf32, #tpu.memory_space<vmem>>)
    %dma_start3A_229 = arith.constant 0 : i32
    %dma_start3A_230 = tpu.memref_slice %arg9[%arg0, %mul3A_181, %dma_start3A_229] : memref<2x1024x16xf32, #tpu.memory_space<hbm>> -> memref<1x32x16xf32, #tpu.memory_space<hbm>>
    %dma_start3A_231 = tpu.memref_squeeze %dma_start3A_230 : memref<1x32x16xf32, #tpu.memory_space<hbm>> -> memref<32x16xf32, #tpu.memory_space<hbm>>
    %dma_start3A_232 = arith.constant 0 : i32
    %dma_start3A_233 = tpu.memref_slice %arg9[%arg0, %mul3A_181, %dma_start3A_232] : memref<2x1024x16xf32, #tpu.memory_space<hbm>> -> memref<1x32x16xf32, #tpu.memory_space<hbm>>
    %dma_start3A_234 = tpu.memref_squeeze %dma_start3A_233 : memref<1x32x16xf32, #tpu.memory_space<hbm>> -> memref<32x16xf32, #tpu.memory_space<hbm>>
    tpu.enqueue_dma source(%arg26 : memref<32x16xf32, #tpu.memory_space<vmem>>) target(%dma_start3A_234 : memref<32x16xf32, #tpu.memory_space<hbm>>) target_semaphore(%arg32 : memref<!tpu.dma_semaphore, #tpu.memory_space<semaphore_mem>>)
    %dma_wait3A_235 = arith.constant 32 : i32
    %dma_wait3A_236 = tpu.memref_slice %arg29[%dma_wait3A_235] : memref<64xi32, #tpu.memory_space<vmem>> -> memref<32xi32, #tpu.memory_space<vmem>>
    %dma_wait3A_237 = arith.constant 0 : i32
    %dma_wait3A_238 = arith.constant 0 : i32
    %dma_wait3A_239 = tpu.memref_slice %arg12[%dma_wait3A_237, %dma_wait3A_238] : memref<10016x16xf32, #tpu.memory_space<vmem_shared>> -> memref<10016x16xf32, #tpu.memory_space<vmem_shared>>
    tpu.wait_indirect_dma semaphore(%arg33 : memref<!tpu.dma_semaphore, #tpu.memory_space<semaphore_mem>>) src(%dma_wait3A_239 : memref<10016x16xf32, #tpu.memory_space<vmem_shared>>) dst(%arg25 : memref<32x16xf32, #tpu.memory_space<vmem>>)
    %add3A_240 = arith.constant 32 : i32
    %add3A_241 = arith.addi %mul3A_181, %add3A_240 : i32
    %dma_start3A_242 = arith.constant 0 : i32
    %dma_start3A_243 = tpu.memref_slice %arg9[%arg0, %add3A_241, %dma_start3A_242] : memref<2x1024x16xf32, #tpu.memory_space<hbm>> -> memref<1x32x16xf32, #tpu.memory_space<hbm>>
    %dma_start3A_244 = tpu.memref_squeeze %dma_start3A_243 : memref<1x32x16xf32, #tpu.memory_space<hbm>> -> memref<32x16xf32, #tpu.memory_space<hbm>>
    %dma_start3A_245 = arith.constant 0 : i32
    %dma_start3A_246 = tpu.memref_slice %arg9[%arg0, %add3A_241, %dma_start3A_245] : memref<2x1024x16xf32, #tpu.memory_space<hbm>> -> memref<1x32x16xf32, #tpu.memory_space<hbm>>
    %dma_start3A_247 = tpu.memref_squeeze %dma_start3A_246 : memref<1x32x16xf32, #tpu.memory_space<hbm>> -> memref<32x16xf32, #tpu.memory_space<hbm>>
    tpu.enqueue_dma source(%arg25 : memref<32x16xf32, #tpu.memory_space<vmem>>) target(%dma_start3A_247 : memref<32x16xf32, #tpu.memory_space<hbm>>) target_semaphore(%arg33 : memref<!tpu.dma_semaphore, #tpu.memory_space<semaphore_mem>>)
    %dma_wait3A_248 = arith.constant 0 : i32
    %dma_wait3A_249 = tpu.memref_slice %arg8[%arg0, %mul3A_181, %dma_wait3A_248] : memref<2x1024x128xf32, #tpu.memory_space<hbm>> -> memref<1x32x128xf32, #tpu.memory_space<hbm>>
    %dma_wait3A_250 = tpu.memref_squeeze %dma_wait3A_249 : memref<1x32x128xf32, #tpu.memory_space<hbm>> -> memref<32x128xf32, #tpu.memory_space<hbm>>
    %dma_wait3A_251 = arith.constant 0 : i32
    %dma_wait3A_252 = tpu.memref_slice %arg8[%arg0, %mul3A_181, %dma_wait3A_251] : memref<2x1024x128xf32, #tpu.memory_space<hbm>> -> memref<1x32x128xf32, #tpu.memory_space<hbm>>
    %dma_wait3A_253 = tpu.memref_squeeze %dma_wait3A_252 : memref<1x32x128xf32, #tpu.memory_space<hbm>> -> memref<32x128xf32, #tpu.memory_space<hbm>>
    tpu.wait_dma2 semaphore(%arg30 : memref<!tpu.dma_semaphore, #tpu.memory_space<semaphore_mem>>) src(%arg21 : memref<32x128xf32, #tpu.memory_space<vmem>>) dst(%dma_wait3A_253 : memref<32x128xf32, #tpu.memory_space<hbm>>)
    %dma_wait3A_254 = arith.constant 0 : i32
    %dma_wait3A_255 = tpu.memref_slice %arg8[%arg0, %add3A_217, %dma_wait3A_254] : memref<2x1024x128xf32, #tpu.memory_space<hbm>> -> memref<1x32x128xf32, #tpu.memory_space<hbm>>
    %dma_wait3A_256 = tpu.memref_squeeze %dma_wait3A_255 : memref<1x32x128xf32, #tpu.memory_space<hbm>> -> memref<32x128xf32, #tpu.memory_space<hbm>>
    %dma_wait3A_257 = arith.constant 0 : i32
    %dma_wait3A_258 = tpu.memref_slice %arg8[%arg0, %add3A_217, %dma_wait3A_257] : memref<2x1024x128xf32, #tpu.memory_space<hbm>> -> memref<1x32x128xf32, #tpu.memory_space<hbm>>
    %dma_wait3A_259 = tpu.memref_squeeze %dma_wait3A_258 : memref<1x32x128xf32, #tpu.memory_space<hbm>> -> memref<32x128xf32, #tpu.memory_space<hbm>>
    tpu.wait_dma2 semaphore(%arg31 : memref<!tpu.dma_semaphore, #tpu.memory_space<semaphore_mem>>) src(%arg22 : memref<32x128xf32, #tpu.memory_space<vmem>>) dst(%dma_wait3A_259 : memref<32x128xf32, #tpu.memory_space<hbm>>)
    %dma_wait3A_260 = arith.constant 0 : i32
    %dma_wait3A_261 = tpu.memref_slice %arg9[%arg0, %mul3A_181, %dma_wait3A_260] : memref<2x1024x16xf32, #tpu.memory_space<hbm>> -> memref<1x32x16xf32, #tpu.memory_space<hbm>>
    %dma_wait3A_262 = tpu.memref_squeeze %dma_wait3A_261 : memref<1x32x16xf32, #tpu.memory_space<hbm>> -> memref<32x16xf32, #tpu.memory_space<hbm>>
    %dma_wait3A_263 = arith.constant 0 : i32
    %dma_wait3A_264 = tpu.memref_slice %arg9[%arg0, %mul3A_181, %dma_wait3A_263] : memref<2x1024x16xf32, #tpu.memory_space<hbm>> -> memref<1x32x16xf32, #tpu.memory_space<hbm>>
    %dma_wait3A_265 = tpu.memref_squeeze %dma_wait3A_264 : memref<1x32x16xf32, #tpu.memory_space<hbm>> -> memref<32x16xf32, #tpu.memory_space<hbm>>
    tpu.wait_dma2 semaphore(%arg32 : memref<!tpu.dma_semaphore, #tpu.memory_space<semaphore_mem>>) src(%arg26 : memref<32x16xf32, #tpu.memory_space<vmem>>) dst(%dma_wait3A_265 : memref<32x16xf32, #tpu.memory_space<hbm>>)
    %dma_wait3A_266 = arith.constant 0 : i32
    %dma_wait3A_267 = tpu.memref_slice %arg9[%arg0, %add3A_241, %dma_wait3A_266] : memref<2x1024x16xf32, #tpu.memory_space<hbm>> -> memref<1x32x16xf32, #tpu.memory_space<hbm>>
    %dma_wait3A_268 = tpu.memref_squeeze %dma_wait3A_267 : memref<1x32x16xf32, #tpu.memory_space<hbm>> -> memref<32x16xf32, #tpu.memory_space<hbm>>
    %dma_wait3A_269 = arith.constant 0 : i32
    %dma_wait3A_270 = tpu.memref_slice %arg9[%arg0, %add3A_241, %dma_wait3A_269] : memref<2x1024x16xf32, #tpu.memory_space<hbm>> -> memref<1x32x16xf32, #tpu.memory_space<hbm>>
    %dma_wait3A_271 = tpu.memref_squeeze %dma_wait3A_270 : memref<1x32x16xf32, #tpu.memory_space<hbm>> -> memref<32x16xf32, #tpu.memory_space<hbm>>
    tpu.wait_dma2 semaphore(%arg33 : memref<!tpu.dma_semaphore, #tpu.memory_space<semaphore_mem>>) src(%arg25 : memref<32x16xf32, #tpu.memory_space<vmem>>) dst(%dma_wait3A_271 : memref<32x16xf32, #tpu.memory_space<hbm>>)
    %eq3A = arith.constant 0 : i32
    %eq3A_272 = arith.cmpi eq, %arg0, %eq3A : i32
    %convert_element_type3A_273 = arith.extui %eq3A_272 : i1 to i32
    %cond3A_274 = arith.constant 0 : i32
    %cond3A_275 = arith.cmpi ne, %convert_element_type3A_273, %cond3A_274 : i32
    scf.if %cond3A_275 {
      %dma_start3A_276 = arith.constant 0 : i32
      %dma_start3A_277 = tpu.memref_slice %arg29[%dma_start3A_276] : memref<64xi32, #tpu.memory_space<vmem>> -> memref<32xi32, #tpu.memory_space<vmem>>
      %dma_start3A_278 = arith.constant 0 : i32
      %dma_start3A_279 = arith.constant 0 : i32
      %dma_start3A_280 = tpu.memref_slice %arg7[%dma_start3A_278, %dma_start3A_279] : memref<10000x128xf32, #tpu.memory_space<hbm>> -> memref<10000x128xf32, #tpu.memory_space<hbm>>
      tpu.enqueue_indirect_dma source(%dma_start3A_280 : memref<10000x128xf32, #tpu.memory_space<hbm>>) target(%arg23 : memref<32x128xf32, #tpu.memory_space<vmem>>) offsets(%dma_start3A_277 : memref<32xi32, #tpu.memory_space<vmem>>) semaphore(%arg30 : memref<!tpu.dma_semaphore, #tpu.memory_space<semaphore_mem>>)
      %dma_start3A_281 = arith.constant 32 : i32
      %dma_start3A_282 = tpu.memref_slice %arg29[%dma_start3A_281] : memref<64xi32, #tpu.memory_space<vmem>> -> memref<32xi32, #tpu.memory_space<vmem>>
      %dma_start3A_283 = arith.constant 0 : i32
      %dma_start3A_284 = arith.constant 0 : i32
      %dma_start3A_285 = tpu.memref_slice %arg7[%dma_start3A_283, %dma_start3A_284] : memref<10000x128xf32, #tpu.memory_space<hbm>> -> memref<10000x128xf32, #tpu.memory_space<hbm>>
      tpu.enqueue_indirect_dma source(%dma_start3A_285 : memref<10000x128xf32, #tpu.memory_space<hbm>>) target(%arg24 : memref<32x128xf32, #tpu.memory_space<vmem>>) offsets(%dma_start3A_282 : memref<32xi32, #tpu.memory_space<vmem>>) semaphore(%arg31 : memref<!tpu.dma_semaphore, #tpu.memory_space<semaphore_mem>>)
      %dma_wait3A_286 = arith.constant 0 : i32
      %dma_wait3A_287 = tpu.memref_slice %arg29[%dma_wait3A_286] : memref<64xi32, #tpu.memory_space<vmem>> -> memref<32xi32, #tpu.memory_space<vmem>>
      %dma_wait3A_288 = arith.constant 0 : i32
      %dma_wait3A_289 = arith.constant 0 : i32
      %dma_wait3A_290 = tpu.memref_slice %arg7[%dma_wait3A_288, %dma_wait3A_289] : memref<10000x128xf32, #tpu.memory_space<hbm>> -> memref<10000x128xf32, #tpu.memory_space<hbm>>
      tpu.wait_indirect_dma semaphore(%arg30 : memref<!tpu.dma_semaphore, #tpu.memory_space<semaphore_mem>>) src(%dma_wait3A_290 : memref<10000x128xf32, #tpu.memory_space<hbm>>) dst(%arg23 : memref<32x128xf32, #tpu.memory_space<vmem>>)
      %dma_start3A_291 = arith.constant 0 : i32
      %dma_start3A_292 = tpu.memref_slice %arg10[%mul3A_181, %dma_start3A_291] : memref<1024x128xf32, #tpu.memory_space<hbm>> -> memref<32x128xf32, #tpu.memory_space<hbm>>
      %dma_start3A_293 = arith.constant 0 : i32
      %dma_start3A_294 = tpu.memref_slice %arg10[%mul3A_181, %dma_start3A_293] : memref<1024x128xf32, #tpu.memory_space<hbm>> -> memref<32x128xf32, #tpu.memory_space<hbm>>
      tpu.enqueue_dma source(%arg23 : memref<32x128xf32, #tpu.memory_space<vmem>>) target(%dma_start3A_294 : memref<32x128xf32, #tpu.memory_space<hbm>>) target_semaphore(%arg30 : memref<!tpu.dma_semaphore, #tpu.memory_space<semaphore_mem>>)
      %dma_wait3A_295 = arith.constant 0 : i32
      %dma_wait3A_296 = tpu.memref_slice %arg10[%mul3A_181, %dma_wait3A_295] : memref<1024x128xf32, #tpu.memory_space<hbm>> -> memref<32x128xf32, #tpu.memory_space<hbm>>
      %dma_wait3A_297 = arith.constant 0 : i32
      %dma_wait3A_298 = tpu.memref_slice %arg10[%mul3A_181, %dma_wait3A_297] : memref<1024x128xf32, #tpu.memory_space<hbm>> -> memref<32x128xf32, #tpu.memory_space<hbm>>
      tpu.wait_dma2 semaphore(%arg30 : memref<!tpu.dma_semaphore, #tpu.memory_space<semaphore_mem>>) src(%arg23 : memref<32x128xf32, #tpu.memory_space<vmem>>) dst(%dma_wait3A_298 : memref<32x128xf32, #tpu.memory_space<hbm>>)
      %dma_wait3A_299 = arith.constant 32 : i32
      %dma_wait3A_300 = tpu.memref_slice %arg29[%dma_wait3A_299] : memref<64xi32, #tpu.memory_space<vmem>> -> memref<32xi32, #tpu.memory_space<vmem>>
      %dma_wait3A_301 = arith.constant 0 : i32
      %dma_wait3A_302 = arith.constant 0 : i32
      %dma_wait3A_303 = tpu.memref_slice %arg7[%dma_wait3A_301, %dma_wait3A_302] : memref<10000x128xf32, #tpu.memory_space<hbm>> -> memref<10000x128xf32, #tpu.memory_space<hbm>>
      tpu.wait_indirect_dma semaphore(%arg31 : memref<!tpu.dma_semaphore, #tpu.memory_space<semaphore_mem>>) src(%dma_wait3A_303 : memref<10000x128xf32, #tpu.memory_space<hbm>>) dst(%arg24 : memref<32x128xf32, #tpu.memory_space<vmem>>)
      %add3A_304 = arith.constant 32 : i32
      %add3A_305 = arith.addi %mul3A_181, %add3A_304 : i32
      %dma_start3A_306 = arith.constant 0 : i32
      %dma_start3A_307 = tpu.memref_slice %arg10[%add3A_305, %dma_start3A_306] : memref<1024x128xf32, #tpu.memory_space<hbm>> -> memref<32x128xf32, #tpu.memory_space<hbm>>
      %dma_start3A_308 = arith.constant 0 : i32
      %dma_start3A_309 = tpu.memref_slice %arg10[%add3A_305, %dma_start3A_308] : memref<1024x128xf32, #tpu.memory_space<hbm>> -> memref<32x128xf32, #tpu.memory_space<hbm>>
      tpu.enqueue_dma source(%arg24 : memref<32x128xf32, #tpu.memory_space<vmem>>) target(%dma_start3A_309 : memref<32x128xf32, #tpu.memory_space<hbm>>) target_semaphore(%arg31 : memref<!tpu.dma_semaphore, #tpu.memory_space<semaphore_mem>>)
      %dma_wait3A_310 = arith.constant 0 : i32
      %dma_wait3A_311 = tpu.memref_slice %arg10[%add3A_305, %dma_wait3A_310] : memref<1024x128xf32, #tpu.memory_space<hbm>> -> memref<32x128xf32, #tpu.memory_space<hbm>>
      %dma_wait3A_312 = arith.constant 0 : i32
      %dma_wait3A_313 = tpu.memref_slice %arg10[%add3A_305, %dma_wait3A_312] : memref<1024x128xf32, #tpu.memory_space<hbm>> -> memref<32x128xf32, #tpu.memory_space<hbm>>
      tpu.wait_dma2 semaphore(%arg31 : memref<!tpu.dma_semaphore, #tpu.memory_space<semaphore_mem>>) src(%arg24 : memref<32x128xf32, #tpu.memory_space<vmem>>) dst(%dma_wait3A_313 : memref<32x128xf32, #tpu.memory_space<hbm>>)
    } else {
    }
    "tpu.trace_stop"() : () -> ()
    return
  }
}

module attributes {stable_mosaic.version = 14 : i64} {
  func.func @_fin_body(%arg0: memref<2x1024x128xf32, #tpu.memory_space<vmem>>, %arg1: memref<2x1024x16xf32, #tpu.memory_space<vmem>>, %arg2: memref<1024x128xf32, #tpu.memory_space<vmem>>, %arg3: memref<1024x128xf32, #tpu.memory_space<vmem>>, %arg4: memref<128x128xf32, #tpu.memory_space<vmem>>, %arg5: memref<128x256xf32, #tpu.memory_space<vmem>>, %arg6: memref<1024x128xf32, #tpu.memory_space<vmem>>) attributes {dimension_semantics = [], scalar_prefetch = 0 : i64, scratch_operands = 0 : i64, tpu.core_type = #tpu.core_type<tc>} {
    %get3A = arith.constant 0 : index
    %get3A_0 = arith.constant 0 : index
    %get3A_1 = arith.constant 0 : index
    %get3A_2 = vector.load %arg0[%get3A, %get3A_0, %get3A_1] : memref<2x1024x128xf32, #tpu.memory_space<vmem>>, vector<1x1024x128xf32>
    %get3A_3 = vector.shape_cast %get3A_2 : vector<1x1024x128xf32> to vector<1024x128xf32>
    %get3A_4 = arith.constant 1 : index
    %get3A_5 = arith.constant 0 : index
    %get3A_6 = arith.constant 0 : index
    %get3A_7 = vector.load %arg0[%get3A_4, %get3A_5, %get3A_6] : memref<2x1024x128xf32, #tpu.memory_space<vmem>>, vector<1x1024x128xf32>
    %get3A_8 = vector.shape_cast %get3A_7 : vector<1x1024x128xf32> to vector<1024x128xf32>
    %add3A = arith.addf %get3A_3, %get3A_8 : vector<1024x128xf32>
    %get3A_9 = arith.constant 0 : index
    %get3A_10 = arith.constant 0 : index
    %get3A_11 = arith.constant 0 : index
    %get3A_12 = vector.load %arg1[%get3A_9, %get3A_10, %get3A_11] : memref<2x1024x16xf32, #tpu.memory_space<vmem>>, vector<1x1024x16xf32>
    %get3A_13 = vector.shape_cast %get3A_12 : vector<1x1024x16xf32> to vector<1024x16xf32>
    %get3A_14 = arith.constant 1 : index
    %get3A_15 = arith.constant 0 : index
    %get3A_16 = arith.constant 0 : index
    %get3A_17 = vector.load %arg1[%get3A_14, %get3A_15, %get3A_16] : memref<2x1024x16xf32, #tpu.memory_space<vmem>>, vector<1x1024x16xf32>
    %get3A_18 = vector.shape_cast %get3A_17 : vector<1x1024x16xf32> to vector<1024x16xf32>
    %add3A_19 = arith.addf %get3A_13, %get3A_18 : vector<1024x16xf32>
    %slice3A = vector.extract_strided_slice %add3A_19 {offsets = [0, 0], sizes = [1024, 1], strides = [1, 1]} : vector<1024x16xf32> to vector<1024x1xf32>
    %max3A = arith.constant 1.000000e+00 : f32
    %max3A_20 = vector.broadcast %max3A : f32 to vector<1024x1xf32>
    %max3A_21 = arith.maximumf %slice3A, %max3A_20 : vector<1024x1xf32>
    %get3A_22 = arith.constant 0 : index
    %get3A_23 = arith.constant 0 : index
    %get3A_24 = vector.load %arg2[%get3A_22, %get3A_23] : memref<1024x128xf32, #tpu.memory_space<vmem>>, vector<1024x128xf32>
    %get3A_25 = arith.constant 0 : index
    %get3A_26 = arith.constant 0 : index
    %get3A_27 = vector.load %arg4[%get3A_25, %get3A_26] : memref<128x128xf32, #tpu.memory_space<vmem>>, vector<128x128xf32>
    %dot_general3A = arith.constant dense<0.000000e+00> : vector<1024x128xf32>
    %dot_general3A_28 = tpu.matmul %get3A_24, %get3A_27, %dot_general3A {dimension_numbers = #tpu.dot_dimension_numbers<[1], [0], [0], [1], [0, 0, 1, 1], [], []>, transpose_lhs_hint = false} : vector<1024x128xf32>, vector<128x128xf32>, vector<1024x128xf32> -> vector<1024x128xf32>
    %div3A = vector.broadcast %max3A_21 : vector<1024x1xf32> to vector<1024x128xf32>
    %div3A_29 = arith.divf %add3A, %div3A : vector<1024x128xf32>
    %add3A_30 = arith.addf %div3A_29, %dot_general3A_28 : vector<1024x128xf32>
    %max3A_31 = arith.constant 0.000000e+00 : f32
    %max3A_32 = vector.broadcast %max3A_31 : f32 to vector<1024x128xf32>
    %max3A_33 = arith.maximumf %add3A_30, %max3A_32 : vector<1024x128xf32>
    %get3A_34 = arith.constant 0 : index
    %get3A_35 = arith.constant 0 : index
    %get3A_36 = vector.load %arg5[%get3A_34, %get3A_35] : memref<128x256xf32, #tpu.memory_space<vmem>>, vector<128x128xf32>
    %get3A_37 = arith.constant 0 : index
    %get3A_38 = arith.constant 128 : index
    %get3A_39 = vector.load %arg5[%get3A_37, %get3A_38] : memref<128x256xf32, #tpu.memory_space<vmem>>, vector<128x128xf32>
    %dot_general3A_40 = arith.constant dense<0.000000e+00> : vector<1024x128xf32>
    %dot_general3A_41 = tpu.matmul %max3A_33, %get3A_36, %dot_general3A_40 {dimension_numbers = #tpu.dot_dimension_numbers<[1], [1], [0], [0], [0, 0, 1, 0], [], []>, transpose_lhs_hint = false} : vector<1024x128xf32>, vector<128x128xf32>, vector<1024x128xf32> -> vector<1024x128xf32>
    %get3A_42 = arith.constant 0 : index
    %get3A_43 = arith.constant 0 : index
    %get3A_44 = vector.load %arg3[%get3A_42, %get3A_43] : memref<1024x128xf32, #tpu.memory_space<vmem>>, vector<1024x128xf32>
    %dot_general3A_45 = arith.constant dense<0.000000e+00> : vector<1024x128xf32>
    %dot_general3A_46 = tpu.matmul %get3A_44, %get3A_39, %dot_general3A_45 {dimension_numbers = #tpu.dot_dimension_numbers<[1], [1], [0], [0], [0, 0, 1, 0], [], []>, transpose_lhs_hint = false} : vector<1024x128xf32>, vector<128x128xf32>, vector<1024x128xf32> -> vector<1024x128xf32>
    %add3A_47 = arith.addf %dot_general3A_41, %dot_general3A_46 : vector<1024x128xf32>
    %swap3A = arith.constant 0 : index
    %swap3A_48 = arith.constant 0 : index
    %swap3A_49 = vector.load %arg6[%swap3A, %swap3A_48] : memref<1024x128xf32, #tpu.memory_space<vmem>>, vector<1024x128xf32>
    tpu.vector_store %arg6[%swap3A, %swap3A_48], %add3A_47 {strides = array<i32>} : memref<1024x128xf32, #tpu.memory_space<vmem>>, vector<1024x128xf32>,
    return
  }
}

module attributes {stable_mosaic.version = 14 : i64} {
  func.func @_mm_body(%arg0: i32, %arg1: memref<2000x128xf32, #tpu.memory_space<vmem>>, %arg2: memref<400x128xf32, #tpu.memory_space<vmem>>, %arg3: memref<256x128xf32, #tpu.memory_space<vmem>>, %arg4: memref<2000x128xf32, #tpu.memory_space<vmem>>, %arg5: memref<400x128xf32, #tpu.memory_space<vmem>>) attributes {dimension_semantics = [#tpu.dimension_semantics<arbitrary>], iteration_bounds = array<i64: 5>, scalar_prefetch = 0 : i64, scratch_operands = 0 : i64, tpu.core_type = #tpu.core_type<tc>, window_params = [{transform_indices = @transform_0, window_bounds = array<i64: 2000, 128>}, {pipeline_mode = #tpu.pipeline_mode<synchronous>, transform_indices = @transform_1, window_bounds = array<i64: 400, 128>}, {pipeline_mode = #tpu.pipeline_mode<synchronous>, transform_indices = @transform_2, window_bounds = array<i64: 256, 128>}, {transform_indices = @transform_3, window_bounds = array<i64: 2000, 128>}, {pipeline_mode = #tpu.pipeline_mode<synchronous>, transform_indices = @transform_4, window_bounds = array<i64: 400, 128>}]} {
    %get3A = arith.constant 0 : index
    %get3A_0 = arith.constant 0 : index
    %get3A_1 = vector.load %arg1[%get3A, %get3A_0] : memref<2000x128xf32, #tpu.memory_space<vmem>>, vector<2000x128xf32>
    %get3A_2 = arith.constant 0 : index
    %get3A_3 = arith.constant 0 : index
    %get3A_4 = vector.load %arg3[%get3A_2, %get3A_3] : memref<256x128xf32, #tpu.memory_space<vmem>>, vector<128x128xf32>
    %dot_general3A = arith.constant dense<0.000000e+00> : vector<2000x128xf32>
    %dot_general3A_5 = tpu.matmul %get3A_1, %get3A_4, %dot_general3A {dimension_numbers = #tpu.dot_dimension_numbers<[1], [0], [0], [1], [0, 0, 1, 1], [], []>, transpose_lhs_hint = false} : vector<2000x128xf32>, vector<128x128xf32>, vector<2000x128xf32> -> vector<2000x128xf32>
    %swap3A = arith.constant 0 : index
    %swap3A_6 = arith.constant 0 : index
    %swap3A_7 = vector.load %arg4[%swap3A, %swap3A_6] : memref<2000x128xf32, #tpu.memory_space<vmem>>, vector<2000x128xf32>
    tpu.vector_store %arg4[%swap3A, %swap3A_6], %dot_general3A_5 {strides = array<i32>} : memref<2000x128xf32, #tpu.memory_space<vmem>>, vector<2000x128xf32>,
    %eq3A = arith.constant 0 : i32
    %eq3A_8 = arith.cmpi eq, %arg0, %eq3A : i32
    %convert_element_type3A = arith.extui %eq3A_8 : i1 to i32
    %cond3A = arith.constant 0 : i32
    %cond3A_9 = arith.cmpi ne, %convert_element_type3A, %cond3A : i32
    scf.if %cond3A_9 {
      %get3A_10 = arith.constant 0 : index
      %get3A_11 = arith.constant 0 : index
      %get3A_12 = vector.load %arg2[%get3A_10, %get3A_11] : memref<400x128xf32, #tpu.memory_space<vmem>>, vector<400x128xf32>
      %get3A_13 = arith.constant 128 : index
      %get3A_14 = arith.constant 0 : index
      %get3A_15 = vector.load %arg3[%get3A_13, %get3A_14] : memref<256x128xf32, #tpu.memory_space<vmem>>, vector<128x128xf32>
      %dot_general3A_16 = arith.constant dense<0.000000e+00> : vector<400x128xf32>
      %dot_general3A_17 = tpu.matmul %get3A_12, %get3A_15, %dot_general3A_16 {dimension_numbers = #tpu.dot_dimension_numbers<[1], [0], [0], [1], [0, 0, 1, 1], [], []>, transpose_lhs_hint = false} : vector<400x128xf32>, vector<128x128xf32>, vector<400x128xf32> -> vector<400x128xf32>
      %swap3A_18 = arith.constant 0 : index
      %swap3A_19 = arith.constant 0 : index
      %swap3A_20 = vector.load %arg5[%swap3A_18, %swap3A_19] : memref<400x128xf32, #tpu.memory_space<vmem>>, vector<400x128xf32>
      tpu.vector_store %arg5[%swap3A_18, %swap3A_19], %dot_general3A_17 {strides = array<i32>} : memref<400x128xf32, #tpu.memory_space<vmem>>, vector<400x128xf32>,
    } else {
    }
    return
  }
  func.func @transform_0(%arg0: i32) -> (i32, i32) {
    %c0_i32 = arith.constant 0 : i32
    %c0_i32_0 = arith.constant 0 : i32
    return %arg0, %c0_i32 : i32, i32
  }
  func.func @transform_1(%arg0: i32) -> (i32, i32) {
    %c0_i32 = arith.constant 0 : i32
    %c0_i32_0 = arith.constant 0 : i32
    %c0_i32_1 = arith.constant 0 : i32
    return %c0_i32, %c0_i32_0 : i32, i32
  }
  func.func @transform_2(%arg0: i32) -> (i32, i32) {
    %c0_i32 = arith.constant 0 : i32
    %c0_i32_0 = arith.constant 0 : i32
    %c0_i32_1 = arith.constant 0 : i32
    return %c0_i32, %c0_i32_0 : i32, i32
  }
  func.func @transform_3(%arg0: i32) -> (i32, i32) {
    %c0_i32 = arith.constant 0 : i32
    %c0_i32_0 = arith.constant 0 : i32
    return %arg0, %c0_i32 : i32, i32
  }
  func.func @transform_4(%arg0: i32) -> (i32, i32) {
    %c0_i32 = arith.constant 0 : i32
    %c0_i32_0 = arith.constant 0 : i32
    %c0_i32_1 = arith.constant 0 : i32
    return %c0_i32, %c0_i32_0 : i32, i32
  }
}

</mosaic_0001>

<sc_bundles>
// kernel: kernel.5.cloned.1.call-start
scs
__scs_entry_jumppad:
0x0: {  	(pc) =	sbr.rel $0x88, $3  }
0x1: {  	(tag) =	ssettag $0x0;
	lr =	simm.s32 $0x1  }
0x2: {  	[smem:$0x3F98] =	sst lr;
	_ =	strace $0xD0000000  }
0x3: {  	_ = 	snop  }
0x4: {  	_ = 	snop  }
0x5: {  	_ = 	snop  }
0x6: {  	_ = 	snop  }
0x7: {  	_ = 	snop  }
__scs_overlays_trampoline_lowered:
0x8: {  	[smem:$0x3FA7] =	sst s0  }
0x9: {  	[smem:$0x3FA8] =	sst s1  }
0xa: {  	[smem:$0x3FA9] =	sst s2  }
0xb: {  	[smem:$0x3FAA] =	sst s3  }
0xc: {  	[smem:$0x3FAB] =	sst s4  }
0xd: {  	[smem:$0x3FAC] =	sst s5  }
0xe: {  	[smem:$0x3FAD] =	sst s6  }
0xf: {  	[smem:$0x3FAE] =	sst s7  }
0x10: {  	[smem:$0x3FAF] =	sst s8  }
0x11: {  	[smem:$0x3FB0] =	sst s9;
	s0 =	simm.s32 @!p0 $0x0  }
0x12: {  	s1 =	sld [smem:$0x3F96];
	s0 =	simm.s32 @p0 $0x1  }
0x13: {  	[smem:$0x3FB1] =	sst s0;
	s0 =	simm.s32 @!p1 $0x0  }
0x14: {  	s2 =	sld [smem:$0x3F95];
	s0 =	simm.s32 @p1 $0x1  }
0x15: {  	[smem:$0x3FB2] =	sst s0;
	s0 =	simm.s32 @!p2 $0x0  }
0x16: {  	s3 =	sld [smem:$0x3FDB];
	s0 =	simm.s32 @p2 $0x1  }
0x17: {  	s4 =	simm.s32 $0x1BF5;
	[smem:$0x3FB4] =	sst s0  }
0x18: {  	s0 =	sld [smem:$0x3F97];
	_ =	swait.ge [sflag:s4], $0x0  }
0x19: {  	s7 =	sld [smem:$0x3F98]  }
0x1a: {  	s8 =	sadd.s32 $0xFFFFE003, lr  }
0x1b: {  	s9 =	sadd.s32 $0xFFFFFEF7, lr;
	s5 =	simm.s32 $0xFFFFFFFF;
	p2 =	slt.u32 s8, $0xFFFFF086  }
0x1c: {  	p1 =	slt.u32 s9, $0xF7A;
	s5 =	simm.s32 @!p2 $0x0  }
0x1d: {  	s5 =	simm.s32 @p1 $0x1;
	p0 =	seq.s32 s7, s2  }
0x1e: {  	s7 =	smul.u32 @!p0 $0xF7A, s2;
	p2 =	seq.s32 @!p0 s5, $0x0  }
0x1f: {  	s9 =	smul.u32 $0xF7A, s1;
	s8 =	simm.s32 @!p0 $0x1BF5;
	p2 =	por !p2, p0  }
0x20: {  	[sflag:s8] =	ssyncset.s32 @!p0 $0xFFFFF086;
	s6 =	sadd.s32 @!p0 s3, s7;
	s7 =	simm.s32 @!p0 $0x108  }
0x21: {  	s3 =	sadd.s32 s3, s9;
	s6 =	sadd.s32 @!p0 $0x88, s6;
	s7 =	simm.s32 @p2 $0x1082  }
0x22: {  	[simem:s7], [sflag:s8] =	dma.local @!p0 [hbm:s6], $0xF7A  }
0x23: {  	s9 =	sor.u32 $0xD0000000, s2;
	s6 =	simm.s32 $0x108;
	_ =	swait.ge @!p0 [sflag:s8], $0x0  }
0x24: {  	s3 =	sadd.s32 $0x88, s3;
	s6 =	simm.s32 @!p1 $0x1082;
	[sflag:s4] =	ssyncset.s32 $0xFFFFF086  }
0x25: {  	[simem:s6], [sflag:s4] =	dma.local [hbm:s3], $0xF7A  }
0x26: {  	[smem:$0x3F98] =	sst s1;
	(tag) =	ssettag s2;
	_ =	strace s9  }
0x27: {  	s1 =	sld [smem:$0x3FA8]  }
0x28: {  	s2 =	sld [smem:$0x3FA9]  }
0x29: {  	s4 =	sld [smem:$0x3FAB]  }
0x2a: {  	p0 =	seq.s32 s5, $0x0;
	s5 =	sld [smem:$0x3FAC]  }
0x2b: {  	s6 =	sld [smem:$0x3FAD]  }
0x2c: {  	s7 =	sld [smem:$0x3FAE]  }
0x2d: {  	s3 =	simm.s32 $0x108;
	s8 =	sld [smem:$0x3FAF]  }
0x2e: {  	s3 =	simm.s32 @!p0 $0x1082;
	s9 =	sld [smem:$0x3FB0]  }
0x2f: {  	lr =	sadd.s32 s0, s3;
	s0 =	sld [smem:$0x3FA7]  }
0x30: {  	s3 =	sld [smem:$0x3FAA]  }
0x31: {  	[smem:$0x3FB3] =	sst s10  }
0x32: {  	s10 =	sld [smem:$0x3FB1];
	_ =	sdelay $0x3  }
0x33: {  	p0 =	seq.s32 s10, $0x1;
	s10 =	sld [smem:$0x3FB3];
	_ =	sdelay $0x3  }
0x34: {  	[smem:$0x3FB3] =	sst s10  }
0x35: {  	s10 =	sld [smem:$0x3FB2];
	_ =	sdelay $0x3  }
0x36: {  	p1 =	seq.s32 s10, $0x1;
	s10 =	sld [smem:$0x3FB3];
	_ =	sdelay $0x3  }
0x37: {  	[smem:$0x3FB3] =	sst s10  }
0x38: {  	s10 =	sld [smem:$0x3FB4]  }
0x39: {  	_ = 	snop;
	(pc) =	sbr.ind lr, $3  }
0x3a: {  	_ = 	snop  }
0x3b: {  	_ = 	snop  }
0x3c: {  	p2 =	seq.s32 s10, $0x1;
	s10 =	sld [smem:$0x3FB3]  }
0x3d: {  	_ =	shalt  }
0x3e: {  	_ =	shalt  }
0x3f: {  	_ =	shalt  }
0x40: {  	_ =	shalt  }
0x41: {  	_ =	shalt  }
0x42: {  	_ =	shalt  }
0x43: {  	_ =	shalt  }
0x44: {  	_ =	shalt  }
0x45: {  	_ =	shalt  }
0x46: {  	_ =	shalt  }
0x47: {  	_ =	shalt  }
0x48: {  	_ =	shalt  }
0x49: {  	_ =	shalt  }
0x4a: {  	_ =	shalt  }
0x4b: {  	_ =	shalt  }
0x4c: {  	_ =	shalt  }
0x4d: {  	_ =	shalt  }
0x4e: {  	_ =	shalt  }
0x4f: {  	_ =	shalt  }
0x50: {  	_ =	shalt  }
0x51: {  	_ =	shalt  }
0x52: {  	_ =	shalt  }
0x53: {  	_ =	shalt  }
0x54: {  	_ =	shalt  }
0x55: {  	_ =	shalt  }
0x56: {  	_ =	shalt  }
0x57: {  	_ =	shalt  }
0x58: {  	_ =	shalt  }
0x59: {  	_ =	shalt  }
0x5a: {  	_ =	shalt  }
0x5b: {  	_ =	shalt  }
0x5c: {  	_ =	shalt  }
0x5d: {  	_ =	shalt  }
0x5e: {  	_ =	shalt  }
0x5f: {  	_ =	shalt  }
0x60: {  	_ =	shalt  }
0x61: {  	_ =	shalt  }
0x62: {  	_ =	shalt  }
0x63: {  	_ =	shalt  }
0x64: {  	_ =	shalt  }
0x65: {  	_ =	shalt  }
0x66: {  	_ =	shalt  }
0x67: {  	_ =	shalt  }
0x68: {  	_ =	shalt  }
0x69: {  	_ =	shalt  }
0x6a: {  	_ =	shalt  }
0x6b: {  	_ =	shalt  }
0x6c: {  	_ =	shalt  }
0x6d: {  	_ =	shalt  }
0x6e: {  	_ =	shalt  }
0x6f: {  	_ =	shalt  }
0x70: {  	_ =	shalt  }
0x71: {  	_ =	shalt  }
0x72: {  	_ =	shalt  }
0x73: {  	_ =	shalt  }
0x74: {  	_ =	shalt  }
0x75: {  	_ =	shalt  }
0x76: {  	_ =	shalt  }
0x77: {  	_ =	shalt  }
0x78: {  	_ =	shalt  }
0x79: {  	_ =	shalt  }
0x7a: {  	_ =	shalt  }
0x7b: {  	_ =	shalt  }
0x7c: {  	_ =	shalt  }
0x7d: {  	_ =	shalt  }
0x7e: {  	_ =	shalt  }
0x7f: {  	_ =	shalt  }
0x80: {  	_ =	shalt  }
0x81: {  	_ =	shalt  }
0x82: {  	_ =	shalt  }
0x83: {  	_ =	shalt  }
0x84: {  	_ =	shalt  }
0x85: {  	_ =	shalt  }
0x86: {  	_ =	shalt  }
0x87: {  	_ =	shalt  }
.Lfunc_end0:
.L_simem_size_0:
called_computation_lowered:
.L_overlay_start_0:
0x88: {  	s2 =	sld [smem:$0x3FD9]  }
0x89: {  	s3 =	sld [smem:$0x3FFE];
	_ =	sdelay $0x1  }
0x8a: {  	s1 =	srdreg.scid  }
0x8b: {  	s0 =	sand.u32 $0x1, s1  }
0x8c: {  	s17 =	sshll.u32 s0, $0xA;
	s2 =	sadd.s32 s3, s2  }
0x8d: {  	s2 =	sadd.s32 s2, s17  }
0x8e: {  	[smem:$0x3FBF] =	sst s2  }
0x8f: {  	_ = 	snop  }
0x90: {  	s2 =	sld [smem:$0x3FC9]  }
0x91: {  	s18 =	sld [smem:$0x3FC6]  }
0x92: {  	s4 =	sld [smem:$0x3FC5]  }
0x93: {  	s5 =	sld [smem:$0x3FD0];
	(tm) =	ssettm $0x1  }
0x94: {  	s6 =	sld [smem:$0x3FFB];
	_ =	sdelay $0x3  }
0x95: {  	_ =	strace s6  }
0x96: {  	s6 =	sld [smem:$0x3FFC];
	_ =	sdelay $0x3  }
0x97: {  	_ =	strace s6  }
0x98: {  	s6 =	sld [smem:$0x3FFD];
	_ =	sdelay $0x3  }
0x99: {  	_ =	strace s6  }
0x9a: {  	_ =	strace $0x8FFFFFFF  }
0x9b: {  	s19 =	sld [smem:$0x3FDB];
	_ =	sdelay $0x1  }
0x9c: {  	s7 =	simm.s32 $_scs_section_size  }
0x9d: {  	s8 =	simm.s32 $_size__tile_overlayer_lowered;
	s9 =	simm.s32 $_tile_overlayer_lowered  }
0x9e: {  	s22 =	simm.s32 $0x1BFF;
	s21 =	sshll.u32 s9, $0x1;
	s6 =	sadd.s32 s7, s19  }
0x9f: {  	s10 =	simm.s32 $0x0;
	s20 =	sshll.u32 s8, $0x1;
	s8 =	sadd.s32 s21, s6  }
0xa0: {  	[timem:s10], [sflag:s22] =	dma.local [hbm:s8], s20  }
0xa1: {  	_ =	swait.ge [sflag:s22], s20  }
0xa2: {  	s7 =	ssub.s32 $0x0, s20;
	[sflag:s22] =	ssyncset.done $0x0  }
0xa3: {  	[sflag:s22] =	ssyncadd.s32 s7;
	_ =	sdelay $0x1  }
0xa4: {  	s23 =	simm.s32 $0x1B8B  }
0xa5: {  	_ =	swait.ge [sflag:s23], $0x1  }
0xa6: {  	[sflag:s23] =	ssyncset.done $0x0  }
0xa7: {  	s25 =	simm.s32 $0x1B8E;
	s24 =	sld [smem:$0x3FFE];
	[sflag:s23] =	ssyncadd.s32 $0xFFFFFFFF  }
0xa8: {  	s26 =	simm.s32 $execute0_lowered;
	[smem:$0x3FD2] =	sst s25  }
0xa9: {  	s8 =	sshll.u32 s26, $0x1;
	_ =	strace $0x80000046;
	[dreg:$0x1] =	wrdreg $0xFFFFFFFF  }
0xaa: {  	s28 =	simm.s32 $_size_execute0_lowered;
	s6 =	sadd.s32 s6, s8;
	[dreg:$0x0] =	wrdreg $0x0  }
0xab: {  	s8 =	sshll.u32 s28, $0x1;
	[dreg:$0x2] =	wrdreg s6  }
0xac: {  	[dreg:$0x3] =	wrdreg s8  }
0xad: {  	[dreg:$0x4] =	wrdreg $0xC0  }
0xae: {  	_ =	task [dreg:s10], $0x5FFFF  }
0xaf: {  	[dreg:$0x1] =	wrdreg $0xFFFFFFFF  }
0xb0: {  	[dreg:$0x0] =	wrdreg $0x60  }
0xb1: {  	[dreg:$0x2] =	wrdreg s24  }
0xb2: {  	[dreg:$0x3] =	wrdreg s18  }
0xb3: {  	[dreg:$0x4] =	wrdreg s4  }
0xb4: {  	[dreg:$0x5] =	wrdreg s2  }
0xb5: {  	[dreg:$0x6] =	wrdreg s5  }
0xb6: {  	[dreg:$0x7] =	wrdreg $0x0  }
0xb7: {  	[dreg:$0x8] =	wrdreg $0x139000  }
0xb8: {  	[dreg:$0x9] =	wrdreg $0x9  }
0xb9: {  	_ =	task.clear_ibuf [dreg:s10], $0xAFFFF;
	_ =	strace $0x90000046  }
0xba: {  	s29 =	simm.s32 $0x9;
	_ =	strace $0x8000004F  }
0xbb: {  	_ =	swait.ge [sflag:s29], $0x1  }
0xbc: {  	[sflag:s29] =	ssyncadd.s32 $0xFFFFFFFF  }
0xbd: {  	_ =	strace $0x9000004F  }
0xbe: {  	_ =	sfence  }
0xbf: {  	s30 =	sld [smem:$0x0];
	_ =	sdelay $0x2  }
0xc0: {  	s31 =	sshll.u32 s1, $0xD;
	s1 =	sshrl.u32 s1, $0x2  }
0xc1: {  	s3 =	sand.u32 $0x4000, s31;
	s1 =	sadd.s32 s1, s30  }
0xc2: {  	s0 =	sor.u32 s3, s0;
	s1 =	sshll.u32 s1, $0x11  }
0xc3: {  	s0 =	sor.u32 s1, s0  }
0xc4: {  	s0 =	sadd.s32 $0x8F2B, s0  }
0xc5: {  	[sflag:s0] =	ssyncadd.remote.s32 $0x1  }
0xc6: {  	_ =	sfence.sel $0xFFFF  }
0xc7: {  	[dreg:$0x0] =	wrdreg $0xFFFFFFFF;
	(pc) =	sbr.abs _section_cstart, $3  }
0xc8: {  	[dreg:$0x1] =	wrdreg $0xFFFFFFFF  }
0xc9: {  	_ =	task.clear_ibuf [dreg:s10], $0x2FFFF;
	_ =	strace $0x9FFFFFFF  }
0xca: {  	(tm) =	ssettm $0x7FFFFFFF  }
0xcb: {  	_ =	shalt  }
tec
execute0_lowered:
.L_overlay_start_1:
0x0: {  	(tag) =	ssettag $0x1  }
0x1: {  	s0 =	rddreg [dreg:$0x0]  }
0x2: {  	s13 =	rddreg [dreg:$0x2]  }
0x3: {  	s1 =	rddreg [dreg:$0x4]  }
0x4: {  	s4 =	rddreg [dreg:$0x5]  }
0x5: {  	s5 =	rddreg [dreg:$0x6];
	s2 =	simm.s32 $0x0;
	s26 =	srdreg.scid  }
0x6: {  	s14 =	stileid.u32;
	s28 =	simm.s32 $0x18F90;
	s29 =	simm.s32 $0x1  }
0x7: {  	s30 =	simm.s32 $0x2;
	[smem:$0x7FF] =	sst s2;
	s7 =	sadd.s32 $0x15800, s0  }
0x8: {  	s8 =	sadd.s32 $0x3CA00, s0;
	s3 =	sadd.s32 $0x1E00, s0;
	s2 =	sand.u32 $0x1, s26  }
0x9: {  	s31 =	sadd.s32 $0x3F400, s0;
	s0 =	sadd.s32 $0x3E400, s0;
	s15 =	ssub.s32 $0x148, s14  }
0xa: {  	s16 =	sshll.u32 s14, $0xD;
	s17 =	sshll.u32 s14, $0x6;
	s20 =	sshll.u32 s14, $0xA  }
0xb: {  	s25 =	sshll.u32 s14, $0xC;
	_ =	strace $0x80000047;
	[dreg:$0x8] =	wrdreg s3  }
0xc: {  	s6 =	ssub.s32 $0x2, s2;
	s10 =	sshll.u32 s2, $0x4;
	s11 =	sshll.u32 s2, $0x11  }
0xd: {  	s19 =	sshll.u32 s2, $0xE;
	s23 =	sadd.s32 s1, s20;
	p0 =	sne.s32 s2, $0x0  }
0xe: {  	s2 =	simm.s32 $0x18790;
	s9 =	sshrl.u32 s6, $0x1;
	s12 =	sor.u32 s14, s10  }
0xf: {  	s10 =	sshrl.u32 s15, $0x4;
	s21 =	sor.u32 s20, s19;
	[dreg:$0x10] =	wrdreg s23  }
0x10: {  	s23 =	simm.s32 $0x1BAB0;
	s6 =	ssub.s32 s6, s9;
	[dreg:$0x9] =	wrdreg s10  }
0x11: {  	s9 =	smul.u32 $0x2710, s12;
	s10 =	sor.u32 s16, s11;
	s12 =	sshll.u32 s14, $0x3  }
0x12: {  	s10 =	sshrl.u32 s10, $0x3;
	s12 =	sadd.s32 s13, s12;
	s26 =	smax.u32 s6, $0x1  }
0x13: {  	s13 =	simm.s32 $0x1FEB0;
	s6 =	simm.s32 $0x0;
	[dreg:$0xa] =	wrdreg s9  }
0x14: {  	s9 =	sor.u32 $0x20, s17;
	[dreg:$0xb] =	wrdreg s12;
	s10 =	sadd.s32 s31, s10  }
0x15: {  	[dreg:$0x12] =	wrdreg s26;
	s26 =	simm.s32 $0x20;
	s18 =	sshll.u32 s9, $0x7  }
0x16: {  	[dreg:$0xc] =	wrdreg s10;
	s9 =	sshll.u32 s9, $0x4;
	s10 =	sor.u32 s11, s18  }
0x17: {  	s12 =	sor.u32 s19, s9;
	s11 =	sshrl.u32 s21, $0x3;
	s24 =	sadd.s32 s1, s9  }
0x18: {  	s10 =	sshrl.u32 s10, $0x3;
	s12 =	sshrl.u32 s12, $0x3;
	s22 =	sadd.s32 s0, s11  }
0x19: {  	[dreg:$0x11] =	wrdreg s24;
	s24 =	simm.s32 $0x5;
	s3 =	sadd.s32 s31, s10  }
.Ltmp0:
0x1a: {  	[dreg:$0xe] =	wrdreg s22;
	s0 =	sadd.s32 s0, s12;
	(pc) =	sbr.rel .LBB2_1-.Ltmp0, $4  }
0x1b: {  	s31 =	sshll.u32 s14, $0x9;
	s10 =	simm.s32 $0x17F90;
	[dreg:$0xd] =	wrdreg s3  }
0x1c: {  	s14 =	simm.s32 $0x1FAB0;
	[dreg:$0xf] =	wrdreg s0;
	s0 =	sadd.s32 s25, s4  }
0x1d: {  	v0 =	vimm.f32 $0.0e+00;
	v1 =	vimm.f32 $1.000000000e+00;
	v2 =	vimm.s32 $0x0;
	s25 =	simm.s32 $0x1FCB0;
	[dreg:$0x13] =	wrdreg s0;
	s0 =	sadd.s32 s31, s5  }
0x1e: {  	v3 =	vimm.s32 $0x1;
	v4 =	vlaneseq.u32;
	v5 =	vimm.s32 $0x2710;
	s3 =	simm.s32 $0x1DAB0;
	[dreg:$0x14] =	wrdreg s0;
	s0 =	simm.s32 $0x17790  }
.LBB2_26:
0x1f: {  	_ =	strace $0x9000004C  }
0x20: {  	_ =	strace $0x8000004D  }
0x21: {  	[bflag:$0x0] =	sbarrier.arrive $0xFFFF  }
0x22: {  	_ =	strace $0x9000004D  }
0x23: {  	_ =	strace $0x8000004E  }
0x24: {  	s1 =	simm.s32 $0x0;
	s9 =	simm.s32 $0x1FEF0;
	s6 =	rddreg [dreg:$0xb]  }
0x25: {  	[tilespmem:s9], [sflag:$0x5] =	stream.linear.gather [hbm4b:s6+s1], $0x40, $0x200038;
	[tilespmem:$0x1FF30] =	vst v63  }
0x26: {  	_ =	swait.ge [sflag:s24], $0x40  }
0x27: {  	[sflag:s24] =	ssyncset.done $0x0  }
0x28: {  	[sflag:s24] =	ssyncadd.s32 $0xFFFFFFC0  }
0x29: {  	[tilespmem:s23], [sflag:$0x1] =	stream.indirect.gather [spmem:s4], $0x80, s9, s26, $0x2000b8;
	[tilespmem:$0x1FF30] =	vst v63  }
0x2a: {  	s15 =	simm.s32 $0x1FF10  }
0x2b: {  	[tilespmem:s16], [sflag:$0x2] =	stream.indirect.gather [spmem:s4], $0x80, s15, s26, $0x2000b8;
	[tilespmem:$0x1FF30] =	vst v63  }
0x2c: {  	_ = 	snop  }
0x2d: {  	[tilespmem:s25], [sflag:$0x3] =	stream.indirect.gather [spmem:s5], $0x10, s9, s26, $0x2000b8;
	[tilespmem:$0x1FF30] =	vst v63  }
0x2e: {  	_ = 	snop  }
0x2f: {  	[tilespmem:s14], [sflag:$0x4] =	stream.indirect.gather [spmem:s5], $0x10, s15, s26, $0x2000b8;
	[tilespmem:$0x1FF30] =	vst v63  }
0x30: {  	_ =	swait.ge [sflag:s29], $0x1000  }
0x31: {  	[sflag:s29] =	ssyncset.done $0x0  }
0x32: {  	s17 =	rddreg [dreg:$0xc];
	[sflag:s29] =	ssyncadd.s32 $0xFFFFF000  }
0x33: {  	[hbm4b:s17+s1] =	stream.linear.scatter [tilespmem:s23], [sflag:$0x1], $0x1000, $0x200038;
	[tilespmem:$0x1FF30] =	vst v63  }
0x34: {  	_ =	swait.ge [sflag:s30], $0x1000  }
0x35: {  	[sflag:s30] =	ssyncset.done $0x0  }
0x36: {  	s19 =	simm.s32 $0x3;
	s18 =	rddreg [dreg:$0xd];
	[sflag:s30] =	ssyncadd.s32 $0xFFFFF000  }
0x37: {  	[hbm4b:s18+s1] =	stream.linear.scatter [tilespmem:s16], [sflag:$0x2], $0x1000, $0x200038;
	[tilespmem:$0x1FF30] =	vst v63  }
0x38: {  	_ =	swait.ge [sflag:s19], $0x200  }
0x39: {  	[sflag:s19] =	ssyncset.done $0x0  }
0x3a: {  	s11 =	simm.s32 $0x4;
	s20 =	rddreg [dreg:$0xe];
	[sflag:s19] =	ssyncadd.s32 $0xFFFFFE00  }
0x3b: {  	[hbm4b:s20+s1] =	stream.linear.scatter [tilespmem:s25], [sflag:$0x3], $0x200, $0x200038;
	[tilespmem:$0x1FF30] =	vst v63  }
0x3c: {  	_ =	swait.ge [sflag:s11], $0x200  }
0x3d: {  	[sflag:s11] =	ssyncset.done $0x0  }
0x3e: {  	s21 =	rddreg [dreg:$0xf];
	[sflag:s11] =	ssyncadd.s32 $0xFFFFFE00  }
0x3f: {  	[hbm4b:s21+s1] =	stream.linear.scatter [tilespmem:s14], [sflag:$0x4], $0x200, $0x200038;
	[tilespmem:$0x1FF30] =	vst v63  }
0x40: {  	_ =	swait.ge [sflag:s29], $0x1000  }
0x41: {  	[sflag:s29] =	ssyncset.done $0x0  }
0x42: {  	[sflag:s29] =	ssyncadd.s32 $0xFFFFF000  }
0x43: {  	_ =	swait.ge [sflag:s30], $0x1000  }
0x44: {  	[sflag:s30] =	ssyncset.done $0x0  }
0x45: {  	[sflag:s30] =	ssyncadd.s32 $0xFFFFF000  }
0x46: {  	_ =	swait.ge [sflag:s19], $0x200  }
0x47: {  	[sflag:s19] =	ssyncset.done $0x0  }
0x48: {  	[sflag:s19] =	ssyncadd.s32 $0xFFFFFE00  }
0x49: {  	_ =	swait.ge [sflag:s11], $0x200  }
0x4a: {  	[sflag:s11] =	ssyncset.done $0x0  }
0x4b: {  	s6 =	simm.s32 @!p0 $0x1FEF0;
	[sflag:s11] =	ssyncadd.s32 $0xFFFFFE00  }
0x4c: {  	s9 =	simm.s32 @!p0 $0x1DAB0;
	s1 =	simm.s32 @!p0 $0x20;
	s12 =	rddreg [dreg:$0x3]  }
0x4d: {  	[tilespmem:s9], [sflag:$0x1] =	stream.indirect.gather @!p0 [hbm4b:s12+s1], $0x80, s6, s1, $0x2000b8;
	[tilespmem:$0x1FF30] =	vst v63  }
0x4e: {  	s11 =	simm.s32 @!p0 $0x1EAB0;
	s6 =	simm.s32 @!p0 $0x1FF10  }
0x4f: {  	[tilespmem:s11], [sflag:$0x2] =	stream.indirect.gather @!p0 [hbm4b:s12+s1], $0x80, s6, s1, $0x2000b8;
	[tilespmem:$0x1FF30] =	vst v63  }
0x50: {  	s1 =	simm.s32 @!p0 $0x1  }
0x51: {  	_ =	swait.ge @!p0 [sflag:s1], $0x1000  }
0x52: {  	[sflag:s1] =	ssyncset.done @!p0 $0x0  }
0x53: {  	s6 =	simm.s32 @!p0 $0x0;
	s12 =	rddreg [dreg:$0x10];
	[sflag:s1] =	ssyncadd.s32 @!p0 $0xFFFFF000  }
0x54: {  	[hbm4b:s12+s6] =	stream.linear.scatter @!p0 [tilespmem:s9], [sflag:$0x1], $0x1000, $0x200038;
	[tilespmem:$0x1FF30] =	vst v63  }
0x55: {  	_ =	swait.ge @!p0 [sflag:s1], $0x1000  }
0x56: {  	[sflag:s1] =	ssyncset.done @!p0 $0x0  }
0x57: {  	[sflag:s1] =	ssyncadd.s32 @!p0 $0xFFFFF000;
	s1 =	simm.s32 @!p0 $0x2  }
0x58: {  	_ =	swait.ge @!p0 [sflag:s1], $0x1000  }
0x59: {  	[sflag:s1] =	ssyncset.done @!p0 $0x0  }
0x5a: {  	s9 =	rddreg [dreg:$0x11];
	[sflag:s1] =	ssyncadd.s32 @!p0 $0xFFFFF000  }
0x5b: {  	[hbm4b:s9+s6] =	stream.linear.scatter @!p0 [tilespmem:s11], [sflag:$0x2], $0x1000, $0x200038;
	[tilespmem:$0x1FF30] =	vst v63  }
0x5c: {  	_ =	swait.ge @!p0 [sflag:s1], $0x1000  }
0x5d: {  	s22 =	rddreg [dreg:$0x15]  }
0x5e: {  	s31 =	rddreg [dreg:$0x12];
	s6 =	sadd.s32 $0x1, s22  }
0x5f: {  	p1 =	sne.s32 s6, s31  }
.Ltmp1:
0x60: {  	_ = 	snop;
	(pc) =	sbr.rel @!p1 .LBB2_27-.Ltmp1, $4  }
0x61: {  	_ = 	snop  }
0x62: {  	[sflag:s1] =	ssyncset.done @!p0 $0x0  }
0x63: {  	[sflag:s1] =	ssyncadd.s32 @!p0 $0xFFFFF000  }
0x64: {  	_ =	strace $0x9000004E  }
.LBB2_1:
0x65: {  	[dreg:$0x15] =	wrdreg s6;
	s1 =	simm.s32 $0x1BAF0  }
0x66: {  	_ =	strace $0x80000048;
	[tilespmem:s1+$0x20] =	vst v0  }
0x67: {  	[tilespmem:s1+$0x10] =	vst v0  }
0x68: {  	[tilespmem:s1+$0x0] =	vst v0  }
0x69: {  	[tilespmem:s1+$0xFFFFFFF0] =	vst v0  }
0x6a: {  	[tilespmem:s1+$0xFFFFFFE0] =	vst v0  }
0x6b: {  	[tilespmem:s1+$0xFFFFFFD0] =	vst v0  }
0x6c: {  	[tilespmem:s1+$0xFFFFFFC0] =	vst v0  }
0x6d: {  	s9 =	simm.s32 $0x0;
	s6 =	simm.s32 $0x40;
	[tilespmem:s1+$0x30] =	vst v0  }
.LBB2_2:
0x6e: {  	p1 =	sne.s32 s6, $0x7C0;
	[tilespmem:s9+$0x1FAB0] =	vst v1  }
0x6f: {  	s1 =	sadd.s32 $0x80, s1;
	[tilespmem:s9+$0x1FCB0] =	vst v0  }
0x70: {  	[tilespmem:s1+$0x20] =	vst v0  }
0x71: {  	[tilespmem:s1+$0x10] =	vst v0  }
0x72: {  	[tilespmem:s1+$0x0] =	vst v0  }
.Ltmp2:
0x73: {  	[tilespmem:s1+$0xFFFFFFF0] =	vst v0;
	(pc) =	sbr.rel @p1 .LBB2_2-.Ltmp2, $4  }
0x74: {  	[tilespmem:s1+$0xFFFFFFE0] =	vst v0  }
0x75: {  	[tilespmem:s1+$0xFFFFFFD0] =	vst v0  }
0x76: {  	[tilespmem:s1+$0xFFFFFFC0] =	vst v0  }
0x77: {  	s9 =	sshra.s32 s6, $0x2;
	s6 =	sadd.s32 $0x40, s6;
	[tilespmem:s1+$0x30] =	vst v0  }
0x78: {  	[tilespmem:s9+$0x1FAB0] =	vst v1  }
0x79: {  	[tilespmem:s9+$0x1FCB0] =	vst v0;
	s6 =	rddreg [dreg:$0x13]  }
0x7a: {  	[spmem:s6] =	stream.linear.scatter [tilespmem:s23], [sflag:$0x5], $0x1000, $0x200038;
	[tilespmem:$0x1FF30] =	vst v63  }
0x7b: {  	_ =	swait.ge [sflag:s24], $0x1000  }
0x7c: {  	s1 =	rddreg [dreg:$0x9]  }
0x7d: {  	p1 =	sne.s32 s1, $0x1  }
.Ltmp3:
0x7e: {  	[sflag:s24] =	ssyncset.done $0x0;
	(pc) =	sbr.rel @!p1 .LBB2_5-.Ltmp3, $4  }
0x7f: {  	s9 =	rddreg [dreg:$0x14];
	[sflag:s24] =	ssyncadd.s32 $0xFFFFF000  }
0x80: {  	[spmem:s9] =	stream.linear.scatter [tilespmem:s25], [sflag:$0x5], $0x200, $0x200038;
	[tilespmem:$0x1FF30] =	vst v63  }
0x81: {  	_ =	swait.ge [sflag:s24], $0x200  }
0x82: {  	s1 =	sadd.s32 $0xFFFFFFFF, s1;
	[sflag:s24] =	ssyncset.done $0x0  }
.LBB2_4:
0x83: {  	[sflag:s24] =	ssyncadd.s32 $0xFFFFFE00;
	s6 =	sadd.s32 $0x10000, s6;
	s9 =	sadd.s32 $0x2000, s9  }
0x84: {  	[spmem:s6] =	stream.linear.scatter [tilespmem:s23], [sflag:$0x5], $0x1000, $0x200038;
	[tilespmem:$0x1FF30] =	vst v63  }
0x85: {  	p1 =	sne.s32 s1, $0x1;
	s1 =	sadd.s32 $0xFFFFFFFF, s1;
	_ =	swait.ge [sflag:s24], $0x1000  }
.Ltmp4:
0x86: {  	[sflag:s24] =	ssyncset.done $0x0;
	(pc) =	sbr.rel @p1 .LBB2_4-.Ltmp4, $4  }
0x87: {  	[sflag:s24] =	ssyncadd.s32 $0xFFFFF000  }
0x88: {  	[spmem:s9] =	stream.linear.scatter [tilespmem:s25], [sflag:$0x5], $0x200, $0x200038;
	[tilespmem:$0x1FF30] =	vst v63  }
0x89: {  	_ =	swait.ge [sflag:s24], $0x200  }
0x8a: {  	[sflag:s24] =	ssyncset.done $0x0  }
.LBB2_5:
0x8b: {  	[sflag:s24] =	ssyncadd.s32 $0xFFFFFE00  }
0x8c: {  	_ =	strace $0x90000048  }
0x8d: {  	s1 =	simm.s32 $0x40;
	s6 =	simm.s32 $0x0;
	_ =	strace $0x80000049  }
.LBB2_6:
0x8e: {  	p1 =	sne.s32 s1, $0x9C40;
	[tilespmem:s6+$0x18F90] =	vst v2;
	s6 =	smov.u32 s1;
	s1 =	sadd.s32 $0x40, s1  }
.Ltmp5:
0x8f: {  	(pc) =	sbr.rel @p1 .LBB2_6-.Ltmp5, $2  }
0x90: {  	_ =	sdelay $0x2  }
0x91: {  	s6 =	sshra.s32 s6, $0x2  }
0x92: {  	[tilespmem:s6+$0x18F90] =	vst v2;
	s1 =	simm.s32 $0x0;
	s31 =	rddreg [dreg:$0x2];
	s9 =	simm.s32 $0x1B6B0  }
0x93: {  	[tilespmem:s9], [sflag:$0x5] =	stream.linear.gather [hbm4b:s31+s1], $0x400, $0x200038;
	[tilespmem:$0x1FF30] =	vst v63  }
0x94: {  	_ =	swait.ge [sflag:s24], $0x400  }
0x95: {  	[sflag:s24] =	ssyncset.done $0x0  }
0x96: {  	s6 =	simm.s32 $0x0;
	s1 =	simm.s32 $0x40;
	[sflag:s24] =	ssyncadd.s32 $0xFFFFFC00  }
.LBB2_8:
0x97: {  	p1 =	sne.s32 s1, $0xFC0;
	v6 =	vld [tilespmem:s6+$0x1B6B0];
	_ =	sdelay $0x3  }
.Ltmp6:
0x98: {  	(pc) =	sbr.rel @p1 .LBB2_8-.Ltmp6, $2  }
0x99: {  	_ =	sdelay $0x2  }
0x9a: {  	s6 =	sshra.s32 s1, $0x2;
	s1 =	sadd.s32 $0x40, s1;
	[tilespmem:v6+s28+$0x0] =	vst.idx.msk $0xffff, v3  }
0x9b: {  	v6 =	vld [tilespmem:s6+$0x1B6B0];
	_ =	sdelay $0x7  }
0x9c: {  	[tilespmem:v6+s28+$0x0] =	vst.idx.msk $0xffff, v3  }
.Ltmp7:
0x9d: {  	_ =	strace $0x90000049;
	(pc) =	sbr.rel .LBB2_10-.Ltmp7, $4  }
0x9e: {  	_ =	strace $0x8000004A  }
0x9f: {  	[bflag:$0x0] =	sbarrier.arrive $0xFFFF  }
0xa0: {  	s11 =	simm.s32 $0x0;
	_ =	strace $0x9000004A  }
0xa1: {  	s18 =	simm.s32 $0x0;
	s21 =	simm.s32 $0x0;
	v6 =	vimm.s32 $0x0;
	_ =	strace $0x8000004B  }
.LBB2_18:
0xa2: {  	s21 =	sadd.s32 $0x1, s21  }
0xa3: {  	p1 =	sne.s32 s21, $0x5  }
.Ltmp8:
0xa4: {  	_ = 	snop;
	(pc) =	sbr.rel @!p1 .LBB2_19-.Ltmp8, $1  }
0xa5: {  	_ =	sdelay $0x3  }
.LBB2_10:
0xa6: {  	s1 =	smul.u32 $0x7D0, s21  }
0xa7: {  	s6 =	rddreg [dreg:$0xa]  }
0xa8: {  	s1 =	sadd.s32 s6, s1  }
0xa9: {  	s19 =	rddreg [dreg:$0x8];
	s1 =	sshrl.u32 s1, $0x3  }
0xaa: {  	s22 =	simm.s32 $0x16020;
	s6 =	sadd.s32 s19, s1  }
0xab: {  	[tilespmem:s22], [sflag:$0x1] =	stream.linear.gather [hbm4b:s6+s11], $0x7D0, $0x200038;
	[tilespmem:$0x1FF30] =	vst v63  }
0xac: {  	s20 =	rddreg [dreg:$0x1];
	s9 =	sadd.s32 $0x9C40, s6;
	s6 =	simm.s32 $0x167F0  }
0xad: {  	[tilespmem:s6], [sflag:$0x2] =	stream.linear.gather [hbm4b:s9+s11], $0x7D0, $0x200038;
	[tilespmem:$0x1FF30] =	vst v63  }
0xae: {  	s1 =	sadd.s32 s20, s1;
	s20 =	simm.s32 $0x16FC0  }
0xaf: {  	[tilespmem:s20], [sflag:$0x3] =	stream.linear.gather [hbm4b:s1+s11], $0x7D0, $0x200038;
	[tilespmem:$0x1FF30] =	vst v63  }
0xb0: {  	_ =	swait.ge [sflag:s29], $0x7D0  }
0xb1: {  	[sflag:s29] =	ssyncset.done $0x0  }
0xb2: {  	[sflag:s29] =	ssyncadd.s32 $0xFFFFF830  }
0xb3: {  	_ =	swait.ge [sflag:s30], $0x7D0  }
.Ltmp9:
0xb4: {  	[sflag:s30] =	ssyncset.done $0x0;
	(pc) =	sbr.rel .LBB2_11-.Ltmp9, $4  }
0xb5: {  	s31 =	simm.s32 $0x3;
	[sflag:s30] =	ssyncadd.s32 $0xFFFFF830  }
0xb6: {  	_ =	swait.ge [sflag:s31], $0x7D0  }
0xb7: {  	[sflag:s31] =	ssyncset.done $0x0  }
0xb8: {  	s19 =	simm.s32 $0x0;
	[sflag:s31] =	ssyncadd.s32 $0xFFFFF830  }
.LBB2_17:
0xb9: {  	p1 =	sgt.s32 s17, $0x0  }
0xba: {  	s17 =	simm.s32 @!p1 $0x0;
	p1 =	sne.s32 s19, $0x5  }
.Ltmp10:
0xbb: {  	_ = 	snop;
	(pc) =	sbr.rel @!p1 .LBB2_18-.Ltmp10, $3  }
0xbc: {  	_ =	sdelay $0x1  }
0xbd: {  	s6 =	sadd.s32 $0x190, s6;
	s9 =	sshll.u32 s17, $0x5  }
0xbe: {  	s22 =	sadd.s32 $0x190, s22;
	s20 =	sadd.s32 $0x190, s20;
	s18 =	sadd.s32 s18, s9  }
.LBB2_11:
0xbf: {  	v9 =	vmov s6;
	_ =	sdelay $0x3  }
0xc0: {  	s12 =	simm.s32 $0x0  }
0xc1: {  	v10 =	vld.idx.msk [tilespmem:v9+s12+$0x0 ss:$0x1], $0xffff;
	_ =	sdelay $0x7  }
0xc2: {  	v7 =	vld.idx.msk [tilespmem:v10+s28+$0x0], $0xffff;
	_ =	sdelay $0x4  }
0xc3: {  	vm0 =	vgt.s32 v7, $0x0  }
0xc4: {  	v7 =	vsel vm0, $0x1, v2  }
0xc5: {  	(xrf0) =	vadd.scan.msk.s32 $0xffff, v7;
	_ =	sdelay $0x2  }
0xc6: {  	v8 =	vmov s22;
	_ =	sdelay $0x2  }
0xc7: {  	v7 =	vadd.s32 $0xFFFFFFFF, v6;
	v11, _, _ =	vpop (xrf0)  }
0xc8: {  	v7 =	vadd.s32 v11, v7  }
0xc9: {  	v12 =	vld.idx.msk [tilespmem:v8+s12+$0x0 ss:$0x1], $0xffff;
	v11 =	vand.u32 $0x7FF, v7;
	_ =	sdelay $0x1  }
0xca: {  	v7 =	vmov s20;
	_ =	sdelay $0x1  }
0xcb: {  	v13 =	vmpcnt.ones.xlane vm0  }
0xcc: {  	[tilespmem:v11+s0+$0x0] =	vst.idx.msk vm0, v12  }
0xcd: {  	v6 =	vadd.s32 v6, v13;
	[tilespmem:v11+s10+$0x0] =	vst.idx.msk vm0, v10  }
0xce: {  	s19 =	sadd.s32 $0x1, s19;
	s1 =	simm.s32 $0x40;
	s9 =	simm.s32 $0x80;
	v10 =	vmov v6;
	v12 =	vld.idx.msk [tilespmem:v7+s12+$0x0 ss:$0x1], $0xffff  }
.LBB2_12:
0xcf: {  	_ =	sdelay $0x2  }
0xd0: {  	p1 =	sne.s32 s9, $0x600  }
0xd1: {  	s12 =	sshra.s32 s1, $0x2;
	s1 =	smov.u32 s9;
	s9 =	sadd.s32 $0x40, s9;
	[tilespmem:v11+s2+$0x0] =	vst.idx.msk vm0, v12  }
0xd2: {  	v12 =	vld.idx.msk [tilespmem:v9+s12+$0x0 ss:$0x1], $0xffff;
	_ =	sdelay $0x7  }
0xd3: {  	v11 =	vld.idx.msk [tilespmem:v12+s28+$0x0], $0xffff;
	_ =	sdelay $0x5  }
0xd4: {  	vm0 =	vgt.s32 v11, $0x0  }
0xd5: {  	v11 =	vsel vm0, $0x1, v2;
	v13 =	vmpcnt.ones.xlane vm0  }
0xd6: {  	(xrf0) =	vadd.scan.msk.s32 $0xffff, v11  }
0xd7: {  	v6 =	vadd.s32 v6, v13;
	_ =	sdelay $0x4  }
0xd8: {  	v11 =	vadd.s32 $0xFFFFFFFF, v10;
	v10 =	vmov v6;
	v13, _, _ =	vpop (xrf0)  }
0xd9: {  	v11 =	vadd.s32 v13, v11;
	v13 =	vld.idx.msk [tilespmem:v8+s12+$0x0 ss:$0x1], $0xffff  }
0xda: {  	v11 =	vand.u32 $0x7FF, v11;
	_ =	sdelay $0x2  }
.Ltmp11:
0xdb: {  	(pc) =	sbr.rel @p1 .LBB2_12-.Ltmp11, $4  }
0xdc: {  	_ = 	snop  }
0xdd: {  	[tilespmem:v11+s0+$0x0] =	vst.idx.msk vm0, v13  }
0xde: {  	[tilespmem:v11+s10+$0x0] =	vst.idx.msk vm0, v12  }
0xdf: {  	v12 =	vld.idx.msk [tilespmem:v7+s12+$0x0 ss:$0x1], $0xffff  }
0xe0: {  	_ =	sdelay $0x4  }
0xe1: {  	s9 =	sshra.s32 s1, $0x2;
	[tilespmem:v11+s2+$0x0] =	vst.idx.msk vm0, v12  }
0xe2: {  	v9 =	vld.idx.msk [tilespmem:v9+s9+$0x0 ss:$0x1], $0xffff;
	_ =	sdelay $0x7  }
0xe3: {  	v11 =	vld.idx.msk [tilespmem:v9+s28+$0x0], $0xffff;
	_ =	sdelay $0x4  }
0xe4: {  	vm15 =	vgt.s32 v11, $0x0  }
0xe5: {  	v11 =	vmpcnt.ones.xlane vm15;
	_ =	sdelay $0x1  }
0xe6: {  	v61 =	vsel vm15, $0x1, v2;
	v6 =	vadd.s32 v6, v11  }
0xe7: {  	(xrf0) =	vadd.scan.msk.s32 $0xffff, v61;
	v11 =	vxor.u32 $0x80000000, v6  }
0xe8: {  	(xrf0) =	vmax.scan.msk.u32 $0xffff, v11;
	_ =	sdelay $0x4  }
0xe9: {  	v62, _, _ =	vpop (xrf0)  }
0xea: {  	v63, _, _ =	vpop (xrf0)  }
0xeb: {  	(v2sf) =	vpush v63, $0xF;
	_ =	sdelay $0xc  }
0xec: {  	v10 =	vadd.s32 $0xFFFFFFFF, v10  }
0xed: {  	v10 =	vadd.s32 v62, v10  }
0xee: {  	v8 =	vld.idx.msk [tilespmem:v8+s9+$0x0 ss:$0x1], $0xffff;
	v10 =	vand.u32 $0x7FF, v10;
	s16 =	spop (v2sf)  }
0xef: {  	s1 =	sxor.u32 $0x80000000, s16  }
0xf0: {  	s12 =	ssub.s32 s1, s18  }
0xf1: {  	s12 =	sadd.s32 $0xFFFFF9EF, s12  }
0xf2: {  	s15 =	sand.u32 $0x1F, s12  }
0xf3: {  	[tilespmem:v10+s0+$0x0] =	vst.idx.msk vm15, v8;
	s17 =	sshra.s32 s12, $0x1F;
	p2 =	slt.s32 s12, $0x1;
	p1 =	sne.s32 s15, $0x0  }
0xf4: {  	[tilespmem:v10+s10+$0x0] =	vst.idx.msk vm15, v9;
	s31 =	sshrl.u32 s17, $0x1B;
	p1 =	por !p2, !p1  }
0xf5: {  	v7 =	vld.idx.msk [tilespmem:v7+s9+$0x0 ss:$0x1], $0xffff;
	s9 =	sadd.s32 s31, s12;
	s12 =	simm.s32 $0x1;
	p1 =	por !p1, !p1  }
0xf6: {  	s9 =	sshra.s32 s9, $0x5;
	s12 =	simm.s32 @!p1 $0x0  }
0xf7: {  	s17 =	ssub.s32 s9, s12  }
0xf8: {  	p1 =	slt.s32 s17, $0x1  }
.Ltmp12:
0xf9: {  	_ = 	snop;
	(pc) =	sbr.rel @p1 .LBB2_17-.Ltmp12, $2  }
0xfa: {  	_ =	sdelay $0x2  }
0xfb: {  	[tilespmem:v10+s2+$0x0] =	vst.idx.msk vm15, v7;
	s15 =	simm.s32 $0x0  }
.LBB2_14:
0xfc: {  	s9 =	sshll.u32 s15, $0x5  }
0xfd: {  	s9 =	sadd.s32 s18, s9  }
0xfe: {  	s9 =	sand.u32 $0x7E0, s9  }
0xff: {  	s12 =	sadd.s32 $0x17790, s9  }
0x100: {  	[tilespmem:s23], [sflag:$0x1] =	stream.indirect.gather [hbm4b:s7+s26], $0x80, s12, s26, $0x2000b8;
	[tilespmem:$0x1FF30] =	vst v63  }
0x101: {  	s31 =	sadd.s32 $0x18790, s9  }
0x102: {  	[tilespmem:s3], [sflag:$0x1] =	stream.indirect.gather [hbm4b:s8+s26], $0x80, s31, s26, $0x2000b8;
	[tilespmem:$0x1FF30] =	vst v63  }
0x103: {  	v7 =	vld [tilespmem:s9+$0x17F90];
	_ =	sdelay $0x4  }
0x104: {  	[tilespmem:$0x1FEB0] =	vst v7  }
0x105: {  	v7 =	vld [tilespmem:s9+$0x17FA0];
	_ =	sdelay $0x4  }
0x106: {  	[tilespmem:$0x1FEC0] =	vst v7  }
0x107: {  	_ =	swait.ge [sflag:s29], $0x1000  }
0x108: {  	[sflag:s29] =	ssyncset.done $0x0  }
0x109: {  	[sflag:s29] =	ssyncadd.s32 $0xFFFFF000  }
0x10a: {  	_ =	swait.ge [sflag:s29], $0x1000  }
0x10b: {  	[sflag:s29] =	ssyncset.done $0x0  }
0x10c: {  	s9 =	simm.s32 $0x0;
	[sflag:s29] =	ssyncadd.s32 $0xFFFFF000  }
0x10d: {  	v13 =	vld [tilespmem:s9+$0x1DAB0]  }
0x10e: {  	v18 =	vld [tilespmem:s9+$0x1DAC0]  }
0x10f: {  	v12 =	vld [tilespmem:s9+$0x1DAD0]  }
0x110: {  	v11 =	vld [tilespmem:s9+$0x1DAE0]  }
0x111: {  	v10 =	vld [tilespmem:s9+$0x1DAF0]  }
0x112: {  	v9 =	vld [tilespmem:s9+$0x1DB00]  }
0x113: {  	v8 =	vld [tilespmem:s9+$0x1DB10]  }
0x114: {  	v7 =	vld [tilespmem:s9+$0x1DB20]  }
0x115: {  	v19 =	vld [tilespmem:s9+$0x1BAB0]  }
0x116: {  	v20 =	vld [tilespmem:s9+$0x1BAC0]  }
0x117: {  	v17 =	vld [tilespmem:s9+$0x1BAD0]  }
0x118: {  	v16 =	vld [tilespmem:s9+$0x1BAE0]  }
0x119: {  	v15 =	vld [tilespmem:s9+$0x1BAF0]  }
0x11a: {  	v14 =	vld [tilespmem:s9+$0x1BB00];
	v19 =	vadd.f32 v13, v19  }
0x11b: {  	s12 =	simm.s32 $0x200;
	v18 =	vadd.f32 v18, v20;
	v13 =	vld [tilespmem:s9+$0x1BB10]  }
.LBB2_15:
0x11c: {  	s31 =	sshra.s32 s12, $0x2;
	p1 =	sne.s32 s12, $0x3E00;
	v19 =	vmax.f32 v19, $0.0e+00;
	v12 =	vadd.f32 v12, v17;
	v17 =	vld [tilespmem:s9+$0x1BB20]  }
0x11d: {  	v20 =	vld [tilespmem:s31+$0x1DAB0];
	[tilespmem:s9+$0x1BAB0] =	vst v19;
	v18 =	vmax.f32 v18, $0.0e+00;
	v11 =	vadd.f32 v11, v16  }
0x11e: {  	v21 =	vld [tilespmem:s31+$0x1DAC0];
	[tilespmem:s9+$0x1BAC0] =	vst v18;
	v16 =	vmax.f32 v12, $0.0e+00;
	v10 =	vadd.f32 v10, v15  }
0x11f: {  	v12 =	vld [tilespmem:s31+$0x1DAD0];
	[tilespmem:s9+$0x1BAD0] =	vst v16;
	v15 =	vmax.f32 v11, $0.0e+00;
	v9 =	vadd.f32 v9, v14  }
0x120: {  	v11 =	vld [tilespmem:s31+$0x1DAE0];
	[tilespmem:s9+$0x1BAE0] =	vst v15;
	v14 =	vmax.f32 v10, $0.0e+00;
	v8 =	vadd.f32 v8, v13  }
0x121: {  	v10 =	vld [tilespmem:s31+$0x1DAF0];
	[tilespmem:s9+$0x1BAF0] =	vst v14;
	v13 =	vmax.f32 v9, $0.0e+00;
	v7 =	vadd.f32 v7, v17  }
0x122: {  	v9 =	vld [tilespmem:s31+$0x1DB00];
	[tilespmem:s9+$0x1BB00] =	vst v13;
	v13 =	vmax.f32 v8, $0.0e+00  }
0x123: {  	v8 =	vld [tilespmem:s31+$0x1DB10];
	[tilespmem:s9+$0x1BB10] =	vst v13;
	v13 =	vmax.f32 v7, $0.0e+00  }
0x124: {  	v7 =	vld [tilespmem:s31+$0x1DB20];
	[tilespmem:s9+$0x1BB20] =	vst v13;
	s9 =	smov.u32 s31  }
0x125: {  	v13 =	vld [tilespmem:s9+$0x1BAB0]  }
0x126: {  	v18 =	vld [tilespmem:s9+$0x1BAC0]  }
.Ltmp13:
0x127: {  	v17 =	vld [tilespmem:s9+$0x1BAD0];
	(pc) =	sbr.rel @p1 .LBB2_15-.Ltmp13, $4  }
0x128: {  	v16 =	vld [tilespmem:s9+$0x1BAE0]  }
0x129: {  	v15 =	vld [tilespmem:s9+$0x1BAF0]  }
0x12a: {  	v19 =	vadd.f32 v20, v13;
	v14 =	vld [tilespmem:s9+$0x1BB00]  }
0x12b: {  	s12 =	sadd.s32 $0x200, s12;
	v18 =	vadd.f32 v21, v18;
	v13 =	vld [tilespmem:s9+$0x1BB10]  }
0x12c: {  	v19 =	vmax.f32 v19, $0.0e+00;
	v12 =	vadd.f32 v12, v17;
	v63 =	vld [tilespmem:s9+$0x1BB20]  }
0x12d: {  	[tilespmem:s9+$0x1BAB0] =	vst v19;
	v18 =	vmax.f32 v18, $0.0e+00;
	v11 =	vadd.f32 v11, v16  }
0x12e: {  	[tilespmem:s9+$0x1BAC0] =	vst v18;
	v12 =	vmax.f32 v12, $0.0e+00;
	v10 =	vadd.f32 v10, v15  }
0x12f: {  	[tilespmem:s9+$0x1BAD0] =	vst v12;
	v11 =	vmax.f32 v11, $0.0e+00;
	v9 =	vadd.f32 v9, v14  }
0x130: {  	[tilespmem:s9+$0x1BAE0] =	vst v11;
	v10 =	vmax.f32 v10, $0.0e+00;
	v8 =	vadd.f32 v8, v13  }
0x131: {  	[tilespmem:s9+$0x1BAF0] =	vst v10;
	v9 =	vmax.f32 v9, $0.0e+00;
	v7 =	vadd.f32 v7, v63  }
0x132: {  	[tilespmem:s9+$0x1BB00] =	vst v9;
	v8 =	vmax.f32 v8, $0.0e+00  }
0x133: {  	[tilespmem:s9+$0x1BB10] =	vst v8;
	v7 =	vmax.f32 v7, $0.0e+00  }
0x134: {  	[tilespmem:s9+$0x1BB20] =	vst v7  }
0x135: {  	[spmem:s4] =	stream.indirect.scatter.add.f32 [tilespmem:s23], [sflag:$0x5], $0x80, s13, s26, $0x2000b8;
	[tilespmem:$0x1FF30] =	vst v63  }
0x136: {  	_ =	swait.ge [sflag:s24], $0x1000  }
0x137: {  	s15 =	sadd.s32 $0x1, s15;
	[sflag:s24] =	ssyncset.done $0x0  }
0x138: {  	p1 =	sne.s32 s15, s17;
	[sflag:s24] =	ssyncadd.s32 $0xFFFFF000  }
0x139: {  	[spmem:s5] =	stream.indirect.scatter.add.f32 [tilespmem:s14], [sflag:$0x5], $0x10, s13, s26, $0x2000b8;
	[tilespmem:$0x1FF30] =	vst v63  }
.Ltmp14:
0x13a: {  	_ = 	snop;
	(pc) =	sbr.rel @p1 .LBB2_14-.Ltmp14, $4  }
.Ltmp15:
0x13b: {  	_ = 	snop;
	(pc) =	sbr.rel @!p1 .LBB2_17-.Ltmp15, $4  }
0x13c: {  	_ =	swait.ge [sflag:s24], $0x200  }
0x13d: {  	[sflag:s24] =	ssyncset.done $0x0  }
0x13e: {  	[sflag:s24] =	ssyncadd.s32 $0xFFFFFE00  }
0x13f: {  	_ = 	snop  }
.LBB2_19:
0x140: {  	s6 =	ssub.s32 s1, s18  }
0x141: {  	s6 =	sadd.s32 $0x3F, s6  }
0x142: {  	s9 =	sand.u32 $0x3F, s6  }
0x143: {  	s20 =	sshra.s32 s6, $0x1F;
	p2 =	slt.s32 s6, $0x1;
	p1 =	sne.s32 s9, $0x0  }
0x144: {  	s9 =	sshrl.u32 s20, $0x1A;
	p1 =	por !p2, !p1  }
0x145: {  	s6 =	sadd.s32 s9, s6;
	s9 =	simm.s32 $0x1;
	p1 =	por !p1, !p1  }
0x146: {  	s6 =	sshra.s32 s6, $0x6;
	s9 =	simm.s32 @!p1 $0x0  }
0x147: {  	s11 =	ssub.s32 s6, s9  }
0x148: {  	s6 =	sshll.u32 s11, $0x6  }
0x149: {  	v6 =	vadd.s32 s1, v4;
	s6 =	sadd.s32 s18, s6  }
0x14a: {  	vm0 =	vlt.s32 v6, s6  }
0x14b: {  	s21 =	sadd.s32 $0x80000010, s16;
	v6 =	vand.u32 $0x7FF, v6  }
0x14c: {  	v7 =	vadd.s32 s21, v4  }
0x14d: {  	vm1 =	vlt.s32 v7, s6  }
0x14e: {  	s22 =	sadd.s32 $0x80000020, s16;
	v7 =	vand.u32 $0x7FF, v7  }
0x14f: {  	_ =	strace $0x9000004B;
	v8 =	vadd.s32 s22, v4  }
0x150: {  	_ =	strace $0x8000004C;
	vm2 =	vlt.s32 v8, s6;
	[tilespmem:v6+s0+$0x0] =	vst.idx.msk vm0, v2  }
0x151: {  	s31 =	sadd.s32 $0x80000030, s16;
	v8 =	vand.u32 $0x7FF, v8;
	[tilespmem:v6+s10+$0x0] =	vst.idx.msk vm0, v5  }
0x152: {  	[tilespmem:v6+s2+$0x0] =	vst.idx.msk vm0, v2;
	v6 =	vadd.s32 s31, v4  }
0x153: {  	[tilespmem:v7+s0+$0x0] =	vst.idx.msk vm1, v2;
	vm15 =	vlt.s32 v6, s6  }
0x154: {  	v6 =	vand.u32 $0x7FF, v6;
	[tilespmem:v7+s10+$0x0] =	vst.idx.msk vm1, v5  }
0x155: {  	[tilespmem:v7+s2+$0x0] =	vst.idx.msk vm1, v2  }
0x156: {  	p1 =	slt.s32 s11, $0x1;
	[tilespmem:v8+s0+$0x0] =	vst.idx.msk vm2, v2  }
.Ltmp16:
0x157: {  	[tilespmem:v8+s10+$0x0] =	vst.idx.msk vm2, v5;
	(pc) =	sbr.rel @p1 .LBB2_26-.Ltmp16, $4  }
0x158: {  	[tilespmem:v8+s2+$0x0] =	vst.idx.msk vm2, v2  }
0x159: {  	[tilespmem:v6+s0+$0x0] =	vst.idx.msk vm15, v2  }
0x15a: {  	[tilespmem:v6+s10+$0x0] =	vst.idx.msk vm15, v5  }
0x15b: {  	s16 =	simm.s32 $0x1CAB0;
	s17 =	simm.s32 $0x1EAB0;
	s19 =	simm.s32 $0x1FED0;
	[tilespmem:v6+s2+$0x0] =	vst.idx.msk vm15, v2  }
0x15c: {  	s1 =	sand.u32 $0x7E0, s18  }
0x15d: {  	s6 =	sadd.s32 $0x17790, s1  }
0x15e: {  	[tilespmem:s23], [sflag:$0x1] =	stream.indirect.gather [hbm4b:s7+s26], $0x80, s6, s26, $0x2000b8;
	[tilespmem:$0x1FF30] =	vst v63  }
0x15f: {  	s31 =	sadd.s32 $0x18790, s1  }
0x160: {  	[tilespmem:s3], [sflag:$0x1] =	stream.indirect.gather [hbm4b:s8+s26], $0x80, s31, s26, $0x2000b8;
	[tilespmem:$0x1FF30] =	vst v63  }
0x161: {  	v6 =	vld [tilespmem:s1+$0x17F90];
	_ =	sdelay $0x4  }
0x162: {  	[tilespmem:$0x1FEB0] =	vst v6  }
0x163: {  	v6 =	vld [tilespmem:s1+$0x17FA0];
	_ =	sdelay $0x4  }
0x164: {  	s6 =	simm.s32 $0x0;
	[tilespmem:$0x1FEC0] =	vst v6  }
.LBB2_21:
0x165: {  	_ =	swait.ge [sflag:s29], $0x1000  }
0x166: {  	s1 =	sshll.u32 s6, $0x6;
	[sflag:s29] =	ssyncset.done $0x0  }
0x167: {  	s1 =	sadd.s32 s18, s1;
	[sflag:s29] =	ssyncadd.s32 $0xFFFFF000  }
0x168: {  	s9 =	sadd.s32 $0x20, s1;
	_ =	swait.ge [sflag:s29], $0x1000  }
0x169: {  	s9 =	sand.u32 $0x7E0, s9;
	[sflag:s29] =	ssyncset.done $0x0  }
0x16a: {  	s12 =	sadd.s32 $0x17790, s9;
	[sflag:s29] =	ssyncadd.s32 $0xFFFFF000  }
0x16b: {  	[tilespmem:s16], [sflag:$0x2] =	stream.indirect.gather [hbm4b:s7+s26], $0x80, s12, s26, $0x2000b8;
	[tilespmem:$0x1FF30] =	vst v63  }
0x16c: {  	s31 =	sadd.s32 $0x18790, s9  }
0x16d: {  	[tilespmem:s17], [sflag:$0x2] =	stream.indirect.gather [hbm4b:s8+s26], $0x80, s31, s26, $0x2000b8;
	[tilespmem:$0x1FF30] =	vst v63  }
0x16e: {  	v6 =	vld [tilespmem:s9+$0x17F90];
	_ =	sdelay $0x4  }
0x16f: {  	[tilespmem:$0x1FED0] =	vst v6  }
0x170: {  	v6 =	vld [tilespmem:s9+$0x17FA0];
	_ =	sdelay $0x4  }
0x171: {  	s9 =	simm.s32 $0x0;
	[tilespmem:$0x1FEE0] =	vst v6  }
0x172: {  	v12 =	vld [tilespmem:s9+$0x1DAB0]  }
0x173: {  	v17 =	vld [tilespmem:s9+$0x1DAC0]  }
0x174: {  	v11 =	vld [tilespmem:s9+$0x1DAD0]  }
0x175: {  	v10 =	vld [tilespmem:s9+$0x1DAE0]  }
0x176: {  	v9 =	vld [tilespmem:s9+$0x1DAF0]  }
0x177: {  	v8 =	vld [tilespmem:s9+$0x1DB00]  }
0x178: {  	v7 =	vld [tilespmem:s9+$0x1DB10]  }
0x179: {  	v6 =	vld [tilespmem:s9+$0x1DB20]  }
0x17a: {  	v18 =	vld [tilespmem:s9+$0x1BAB0]  }
0x17b: {  	v19 =	vld [tilespmem:s9+$0x1BAC0]  }
0x17c: {  	v16 =	vld [tilespmem:s9+$0x1BAD0]  }
0x17d: {  	v15 =	vld [tilespmem:s9+$0x1BAE0]  }
0x17e: {  	v14 =	vld [tilespmem:s9+$0x1BAF0]  }
0x17f: {  	v13 =	vld [tilespmem:s9+$0x1BB00];
	v18 =	vadd.f32 v12, v18  }
0x180: {  	s12 =	simm.s32 $0x200;
	v17 =	vadd.f32 v17, v19;
	v12 =	vld [tilespmem:s9+$0x1BB10]  }
.LBB2_22:
0x181: {  	s15 =	sshra.s32 s12, $0x2;
	p1 =	sne.s32 s12, $0x3E00;
	v18 =	vmax.f32 v18, $0.0e+00;
	v11 =	vadd.f32 v11, v16;
	v16 =	vld [tilespmem:s9+$0x1BB20]  }
0x182: {  	v19 =	vld [tilespmem:s15+$0x1DAB0];
	[tilespmem:s9+$0x1BAB0] =	vst v18;
	v17 =	vmax.f32 v17, $0.0e+00;
	v10 =	vadd.f32 v10, v15  }
0x183: {  	v20 =	vld [tilespmem:s15+$0x1DAC0];
	[tilespmem:s9+$0x1BAC0] =	vst v17;
	v15 =	vmax.f32 v11, $0.0e+00;
	v9 =	vadd.f32 v9, v14  }
0x184: {  	v11 =	vld [tilespmem:s15+$0x1DAD0];
	[tilespmem:s9+$0x1BAD0] =	vst v15;
	v14 =	vmax.f32 v10, $0.0e+00;
	v8 =	vadd.f32 v8, v13  }
0x185: {  	v10 =	vld [tilespmem:s15+$0x1DAE0];
	[tilespmem:s9+$0x1BAE0] =	vst v14;
	v13 =	vmax.f32 v9, $0.0e+00;
	v7 =	vadd.f32 v7, v12  }
0x186: {  	v9 =	vld [tilespmem:s15+$0x1DAF0];
	[tilespmem:s9+$0x1BAF0] =	vst v13;
	v12 =	vmax.f32 v8, $0.0e+00;
	v6 =	vadd.f32 v6, v16  }
0x187: {  	v8 =	vld [tilespmem:s15+$0x1DB00];
	[tilespmem:s9+$0x1BB00] =	vst v12;
	v12 =	vmax.f32 v7, $0.0e+00  }
0x188: {  	v7 =	vld [tilespmem:s15+$0x1DB10];
	[tilespmem:s9+$0x1BB10] =	vst v12;
	v12 =	vmax.f32 v6, $0.0e+00  }
0x189: {  	v6 =	vld [tilespmem:s15+$0x1DB20];
	[tilespmem:s9+$0x1BB20] =	vst v12;
	s9 =	smov.u32 s15  }
0x18a: {  	v12 =	vld [tilespmem:s9+$0x1BAB0]  }
0x18b: {  	v17 =	vld [tilespmem:s9+$0x1BAC0]  }
.Ltmp17:
0x18c: {  	v16 =	vld [tilespmem:s9+$0x1BAD0];
	(pc) =	sbr.rel @p1 .LBB2_22-.Ltmp17, $4  }
0x18d: {  	v15 =	vld [tilespmem:s9+$0x1BAE0]  }
0x18e: {  	v14 =	vld [tilespmem:s9+$0x1BAF0]  }
0x18f: {  	v18 =	vadd.f32 v19, v12;
	v13 =	vld [tilespmem:s9+$0x1BB00]  }
0x190: {  	s12 =	sadd.s32 $0x200, s12;
	v17 =	vadd.f32 v20, v17;
	v12 =	vld [tilespmem:s9+$0x1BB10]  }
0x191: {  	v18 =	vmax.f32 v18, $0.0e+00;
	v11 =	vadd.f32 v11, v16;
	v16 =	vld [tilespmem:s9+$0x1BB20]  }
0x192: {  	[tilespmem:s9+$0x1BAB0] =	vst v18;
	v17 =	vmax.f32 v17, $0.0e+00;
	v10 =	vadd.f32 v10, v15  }
0x193: {  	[tilespmem:s9+$0x1BAC0] =	vst v17;
	v11 =	vmax.f32 v11, $0.0e+00;
	v9 =	vadd.f32 v9, v14  }
0x194: {  	[tilespmem:s9+$0x1BAD0] =	vst v11;
	v10 =	vmax.f32 v10, $0.0e+00;
	v8 =	vadd.f32 v8, v13  }
0x195: {  	[tilespmem:s9+$0x1BAE0] =	vst v10;
	v9 =	vmax.f32 v9, $0.0e+00;
	v7 =	vadd.f32 v7, v12  }
0x196: {  	[tilespmem:s9+$0x1BAF0] =	vst v9;
	v8 =	vmax.f32 v8, $0.0e+00;
	v6 =	vadd.f32 v6, v16  }
0x197: {  	[tilespmem:s9+$0x1BB00] =	vst v8;
	v7 =	vmax.f32 v7, $0.0e+00  }
0x198: {  	[tilespmem:s9+$0x1BB10] =	vst v7;
	v6 =	vmax.f32 v6, $0.0e+00  }
0x199: {  	[tilespmem:s9+$0x1BB20] =	vst v6  }
0x19a: {  	[spmem:s4] =	stream.indirect.scatter.add.f32 [tilespmem:s23], [sflag:$0x5], $0x80, s13, s26, $0x2000b8;
	[tilespmem:$0x1FF30] =	vst v63  }
0x19b: {  	_ =	swait.ge [sflag:s24], $0x1000  }
0x19c: {  	[sflag:s24] =	ssyncset.done $0x0  }
0x19d: {  	[sflag:s24] =	ssyncadd.s32 $0xFFFFF000  }
0x19e: {  	[spmem:s5] =	stream.indirect.scatter.add.f32 [tilespmem:s14], [sflag:$0x5], $0x10, s13, s26, $0x2000b8;
	[tilespmem:$0x1FF30] =	vst v63  }
0x19f: {  	_ =	swait.ge [sflag:s24], $0x200  }
0x1a0: {  	[sflag:s24] =	ssyncset.done $0x0  }
0x1a1: {  	[sflag:s24] =	ssyncadd.s32 $0xFFFFFE00  }
0x1a2: {  	_ =	swait.ge [sflag:s30], $0x1000  }
0x1a3: {  	s6 =	sadd.s32 $0x1, s6;
	[sflag:s30] =	ssyncset.done $0x0  }
0x1a4: {  	p1 =	sge.s32 s6, s11;
	[sflag:s30] =	ssyncadd.s32 $0xFFFFF000  }
0x1a5: {  	s1 =	sadd.s32 @!p1 $0x40, s1;
	_ =	swait.ge [sflag:s30], $0x1000  }
0x1a6: {  	s12 =	simm.s32 @!p1 $0x20;
	s1 =	sand.u32 @!p1 $0x7E0, s1;
	[sflag:s30] =	ssyncset.done $0x0  }
0x1a7: {  	s15 =	simm.s32 @!p1 $0x1BAB0;
	s9 =	sadd.s32 @!p1 $0x17790, s1;
	[sflag:s30] =	ssyncadd.s32 $0xFFFFF000  }
0x1a8: {  	[tilespmem:s15], [sflag:$0x1] =	stream.indirect.gather @!p1 [hbm4b:s7+s12], $0x80, s9, s12, $0x2000b8;
	[tilespmem:$0x1FF30] =	vst v63  }
0x1a9: {  	s9 =	sadd.s32 @!p1 $0x18790, s1;
	s15 =	simm.s32 @!p1 $0x1DAB0  }
0x1aa: {  	[tilespmem:s15], [sflag:$0x1] =	stream.indirect.gather @!p1 [hbm4b:s8+s12], $0x80, s9, s12, $0x2000b8;
	[tilespmem:$0x1FF30] =	vst v63  }
0x1ab: {  	v6 =	vld @!p1 [tilespmem:s1+$0x17F90];
	_ =	sdelay $0x4  }
0x1ac: {  	[tilespmem:$0x1FEB0] =	vst @!p1 v6  }
0x1ad: {  	v6 =	vld @!p1 [tilespmem:s1+$0x17FA0];
	_ =	sdelay $0x4  }
0x1ae: {  	s1 =	simm.s32 $0x0;
	[tilespmem:$0x1FEC0] =	vst @!p1 v6  }
0x1af: {  	v12 =	vld [tilespmem:s1+$0x1EAB0]  }
0x1b0: {  	v17 =	vld [tilespmem:s1+$0x1EAC0]  }
0x1b1: {  	v11 =	vld [tilespmem:s1+$0x1EAD0]  }
0x1b2: {  	v10 =	vld [tilespmem:s1+$0x1EAE0]  }
0x1b3: {  	v9 =	vld [tilespmem:s1+$0x1EAF0]  }
0x1b4: {  	v8 =	vld [tilespmem:s1+$0x1EB00]  }
0x1b5: {  	v7 =	vld [tilespmem:s1+$0x1EB10]  }
0x1b6: {  	v6 =	vld [tilespmem:s1+$0x1EB20]  }
0x1b7: {  	v18 =	vld [tilespmem:s1+$0x1CAB0]  }
0x1b8: {  	v19 =	vld [tilespmem:s1+$0x1CAC0]  }
0x1b9: {  	v16 =	vld [tilespmem:s1+$0x1CAD0]  }
0x1ba: {  	v15 =	vld [tilespmem:s1+$0x1CAE0]  }
0x1bb: {  	v14 =	vld [tilespmem:s1+$0x1CAF0]  }
0x1bc: {  	v13 =	vld [tilespmem:s1+$0x1CB00];
	v18 =	vadd.f32 v12, v18  }
0x1bd: {  	s9 =	simm.s32 $0x200;
	v17 =	vadd.f32 v17, v19;
	v12 =	vld [tilespmem:s1+$0x1CB10]  }
.LBB2_24:
0x1be: {  	s12 =	sshra.s32 s9, $0x2;
	p1 =	sne.s32 s9, $0x3E00;
	v18 =	vmax.f32 v18, $0.0e+00;
	v11 =	vadd.f32 v11, v16;
	v16 =	vld [tilespmem:s1+$0x1CB20]  }
0x1bf: {  	v19 =	vld [tilespmem:s12+$0x1EAB0];
	[tilespmem:s1+$0x1CAB0] =	vst v18;
	v17 =	vmax.f32 v17, $0.0e+00;
	v10 =	vadd.f32 v10, v15  }
0x1c0: {  	v20 =	vld [tilespmem:s12+$0x1EAC0];
	[tilespmem:s1+$0x1CAC0] =	vst v17;
	v15 =	vmax.f32 v11, $0.0e+00;
	v9 =	vadd.f32 v9, v14  }
0x1c1: {  	v11 =	vld [tilespmem:s12+$0x1EAD0];
	[tilespmem:s1+$0x1CAD0] =	vst v15;
	v14 =	vmax.f32 v10, $0.0e+00;
	v8 =	vadd.f32 v8, v13  }
0x1c2: {  	v10 =	vld [tilespmem:s12+$0x1EAE0];
	[tilespmem:s1+$0x1CAE0] =	vst v14;
	v13 =	vmax.f32 v9, $0.0e+00;
	v7 =	vadd.f32 v7, v12  }
0x1c3: {  	v9 =	vld [tilespmem:s12+$0x1EAF0];
	[tilespmem:s1+$0x1CAF0] =	vst v13;
	v12 =	vmax.f32 v8, $0.0e+00;
	v6 =	vadd.f32 v6, v16  }
0x1c4: {  	v8 =	vld [tilespmem:s12+$0x1EB00];
	[tilespmem:s1+$0x1CB00] =	vst v12;
	v12 =	vmax.f32 v7, $0.0e+00  }
0x1c5: {  	v7 =	vld [tilespmem:s12+$0x1EB10];
	[tilespmem:s1+$0x1CB10] =	vst v12;
	v12 =	vmax.f32 v6, $0.0e+00  }
0x1c6: {  	v6 =	vld [tilespmem:s12+$0x1EB20];
	[tilespmem:s1+$0x1CB20] =	vst v12;
	s1 =	smov.u32 s12  }
0x1c7: {  	v12 =	vld [tilespmem:s1+$0x1CAB0]  }
0x1c8: {  	v17 =	vld [tilespmem:s1+$0x1CAC0]  }
.Ltmp18:
0x1c9: {  	v16 =	vld [tilespmem:s1+$0x1CAD0];
	(pc) =	sbr.rel @p1 .LBB2_24-.Ltmp18, $4  }
0x1ca: {  	v15 =	vld [tilespmem:s1+$0x1CAE0]  }
0x1cb: {  	v14 =	vld [tilespmem:s1+$0x1CAF0]  }
0x1cc: {  	v18 =	vadd.f32 v19, v12;
	v13 =	vld [tilespmem:s1+$0x1CB00]  }
0x1cd: {  	s9 =	sadd.s32 $0x200, s9;
	v17 =	vadd.f32 v20, v17;
	v12 =	vld [tilespmem:s1+$0x1CB10]  }
0x1ce: {  	v18 =	vmax.f32 v18, $0.0e+00;
	v11 =	vadd.f32 v11, v16;
	v63 =	vld [tilespmem:s1+$0x1CB20]  }
0x1cf: {  	[tilespmem:s1+$0x1CAB0] =	vst v18;
	v17 =	vmax.f32 v17, $0.0e+00;
	v10 =	vadd.f32 v10, v15  }
0x1d0: {  	[tilespmem:s1+$0x1CAC0] =	vst v17;
	v11 =	vmax.f32 v11, $0.0e+00;
	v9 =	vadd.f32 v9, v14  }
0x1d1: {  	[tilespmem:s1+$0x1CAD0] =	vst v11;
	v10 =	vmax.f32 v10, $0.0e+00;
	v8 =	vadd.f32 v8, v13  }
0x1d2: {  	[tilespmem:s1+$0x1CAE0] =	vst v10;
	v9 =	vmax.f32 v9, $0.0e+00;
	v7 =	vadd.f32 v7, v12  }
0x1d3: {  	[tilespmem:s1+$0x1CAF0] =	vst v9;
	v8 =	vmax.f32 v8, $0.0e+00;
	v6 =	vadd.f32 v6, v63  }
0x1d4: {  	[tilespmem:s1+$0x1CB00] =	vst v8;
	v7 =	vmax.f32 v7, $0.0e+00  }
0x1d5: {  	[tilespmem:s1+$0x1CB10] =	vst v7;
	v6 =	vmax.f32 v6, $0.0e+00  }
0x1d6: {  	[tilespmem:s1+$0x1CB20] =	vst v6  }
0x1d7: {  	[spmem:s4] =	stream.indirect.scatter.add.f32 [tilespmem:s16], [sflag:$0x5], $0x80, s19, s26, $0x2000b8;
	[tilespmem:$0x1FF30] =	vst v63  }
0x1d8: {  	_ =	swait.ge [sflag:s24], $0x1000  }
0x1d9: {  	[sflag:s24] =	ssyncset.done $0x0  }
0x1da: {  	p1 =	sne.s32 s6, s11;
	[sflag:s24] =	ssyncadd.s32 $0xFFFFF000  }
0x1db: {  	[spmem:s5] =	stream.indirect.scatter.add.f32 [tilespmem:s14], [sflag:$0x5], $0x10, s19, s26, $0x2000b8;
	[tilespmem:$0x1FF30] =	vst v63  }
.Ltmp19:
0x1dc: {  	_ = 	snop;
	(pc) =	sbr.rel @p1 .LBB2_21-.Ltmp19, $4  }
.Ltmp20:
0x1dd: {  	_ = 	snop;
	(pc) =	sbr.rel @!p1 .LBB2_26-.Ltmp20, $4  }
0x1de: {  	_ =	swait.ge [sflag:s24], $0x200  }
0x1df: {  	[sflag:s24] =	ssyncset.done $0x0  }
0x1e0: {  	[sflag:s24] =	ssyncadd.s32 $0xFFFFFE00  }
0x1e1: {  	_ = 	snop  }
.LBB2_27:
0x1e2: {  	_ =	sfence.sel $0x180000  }
0x1e3: {  	[bflag:$0x0] =	sbarrier.arrive $0xFFFF  }
0x1e4: {  	_ =	strace $0x90000047  }
0x1e5: {  	s0 =	stileid.u32;
	[bflag:$0x2] =	sbarrier.arrive $0xFFFF  }
0x1e6: {  	p0 =	sne.s32 s0, $0x0;
	s0 =	rddreg [dreg:$0x7]  }
0x1e7: {  	s0 =	sadd.s32 @!p0 $0x100000, s0  }
0x1e8: {  	[sflag:s0] =	ssyncadd.tile.s32 @!p0 $0x1;
	_ =	shalt  }
.Lfunc_end2:
_tile_overlayer_lowered:
.L_overlay_start_2:
0x1e9: {  	(tag) =	ssettag $0x2  }
0x1ea: {  	s0 =	rddreg [dreg:$0x0];
	s2 =	stileid.u32  }
0x1eb: {  	s1 =	rddreg [dreg:$0x1];
	p0 =	sne.s32 s2, $0x0  }
0x1ec: {  	s3 =	rddreg [dreg:$0x2];
	[bflag:$0x3] =	sbarrier.arrive $0xFFFF;
	s2 =	simm.s32 @!p0 $0x1C05  }
0x1ed: {  	[timem:s3], [sflag:s2] =	dma.local @!p0 [hbm:s0], s1  }
0x1ee: {  	s0 =	simm.s32 @!p0 $0x5  }
0x1ef: {  	_ =	swait.ge @!p0 [sflag:s0], s1  }
0x1f0: {  	s1 =	ssub.s32 @!p0 $0x0, s1;
	[sflag:s0] =	ssyncset.done @!p0 $0x0  }
0x1f1: {  	[sflag:s0] =	ssyncadd.s32 @!p0 s1  }
0x1f2: {  	[bflag:$0x3] =	sbarrier.arrive $0xFFFF  }
0x1f3: {  	_ =	shalt  }

</sc_bundles>
